<compile_context>
chip_gen: v7x
topology: tpu7x:2x2x1
jax: 0.10.2.dev20260603
libtpu: 0.0.44.dev20260713+nightly
codegen_flags: <defaults>
</compile_context>

<pallas_src>
import functools

import jax
import jax.numpy as jnp
from jax import lax
from jax.experimental import pallas as pl
from jax.experimental.pallas import tpu as pltpu
from jax.experimental.pallas import tpu_sc as plsc

B, Q, C, T = 64, 4096, 16, 512
BG = 15
W_CLASS, W_DIR, W_RAD = 1.0, 5.0, 2.0

N_ITEMS = B * T
NW = 32
N_PER_W = N_ITEMS // NW
LG = N_PER_W // 16
IDX_CHUNK = 128


_TC_ROWS = 4096
_TC_GRID = (B * Q * C) // (_TC_ROWS * 128)


def _bg_focal_body(x_ref, out_ref):
    i = pl.program_id(0)

    @pl.when(i == 0)
    def _init():
        out_ref[...] = jnp.zeros((1024, 128), jnp.float32)

    x = x_ref[...]
    ax = jnp.abs(x)
    e = jnp.exp(-ax)
    u = 1.0 + e
    r = 1.0 / u
    p = jnp.where(x >= 0, r, e * r)
    sp = jnp.maximum(x, 0.0) + jnp.log(u)
    t0 = p * p * sp
    q1 = 1.0 - p
    t1 = q1 * q1 * (sp - x)
    out_ref[pl.ds(0, 512), :] += jnp.sum(t0.reshape(8, 512, 128), axis=0)
    out_ref[pl.ds(512, 512), :] += jnp.sum(t1.reshape(8, 512, 128), axis=0)


def _bg_focal_fold(class_native):
    return pl.pallas_call(
        _bg_focal_body,
        grid=(_TC_GRID,),
        in_specs=[pl.BlockSpec((_TC_ROWS, 128), lambda i: (i, 0))],
        out_specs=pl.BlockSpec((1024, 128), lambda i: (0, 0)),
        out_shape=jax.ShapeDtypeStruct((1024, 128), jnp.float32),
    )(class_native)




def _f_pair(x):
    ax = jnp.abs(x)
    e = jnp.exp(-ax)
    s = e / (2.0 + e)
    s2 = s * s
    l1p = 2.0 * s * (1.0 + s2 * (1.0 / 3.0 + s2 * (0.2 + s2 * (1.0 / 7.0))))
    sp_pos = jnp.maximum(x, 0.0) + l1p
    sp_neg = sp_pos - x
    p = jnp.where(x >= 0, 1.0, e) / (1.0 + e)
    q1 = 1.0 - p
    return p * p * sp_pos, q1 * q1 * sp_neg


def _sc_body(cls_hbm, dir_hbm, rad_hbm, fw_hbm, src_hbm, lbl_hbm,
             tdir_hbm, trad_hbm, out_hbm,
             src_v, lbl_v, icls_v, idir_v, irad_v,
             xl_v, x15_v, dirg_v, rad_v, tdir_v, trad_v,
             fw_v, acc_v, sem):
    wid = lax.axis_index("s") * 2 + lax.axis_index("c")

    bt = wid // 4
    bs0 = (2 * wid) % 8
    stage = []
    for i01 in range(2):
        for tt in range(4):
            src_off = bt * 4096 + tt * 1024 + (bs0 + i01) * 128
            dst = pl.ds(i01 * 512 + tt * 128, 128)
            run = pl.ds(src_off, 128)
            stage.append(pltpu.async_copy(src_hbm.at[run], src_v.at[dst], sem))
            stage.append(pltpu.async_copy(lbl_hbm.at[run], lbl_v.at[dst], sem))
            stage.append(pltpu.async_copy(trad_hbm.at[run], trad_v.at[dst],
                                          sem))
            for c in range(3):
                stage.append(pltpu.async_copy(
                    tdir_hbm.at[pl.ds(c * N_ITEMS + src_off, 128)],
                    tdir_v.at[pl.ds(c * N_PER_W + i01 * 512 + tt * 128, 128)],
                    sem))
    pltpu.sync_copy(fw_hbm, fw_v)
    for cp in stage:
        cp.wait()

    def _idx_step(j, _):
        q16 = src_v[pl.ds(j * 16, 16)]
        l16 = lbl_v[pl.ds(j * 16, 16)]
        b = 2 * wid + jnp.where(j >= (T // 16), 1, 0)
        qhi = (q16 >> 7) << 10
        qlo = q16 & 127
        cls_base = b * 65536 + qhi + qlo
        icls_v[pl.ds(j * 16, 16)] = cls_base + ((l16 >> 3) << 15) \
            + ((l16 & 7) << 7)
        icls_v[pl.ds(N_PER_W + j * 16, 16)] = cls_base + 32768 + 7 * 128
        dir_base = ((b >> 3) << 15) + ((b & 7) << 7) + qhi + qlo
        idir_v[pl.ds(j * 16, 16)] = dir_base
        idir_v[pl.ds(N_PER_W + j * 16, 16)] = dir_base + 262144
        idir_v[pl.ds(2 * N_PER_W + j * 16, 16)] = dir_base + 2 * 262144
        irad_v[pl.ds(j * 16, 16)] = b * 4096 + q16
        return 0

    lax.fori_loop(0, LG, _idx_step, 0)

    copies = []

    def _gather(tab, iv, off, dv, n):
        for c in range(n // IDX_CHUNK):
            si = pl.ds(off + c * IDX_CHUNK, IDX_CHUNK)
            sd = pl.ds(c * IDX_CHUNK, IDX_CHUNK)
            copies.append(pltpu.async_copy(tab.at[iv.at[si]], dv.at[sd], sem))

    _gather(cls_hbm, icls_v, 0, xl_v, N_PER_W)
    _gather(cls_hbm, icls_v, N_PER_W, x15_v, N_PER_W)
    _gather(dir_hbm, idir_v, 0, dirg_v, 3 * N_PER_W)
    _gather(rad_hbm, irad_v, 0, rad_v, N_PER_W)
    for cp in copies:
        cp.wait()

    k15 = jnp.full((16,), BG, jnp.int32)
    w15 = plsc.load_gather(fw_v, [k15])

    def _step(j, carry):
        a_corr, a_dir, a_rad = carry
        lbl16 = lbl_v[pl.ds(j * 16, 16)]
        xl = xl_v[pl.ds(j * 16, 16)]
        x15 = x15_v[pl.ds(j * 16, 16)]
        wl = plsc.load_gather(fw_v, [lbl16])
        f0l, f1l = _f_pair(xl)
        f015, f115 = _f_pair(x15)
        a_corr = a_corr + wl * (0.25 * f1l - 0.75 * f0l) \
            + w15 * (0.75 * f015 - 0.25 * f115)
        for c in range(3):
            dk = dirg_v[pl.ds(c * N_PER_W + j * 16, 16)]
            tk = tdir_v[pl.ds(c * N_PER_W + j * 16, 16)]
            a_dir = a_dir + jnp.abs(dk - tk)
        r16 = rad_v[pl.ds(j * 16, 16)]
        tr16 = trad_v[pl.ds(j * 16, 16)]
        a_rad = a_rad + jnp.abs(r16 - tr16)
        return a_corr, a_dir, a_rad

    z = jnp.zeros((16,), jnp.float32)
    a_corr, a_dir, a_rad = lax.fori_loop(0, LG, _step, (z, z, z))

    acc_v[pl.ds(0, 16)] = a_corr
    acc_v[pl.ds(16, 16)] = a_dir
    acc_v[pl.ds(32, 16)] = a_rad
    pltpu.sync_copy(acc_v, out_hbm.at[wid])


def _sc_partials(cls_flat, dir_flat, rad_flat, fw, srcf, lblf, tdirf, tradf):
    mesh = plsc.VectorSubcoreMesh(core_axis_name="c", subcore_axis_name="s",
                                  num_cores=2, num_subcores=16)
    fn = pl.kernel(
        _sc_body,
        out_type=jax.ShapeDtypeStruct((NW, 48), jnp.float32),
        mesh=mesh,
        compiler_params=pltpu.CompilerParams(
            needs_layout_passes=False, use_tc_tiling_on_sc=False),
        scratch_types=[
            pltpu.VMEM((N_PER_W,), jnp.int32),
            pltpu.VMEM((N_PER_W,), jnp.int32),
            pltpu.VMEM((2 * N_PER_W,), jnp.int32),
            pltpu.VMEM((3 * N_PER_W,), jnp.int32),
            pltpu.VMEM((N_PER_W,), jnp.int32),
            pltpu.VMEM((N_PER_W,), jnp.float32),
            pltpu.VMEM((N_PER_W,), jnp.float32),
            pltpu.VMEM((3 * N_PER_W,), jnp.float32),
            pltpu.VMEM((N_PER_W,), jnp.float32),
            pltpu.VMEM((3 * N_PER_W,), jnp.float32),
            pltpu.VMEM((N_PER_W,), jnp.float32),
            pltpu.VMEM((16,), jnp.float32),
            pltpu.VMEM((48,), jnp.float32),
            pltpu.SemaphoreType.DMA,
        ],
    )
    return fn(cls_flat, dir_flat, rad_flat, fw, srcf, lblf, tdirf, tradf)




def kernel(class_logits, direc_logits, radius_logits, focal_weights,
           target_directions, target_radii, src_idx, target_labels):
    fw = focal_weights.astype(jnp.float32)

    cls_native = (class_logits.reshape(B, 32, 128, 2, 8)
                  .transpose(0, 3, 1, 4, 2).reshape(B * Q * C // 128, 128))
    dir_native = (direc_logits.reshape(8, 8, 32, 128, 3)
                  .transpose(4, 0, 2, 1, 3).reshape(B * Q * 3))
    rad_native = radius_logits.reshape(B * Q)

    fold = _bg_focal_fold(cls_native)

    def _item_native(a):
        return (a.reshape(8, 8, 4, 128).transpose(0, 2, 1, 3)
                .reshape(N_ITEMS))

    partials = _sc_partials(
        cls_native.reshape(B * Q * C),
        dir_native,
        rad_native,
        fw,
        _item_native(src_idx.astype(jnp.int32)),
        _item_native(target_labels.astype(jnp.int32)),
        (target_directions.reshape(8, 8, 4, 128, 3)
         .transpose(4, 0, 2, 1, 3).reshape(3 * N_ITEMS)),
        _item_native(target_radii),
    )
    s_corr = jnp.sum(partials[:, :16])
    s_dir = jnp.sum(partials[:, 16:32])
    s_rad = jnp.sum(partials[:, 32:48])

    w2 = fw.reshape(2, 8)
    c0 = 0.75 * w2.at[1, 7].set(0.0)
    c1 = jnp.zeros((2, 8)).at[1, 7].set(0.25 * fw[BG])
    coeff = jnp.concatenate([
        jnp.broadcast_to(c0[:, None, :], (2, 32, 8)).reshape(512),
        jnp.broadcast_to(c1[:, None, :], (2, 32, 8)).reshape(512)])
    s_bg = jnp.sum(fold * coeff[:, None])

    num_vessels = float(B * T)
    loss_class = (s_bg + s_corr) / (Q * num_vessels)
    return (W_CLASS * loss_class + W_DIR * s_dir / num_vessels
            + W_RAD * s_rad / num_vessels)

# --- scband reference (transcript-rebuilt; emitter-appended) ---
"""Pipeline reference for scband-set-criterion-30116310680275 (READ-ONLY COPY).

The authoritative reference and input builder live on the scoring server;
editing this copy changes nothing except your own understanding.
"""

import jax, jax.numpy as jnp
import numpy as np

B, Q, C, T = 64, 4096, 16, 512
NUM_CLASSES = 15  # background class index == NUM_CLASSES
W_CLASS, W_DIR, W_RAD = 1.0, 5.0, 2.0


def setup_inputs(seed: int = 0) -> dict:
    key = jax.random.key(seed)
    ks = jax.random.split(key, 8)
    class_logits = jax.random.normal(ks[0], (B, Q, C), dtype=jnp.float32)
    direc_logits = jax.random.normal(ks[1], (B, Q, 3), dtype=jnp.float32)
    radius_logits = jax.random.normal(ks[2], (B, Q, 1), dtype=jnp.float32)
    focal_weights = jax.random.uniform(ks[3], (C,), dtype=jnp.float32)
    target_directions = jax.random.normal(ks[4], (B, T, 3), dtype=jnp.float32)
    target_radii = jax.random.uniform(ks[5], (B, T), dtype=jnp.float32)
    src_idx = jax.random.randint(ks[6], (B, T), 0, Q)
    target_labels = jax.random.randint(ks[7], (B, T), 0, NUM_CLASSES)
    return {
        'class_logits': class_logits,
        'direc_logits': direc_logits,
        'radius_logits': radius_logits,
        'focal_weights': focal_weights,
        'target_directions': target_directions,
        'target_radii': target_radii,
        'src_idx': src_idx,
        'target_labels': target_labels,
    }


def _criterion(class_logits, direc_logits, radius_logits, focal_weights,
               target_directions, target_radii, src_idx, target_labels):
    num_vessels = float(B * T)
    batch_idx = jnp.arange(B)[:, None]

    # ---- loss_labels_focal ----
    target_classes = jnp.full((B, Q), NUM_CLASSES, dtype=jnp.int32)
    target_classes = target_classes.at[batch_idx, src_idx].set(target_labels.astype(jnp.int32))
    t = jax.nn.one_hot(target_classes, C, dtype=class_logits.dtype)  # scatter_(2, ..., 1)
    x = class_logits
    prob = jax.nn.sigmoid(x)
    # numerically stable binary_cross_entropy_with_logits
    ce = jnp.maximum(x, 0.0) - x * t + jnp.log1p(jnp.exp(-jnp.abs(x)))
    p_t = prob * t + (1.0 - prob) * (1.0 - t)
    gamma = 2.0
    loss = ce * (1.0 - p_t) ** gamma
    alpha = 0.25
    alpha_t = alpha * t + (1.0 - alpha) * (1.0 - t)
    loss = alpha_t * loss
    loss = loss * focal_weights[None, None, :]
    loss_class = loss.mean(axis=1).sum() / num_vessels

    # ---- loss_cardinality (no grad) ----
    card_pred = (jnp.argmax(class_logits, axis=-1) != (C - 1)).sum(axis=1).astype(jnp.float32)
    tgt_lengths = jnp.full((B,), float(T), dtype=jnp.float32)
    cardinality_error = jax.lax.stop_gradient(jnp.mean(jnp.abs(card_pred - tgt_lengths)))

    # ---- loss_direction ----
    src_direc = direc_logits[batch_idx, src_idx]  # [B, T, 3]
    loss_direction = jnp.abs(src_direc - target_directions).sum() / num_vessels

    # ---- loss_radius ----
    src_radii = radius_logits[batch_idx, src_idx]  # [B, T, 1]
    loss_radius = jnp.abs(src_radii - target_radii[..., None]).sum() / num_vessels

    total = (W_CLASS * loss_class + W_DIR * loss_direction + W_RAD * loss_radius
             + 0.0 * cardinality_error)
    return total


def reference(class_logits, direc_logits, radius_logits, focal_weights,
              target_directions, target_radii, src_idx, target_labels):
    return _criterion(class_logits, direc_logits, radius_logits, focal_weights,
                      target_directions, target_radii, src_idx, target_labels)

if __name__ == "__main__":
    import jax
    _d = setup_inputs()
    print(jax.jit(kernel)(*tuple(_d.values())))

</pallas_src>

<mosaic_0001>
#map = affine_map<(d0, d1) -> (0)>
#map1 = affine_map<(d0, d1) -> (0, 0)>
module attributes {stable_mosaic.version = 14 : i64} {
  func.func @_sc_body(%arg0: i32, %arg1: i32, %arg2: memref<4194304xf32, #tpu.memory_space<hbm>>, %arg3: memref<786432xf32, #tpu.memory_space<hbm>>, %arg4: memref<262144xf32, #tpu.memory_space<hbm>>, %arg5: memref<16xf32, #tpu.memory_space<hbm>>, %arg6: memref<32768xi32, #tpu.memory_space<hbm>>, %arg7: memref<32768xi32, #tpu.memory_space<hbm>>, %arg8: memref<98304xf32, #tpu.memory_space<hbm>>, %arg9: memref<32768xf32, #tpu.memory_space<hbm>>, %arg10: memref<32x48xf32, #tpu.memory_space<hbm>>, %arg11: memref<1024xi32, #tpu.memory_space<vmem>>, %arg12: memref<1024xi32, #tpu.memory_space<vmem>>, %arg13: memref<2048xi32, #tpu.memory_space<vmem>>, %arg14: memref<3072xi32, #tpu.memory_space<vmem>>, %arg15: memref<1024xi32, #tpu.memory_space<vmem>>, %arg16: memref<1024xf32, #tpu.memory_space<vmem>>, %arg17: memref<1024xf32, #tpu.memory_space<vmem>>, %arg18: memref<3072xf32, #tpu.memory_space<vmem>>, %arg19: memref<1024xf32, #tpu.memory_space<vmem>>, %arg20: memref<3072xf32, #tpu.memory_space<vmem>>, %arg21: memref<1024xf32, #tpu.memory_space<vmem>>, %arg22: memref<16xf32, #tpu.memory_space<vmem>>, %arg23: memref<48xf32, #tpu.memory_space<vmem>>, %arg24: memref<!tpu.dma_semaphore, #tpu.memory_space<semaphore_mem>>) attributes {dimension_semantics = [#tpu.dimension_semantics<core_parallel>, #tpu.dimension_semantics<subcore_parallel>], iteration_bounds = array<i64: 2, 16>, scalar_prefetch = 0 : i64, scratch_operands = 14 : i64, tpu.core_type = #tpu.core_type<sc_vector_subcore>, window_params = [{transform_indices = #map}, {transform_indices = #map}, {transform_indices = #map}, {transform_indices = #map}, {transform_indices = #map}, {transform_indices = #map}, {transform_indices = #map}, {transform_indices = #map}, {transform_indices = #map1}]} {
    %mul3A = arith.constant 2 : i32
    %mul3A_0 = arith.muli %arg1, %mul3A : i32
    %add3A = arith.addi %mul3A_0, %arg0 : i32
    %jit3A = arith.constant 4 : i32
    %div3A = arith.divsi %add3A, %jit3A : i32
    %sign3A = arith.constant 0 : i32
    %sign3A_1 = arith.cmpi sgt, %add3A, %sign3A : i32
    %sign3A_2 = arith.extui %sign3A_1 : i1 to i32
    %sign3A_3 = arith.constant 0 : i32
    %sign3A_4 = arith.cmpi slt, %add3A, %sign3A_3 : i32
    %sign3A_5 = arith.extui %sign3A_4 : i1 to i32
    %sign3A_6 = arith.subi %sign3A_2, %sign3A_5 : i32
    %sign3A_7 = arith.constant 0 : i32
    %sign3A_8 = arith.cmpi sgt, %jit3A, %sign3A_7 : i32
    %sign3A_9 = arith.extui %sign3A_8 : i1 to i32
    %sign3A_10 = arith.constant 0 : i32
    %sign3A_11 = arith.cmpi slt, %jit3A, %sign3A_10 : i32
    %sign3A_12 = arith.extui %sign3A_11 : i1 to i32
    %sign3A_13 = arith.subi %sign3A_9, %sign3A_12 : i32
    %ne3A = arith.cmpi ne, %sign3A_6, %sign3A_13 : i32
    %rem3A = arith.remsi %add3A, %jit3A : i32
    %ne3A_14 = arith.constant 0 : i32
    %ne3A_15 = arith.cmpi ne, %rem3A, %ne3A_14 : i32
    %and3A = arith.andi %ne3A, %ne3A_15 : i1
    %sub3A = arith.constant 1 : i32
    %sub3A_16 = arith.subi %div3A, %sub3A : i32
    %select_n3A = arith.select %and3A, %sub3A_16, %div3A : i32
    %mul3A_17 = arith.constant 2 : i32
    %mul3A_18 = arith.muli %mul3A_17, %add3A : i32
    %jit3A_19 = arith.constant 8 : i32
    %eq3A = arith.constant 0 : i32
    %eq3A_20 = arith.cmpi eq, %jit3A_19, %eq3A : i32
    %jit3A_21 = arith.constant 1 : i32
    %select_n3A_22 = arith.select %eq3A_20, %jit3A_21, %jit3A_19 : i32
    %rem3A_23 = arith.remsi %mul3A_18, %select_n3A_22 : i32
    %ne3A_24 = arith.constant 0 : i32
    %ne3A_25 = arith.cmpi ne, %rem3A_23, %ne3A_24 : i32
    %lt3A = arith.constant 0 : i32
    %lt3A_26 = arith.cmpi slt, %rem3A_23, %lt3A : i32
    %lt3A_27 = arith.constant 0 : i32
    %lt3A_28 = arith.cmpi slt, %select_n3A_22, %lt3A_27 : i32
    %ne3A_29 = arith.xori %lt3A_26, %lt3A_28 : i1
    %and3A_30 = arith.andi %ne3A_29, %ne3A_25 : i1
    %add3A_31 = arith.addi %rem3A_23, %select_n3A_22 : i32
    %select_n3A_32 = arith.select %and3A_30, %add3A_31, %rem3A_23 : i32
    %mul3A_33 = arith.constant 4096 : i32
    %mul3A_34 = arith.muli %select_n3A, %mul3A_33 : i32
    %add3A_35 = arith.constant 0 : i32
    %add3A_36 = arith.addi %mul3A_34, %add3A_35 : i32
    %add3A_37 = arith.constant 0 : i32
    %add3A_38 = arith.addi %select_n3A_32, %add3A_37 : i32
    %mul3A_39 = arith.constant 128 : i32
    %mul3A_40 = arith.muli %add3A_38, %mul3A_39 : i32
    %add3A_41 = arith.addi %add3A_36, %mul3A_40 : i32
    %dma_start3A = arith.constant 0 : i32
    %dma_start3A_42 = tpu.memref_slice %arg11[%dma_start3A] : memref<1024xi32, #tpu.memory_space<vmem>> -> memref<128xi32, #tpu.memory_space<vmem>>
    %dma_start3A_43 = tpu.memref_slice %arg6[%add3A_41] : memref<32768xi32, #tpu.memory_space<hbm>> -> memref<128xi32, #tpu.memory_space<hbm>>
    %dma_start3A_44 = arith.constant 0 : i32
    %dma_start3A_45 = tpu.memref_slice %arg11[%dma_start3A_44] : memref<1024xi32, #tpu.memory_space<vmem>> -> memref<128xi32, #tpu.memory_space<vmem>>
    %dma_start3A_46 = tpu.memref_slice %arg6[%add3A_41] : memref<32768xi32, #tpu.memory_space<hbm>> -> memref<128xi32, #tpu.memory_space<hbm>>
    tpu.enqueue_dma source(%dma_start3A_46 : memref<128xi32, #tpu.memory_space<hbm>>) target(%dma_start3A_45 : memref<128xi32, #tpu.memory_space<vmem>>) target_semaphore(%arg24 : memref<!tpu.dma_semaphore, #tpu.memory_space<semaphore_mem>>)
    %dma_start3A_47 = arith.constant 0 : i32
    %dma_start3A_48 = tpu.memref_slice %arg12[%dma_start3A_47] : memref<1024xi32, #tpu.memory_space<vmem>> -> memref<128xi32, #tpu.memory_space<vmem>>
    %dma_start3A_49 = tpu.memref_slice %arg7[%add3A_41] : memref<32768xi32, #tpu.memory_space<hbm>> -> memref<128xi32, #tpu.memory_space<hbm>>
    %dma_start3A_50 = arith.constant 0 : i32
    %dma_start3A_51 = tpu.memref_slice %arg12[%dma_start3A_50] : memref<1024xi32, #tpu.memory_space<vmem>> -> memref<128xi32, #tpu.memory_space<vmem>>
    %dma_start3A_52 = tpu.memref_slice %arg7[%add3A_41] : memref<32768xi32, #tpu.memory_space<hbm>> -> memref<128xi32, #tpu.memory_space<hbm>>
    tpu.enqueue_dma source(%dma_start3A_52 : memref<128xi32, #tpu.memory_space<hbm>>) target(%dma_start3A_51 : memref<128xi32, #tpu.memory_space<vmem>>) target_semaphore(%arg24 : memref<!tpu.dma_semaphore, #tpu.memory_space<semaphore_mem>>)
    %dma_start3A_53 = arith.constant 0 : i32
    %dma_start3A_54 = tpu.memref_slice %arg21[%dma_start3A_53] : memref<1024xf32, #tpu.memory_space<vmem>> -> memref<128xf32, #tpu.memory_space<vmem>>
    %dma_start3A_55 = tpu.memref_slice %arg9[%add3A_41] : memref<32768xf32, #tpu.memory_space<hbm>> -> memref<128xf32, #tpu.memory_space<hbm>>
    %dma_start3A_56 = arith.constant 0 : i32
    %dma_start3A_57 = tpu.memref_slice %arg21[%dma_start3A_56] : memref<1024xf32, #tpu.memory_space<vmem>> -> memref<128xf32, #tpu.memory_space<vmem>>
    %dma_start3A_58 = tpu.memref_slice %arg9[%add3A_41] : memref<32768xf32, #tpu.memory_space<hbm>> -> memref<128xf32, #tpu.memory_space<hbm>>
    tpu.enqueue_dma source(%dma_start3A_58 : memref<128xf32, #tpu.memory_space<hbm>>) target(%dma_start3A_57 : memref<128xf32, #tpu.memory_space<vmem>>) target_semaphore(%arg24 : memref<!tpu.dma_semaphore, #tpu.memory_space<semaphore_mem>>)
    %add3A_59 = arith.constant 0 : i32
    %add3A_60 = arith.addi %add3A_59, %add3A_41 : i32
    %dma_start3A_61 = arith.constant 0 : i32
    %dma_start3A_62 = tpu.memref_slice %arg20[%dma_start3A_61] : memref<3072xf32, #tpu.memory_space<vmem>> -> memref<128xf32, #tpu.memory_space<vmem>>
    %dma_start3A_63 = tpu.memref_slice %arg8[%add3A_60] : memref<98304xf32, #tpu.memory_space<hbm>> -> memref<128xf32, #tpu.memory_space<hbm>>
    %dma_start3A_64 = arith.constant 0 : i32
    %dma_start3A_65 = tpu.memref_slice %arg20[%dma_start3A_64] : memref<3072xf32, #tpu.memory_space<vmem>> -> memref<128xf32, #tpu.memory_space<vmem>>
    %dma_start3A_66 = tpu.memref_slice %arg8[%add3A_60] : memref<98304xf32, #tpu.memory_space<hbm>> -> memref<128xf32, #tpu.memory_space<hbm>>
    tpu.enqueue_dma source(%dma_start3A_66 : memref<128xf32, #tpu.memory_space<hbm>>) target(%dma_start3A_65 : memref<128xf32, #tpu.memory_space<vmem>>) target_semaphore(%arg24 : memref<!tpu.dma_semaphore, #tpu.memory_space<semaphore_mem>>)
    %add3A_67 = arith.constant 32768 : i32
    %add3A_68 = arith.addi %add3A_67, %add3A_41 : i32
    %dma_start3A_69 = arith.constant 1024 : i32
    %dma_start3A_70 = tpu.memref_slice %arg20[%dma_start3A_69] : memref<3072xf32, #tpu.memory_space<vmem>> -> memref<128xf32, #tpu.memory_space<vmem>>
    %dma_start3A_71 = tpu.memref_slice %arg8[%add3A_68] : memref<98304xf32, #tpu.memory_space<hbm>> -> memref<128xf32, #tpu.memory_space<hbm>>
    %dma_start3A_72 = arith.constant 1024 : i32
    %dma_start3A_73 = tpu.memref_slice %arg20[%dma_start3A_72] : memref<3072xf32, #tpu.memory_space<vmem>> -> memref<128xf32, #tpu.memory_space<vmem>>
    %dma_start3A_74 = tpu.memref_slice %arg8[%add3A_68] : memref<98304xf32, #tpu.memory_space<hbm>> -> memref<128xf32, #tpu.memory_space<hbm>>
    tpu.enqueue_dma source(%dma_start3A_74 : memref<128xf32, #tpu.memory_space<hbm>>) target(%dma_start3A_73 : memref<128xf32, #tpu.memory_space<vmem>>) target_semaphore(%arg24 : memref<!tpu.dma_semaphore, #tpu.memory_space<semaphore_mem>>)
    %add3A_75 = arith.constant 65536 : i32
    %add3A_76 = arith.addi %add3A_75, %add3A_41 : i32
    %dma_start3A_77 = arith.constant 2048 : i32
    %dma_start3A_78 = tpu.memref_slice %arg20[%dma_start3A_77] : memref<3072xf32, #tpu.memory_space<vmem>> -> memref<128xf32, #tpu.memory_space<vmem>>
    %dma_start3A_79 = tpu.memref_slice %arg8[%add3A_76] : memref<98304xf32, #tpu.memory_space<hbm>> -> memref<128xf32, #tpu.memory_space<hbm>>
    %dma_start3A_80 = arith.constant 2048 : i32
    %dma_start3A_81 = tpu.memref_slice %arg20[%dma_start3A_80] : memref<3072xf32, #tpu.memory_space<vmem>> -> memref<128xf32, #tpu.memory_space<vmem>>
    %dma_start3A_82 = tpu.memref_slice %arg8[%add3A_76] : memref<98304xf32, #tpu.memory_space<hbm>> -> memref<128xf32, #tpu.memory_space<hbm>>
    tpu.enqueue_dma source(%dma_start3A_82 : memref<128xf32, #tpu.memory_space<hbm>>) target(%dma_start3A_81 : memref<128xf32, #tpu.memory_space<vmem>>) target_semaphore(%arg24 : memref<!tpu.dma_semaphore, #tpu.memory_space<semaphore_mem>>)
    %mul3A_83 = arith.constant 4096 : i32
    %mul3A_84 = arith.muli %select_n3A, %mul3A_83 : i32
    %add3A_85 = arith.constant 1024 : i32
    %add3A_86 = arith.addi %mul3A_84, %add3A_85 : i32
    %add3A_87 = arith.constant 0 : i32
    %add3A_88 = arith.addi %select_n3A_32, %add3A_87 : i32
    %mul3A_89 = arith.constant 128 : i32
    %mul3A_90 = arith.muli %add3A_88, %mul3A_89 : i32
    %add3A_91 = arith.addi %add3A_86, %mul3A_90 : i32
    %dma_start3A_92 = arith.constant 128 : i32
    %dma_start3A_93 = tpu.memref_slice %arg11[%dma_start3A_92] : memref<1024xi32, #tpu.memory_space<vmem>> -> memref<128xi32, #tpu.memory_space<vmem>>
    %dma_start3A_94 = tpu.memref_slice %arg6[%add3A_91] : memref<32768xi32, #tpu.memory_space<hbm>> -> memref<128xi32, #tpu.memory_space<hbm>>
    %dma_start3A_95 = arith.constant 128 : i32
    %dma_start3A_96 = tpu.memref_slice %arg11[%dma_start3A_95] : memref<1024xi32, #tpu.memory_space<vmem>> -> memref<128xi32, #tpu.memory_space<vmem>>
    %dma_start3A_97 = tpu.memref_slice %arg6[%add3A_91] : memref<32768xi32, #tpu.memory_space<hbm>> -> memref<128xi32, #tpu.memory_space<hbm>>
    tpu.enqueue_dma source(%dma_start3A_97 : memref<128xi32, #tpu.memory_space<hbm>>) target(%dma_start3A_96 : memref<128xi32, #tpu.memory_space<vmem>>) target_semaphore(%arg24 : memref<!tpu.dma_semaphore, #tpu.memory_space<semaphore_mem>>)
    %dma_start3A_98 = arith.constant 128 : i32
    %dma_start3A_99 = tpu.memref_slice %arg12[%dma_start3A_98] : memref<1024xi32, #tpu.memory_space<vmem>> -> memref<128xi32, #tpu.memory_space<vmem>>
    %dma_start3A_100 = tpu.memref_slice %arg7[%add3A_91] : memref<32768xi32, #tpu.memory_space<hbm>> -> memref<128xi32, #tpu.memory_space<hbm>>
    %dma_start3A_101 = arith.constant 128 : i32
    %dma_start3A_102 = tpu.memref_slice %arg12[%dma_start3A_101] : memref<1024xi32, #tpu.memory_space<vmem>> -> memref<128xi32, #tpu.memory_space<vmem>>
    %dma_start3A_103 = tpu.memref_slice %arg7[%add3A_91] : memref<32768xi32, #tpu.memory_space<hbm>> -> memref<128xi32, #tpu.memory_space<hbm>>
    tpu.enqueue_dma source(%dma_start3A_103 : memref<128xi32, #tpu.memory_space<hbm>>) target(%dma_start3A_102 : memref<128xi32, #tpu.memory_space<vmem>>) target_semaphore(%arg24 : memref<!tpu.dma_semaphore, #tpu.memory_space<semaphore_mem>>)
    %dma_start3A_104 = arith.constant 128 : i32
    %dma_start3A_105 = tpu.memref_slice %arg21[%dma_start3A_104] : memref<1024xf32, #tpu.memory_space<vmem>> -> memref<128xf32, #tpu.memory_space<vmem>>
    %dma_start3A_106 = tpu.memref_slice %arg9[%add3A_91] : memref<32768xf32, #tpu.memory_space<hbm>> -> memref<128xf32, #tpu.memory_space<hbm>>
    %dma_start3A_107 = arith.constant 128 : i32
    %dma_start3A_108 = tpu.memref_slice %arg21[%dma_start3A_107] : memref<1024xf32, #tpu.memory_space<vmem>> -> memref<128xf32, #tpu.memory_space<vmem>>
    %dma_start3A_109 = tpu.memref_slice %arg9[%add3A_91] : memref<32768xf32, #tpu.memory_space<hbm>> -> memref<128xf32, #tpu.memory_space<hbm>>
    tpu.enqueue_dma source(%dma_start3A_109 : memref<128xf32, #tpu.memory_space<hbm>>) target(%dma_start3A_108 : memref<128xf32, #tpu.memory_space<vmem>>) target_semaphore(%arg24 : memref<!tpu.dma_semaphore, #tpu.memory_space<semaphore_mem>>)
    %add3A_110 = arith.constant 0 : i32
    %add3A_111 = arith.addi %add3A_110, %add3A_91 : i32
    %dma_start3A_112 = arith.constant 128 : i32
    %dma_start3A_113 = tpu.memref_slice %arg20[%dma_start3A_112] : memref<3072xf32, #tpu.memory_space<vmem>> -> memref<128xf32, #tpu.memory_space<vmem>>
    %dma_start3A_114 = tpu.memref_slice %arg8[%add3A_111] : memref<98304xf32, #tpu.memory_space<hbm>> -> memref<128xf32, #tpu.memory_space<hbm>>
    %dma_start3A_115 = arith.constant 128 : i32
    %dma_start3A_116 = tpu.memref_slice %arg20[%dma_start3A_115] : memref<3072xf32, #tpu.memory_space<vmem>> -> memref<128xf32, #tpu.memory_space<vmem>>
    %dma_start3A_117 = tpu.memref_slice %arg8[%add3A_111] : memref<98304xf32, #tpu.memory_space<hbm>> -> memref<128xf32, #tpu.memory_space<hbm>>
    tpu.enqueue_dma source(%dma_start3A_117 : memref<128xf32, #tpu.memory_space<hbm>>) target(%dma_start3A_116 : memref<128xf32, #tpu.memory_space<vmem>>) target_semaphore(%arg24 : memref<!tpu.dma_semaphore, #tpu.memory_space<semaphore_mem>>)
    %add3A_118 = arith.constant 32768 : i32
    %add3A_119 = arith.addi %add3A_118, %add3A_91 : i32
    %dma_start3A_120 = arith.constant 1152 : i32
    %dma_start3A_121 = tpu.memref_slice %arg20[%dma_start3A_120] : memref<3072xf32, #tpu.memory_space<vmem>> -> memref<128xf32, #tpu.memory_space<vmem>>
    %dma_start3A_122 = tpu.memref_slice %arg8[%add3A_119] : memref<98304xf32, #tpu.memory_space<hbm>> -> memref<128xf32, #tpu.memory_space<hbm>>
    %dma_start3A_123 = arith.constant 1152 : i32
    %dma_start3A_124 = tpu.memref_slice %arg20[%dma_start3A_123] : memref<3072xf32, #tpu.memory_space<vmem>> -> memref<128xf32, #tpu.memory_space<vmem>>
    %dma_start3A_125 = tpu.memref_slice %arg8[%add3A_119] : memref<98304xf32, #tpu.memory_space<hbm>> -> memref<128xf32, #tpu.memory_space<hbm>>
    tpu.enqueue_dma source(%dma_start3A_125 : memref<128xf32, #tpu.memory_space<hbm>>) target(%dma_start3A_124 : memref<128xf32, #tpu.memory_space<vmem>>) target_semaphore(%arg24 : memref<!tpu.dma_semaphore, #tpu.memory_space<semaphore_mem>>)
    %add3A_126 = arith.constant 65536 : i32
    %add3A_127 = arith.addi %add3A_126, %add3A_91 : i32
    %dma_start3A_128 = arith.constant 2176 : i32
    %dma_start3A_129 = tpu.memref_slice %arg20[%dma_start3A_128] : memref<3072xf32, #tpu.memory_space<vmem>> -> memref<128xf32, #tpu.memory_space<vmem>>
    %dma_start3A_130 = tpu.memref_slice %arg8[%add3A_127] : memref<98304xf32, #tpu.memory_space<hbm>> -> memref<128xf32, #tpu.memory_space<hbm>>
    %dma_start3A_131 = arith.constant 2176 : i32
    %dma_start3A_132 = tpu.memref_slice %arg20[%dma_start3A_131] : memref<3072xf32, #tpu.memory_space<vmem>> -> memref<128xf32, #tpu.memory_space<vmem>>
    %dma_start3A_133 = tpu.memref_slice %arg8[%add3A_127] : memref<98304xf32, #tpu.memory_space<hbm>> -> memref<128xf32, #tpu.memory_space<hbm>>
    tpu.enqueue_dma source(%dma_start3A_133 : memref<128xf32, #tpu.memory_space<hbm>>) target(%dma_start3A_132 : memref<128xf32, #tpu.memory_space<vmem>>) target_semaphore(%arg24 : memref<!tpu.dma_semaphore, #tpu.memory_space<semaphore_mem>>)
    %mul3A_134 = arith.constant 4096 : i32
    %mul3A_135 = arith.muli %select_n3A, %mul3A_134 : i32
    %add3A_136 = arith.constant 2048 : i32
    %add3A_137 = arith.addi %mul3A_135, %add3A_136 : i32
    %add3A_138 = arith.constant 0 : i32
    %add3A_139 = arith.addi %select_n3A_32, %add3A_138 : i32
    %mul3A_140 = arith.constant 128 : i32
    %mul3A_141 = arith.muli %add3A_139, %mul3A_140 : i32
    %add3A_142 = arith.addi %add3A_137, %mul3A_141 : i32
    %dma_start3A_143 = arith.constant 256 : i32
    %dma_start3A_144 = tpu.memref_slice %arg11[%dma_start3A_143] : memref<1024xi32, #tpu.memory_space<vmem>> -> memref<128xi32, #tpu.memory_space<vmem>>
    %dma_start3A_145 = tpu.memref_slice %arg6[%add3A_142] : memref<32768xi32, #tpu.memory_space<hbm>> -> memref<128xi32, #tpu.memory_space<hbm>>
    %dma_start3A_146 = arith.constant 256 : i32
    %dma_start3A_147 = tpu.memref_slice %arg11[%dma_start3A_146] : memref<1024xi32, #tpu.memory_space<vmem>> -> memref<128xi32, #tpu.memory_space<vmem>>
    %dma_start3A_148 = tpu.memref_slice %arg6[%add3A_142] : memref<32768xi32, #tpu.memory_space<hbm>> -> memref<128xi32, #tpu.memory_space<hbm>>
    tpu.enqueue_dma source(%dma_start3A_148 : memref<128xi32, #tpu.memory_space<hbm>>) target(%dma_start3A_147 : memref<128xi32, #tpu.memory_space<vmem>>) target_semaphore(%arg24 : memref<!tpu.dma_semaphore, #tpu.memory_space<semaphore_mem>>)
    %dma_start3A_149 = arith.constant 256 : i32
    %dma_start3A_150 = tpu.memref_slice %arg12[%dma_start3A_149] : memref<1024xi32, #tpu.memory_space<vmem>> -> memref<128xi32, #tpu.memory_space<vmem>>
    %dma_start3A_151 = tpu.memref_slice %arg7[%add3A_142] : memref<32768xi32, #tpu.memory_space<hbm>> -> memref<128xi32, #tpu.memory_space<hbm>>
    %dma_start3A_152 = arith.constant 256 : i32
    %dma_start3A_153 = tpu.memref_slice %arg12[%dma_start3A_152] : memref<1024xi32, #tpu.memory_space<vmem>> -> memref<128xi32, #tpu.memory_space<vmem>>
    %dma_start3A_154 = tpu.memref_slice %arg7[%add3A_142] : memref<32768xi32, #tpu.memory_space<hbm>> -> memref<128xi32, #tpu.memory_space<hbm>>
    tpu.enqueue_dma source(%dma_start3A_154 : memref<128xi32, #tpu.memory_space<hbm>>) target(%dma_start3A_153 : memref<128xi32, #tpu.memory_space<vmem>>) target_semaphore(%arg24 : memref<!tpu.dma_semaphore, #tpu.memory_space<semaphore_mem>>)
    %dma_start3A_155 = arith.constant 256 : i32
    %dma_start3A_156 = tpu.memref_slice %arg21[%dma_start3A_155] : memref<1024xf32, #tpu.memory_space<vmem>> -> memref<128xf32, #tpu.memory_space<vmem>>
    %dma_start3A_157 = tpu.memref_slice %arg9[%add3A_142] : memref<32768xf32, #tpu.memory_space<hbm>> -> memref<128xf32, #tpu.memory_space<hbm>>
    %dma_start3A_158 = arith.constant 256 : i32
    %dma_start3A_159 = tpu.memref_slice %arg21[%dma_start3A_158] : memref<1024xf32, #tpu.memory_space<vmem>> -> memref<128xf32, #tpu.memory_space<vmem>>
    %dma_start3A_160 = tpu.memref_slice %arg9[%add3A_142] : memref<32768xf32, #tpu.memory_space<hbm>> -> memref<128xf32, #tpu.memory_space<hbm>>
    tpu.enqueue_dma source(%dma_start3A_160 : memref<128xf32, #tpu.memory_space<hbm>>) target(%dma_start3A_159 : memref<128xf32, #tpu.memory_space<vmem>>) target_semaphore(%arg24 : memref<!tpu.dma_semaphore, #tpu.memory_space<semaphore_mem>>)
    %add3A_161 = arith.constant 0 : i32
    %add3A_162 = arith.addi %add3A_161, %add3A_142 : i32
    %dma_start3A_163 = arith.constant 256 : i32
    %dma_start3A_164 = tpu.memref_slice %arg20[%dma_start3A_163] : memref<3072xf32, #tpu.memory_space<vmem>> -> memref<128xf32, #tpu.memory_space<vmem>>
    %dma_start3A_165 = tpu.memref_slice %arg8[%add3A_162] : memref<98304xf32, #tpu.memory_space<hbm>> -> memref<128xf32, #tpu.memory_space<hbm>>
    %dma_start3A_166 = arith.constant 256 : i32
    %dma_start3A_167 = tpu.memref_slice %arg20[%dma_start3A_166] : memref<3072xf32, #tpu.memory_space<vmem>> -> memref<128xf32, #tpu.memory_space<vmem>>
    %dma_start3A_168 = tpu.memref_slice %arg8[%add3A_162] : memref<98304xf32, #tpu.memory_space<hbm>> -> memref<128xf32, #tpu.memory_space<hbm>>
    tpu.enqueue_dma source(%dma_start3A_168 : memref<128xf32, #tpu.memory_space<hbm>>) target(%dma_start3A_167 : memref<128xf32, #tpu.memory_space<vmem>>) target_semaphore(%arg24 : memref<!tpu.dma_semaphore, #tpu.memory_space<semaphore_mem>>)
    %add3A_169 = arith.constant 32768 : i32
    %add3A_170 = arith.addi %add3A_169, %add3A_142 : i32
    %dma_start3A_171 = arith.constant 1280 : i32
    %dma_start3A_172 = tpu.memref_slice %arg20[%dma_start3A_171] : memref<3072xf32, #tpu.memory_space<vmem>> -> memref<128xf32, #tpu.memory_space<vmem>>
    %dma_start3A_173 = tpu.memref_slice %arg8[%add3A_170] : memref<98304xf32, #tpu.memory_space<hbm>> -> memref<128xf32, #tpu.memory_space<hbm>>
    %dma_start3A_174 = arith.constant 1280 : i32
    %dma_start3A_175 = tpu.memref_slice %arg20[%dma_start3A_174] : memref<3072xf32, #tpu.memory_space<vmem>> -> memref<128xf32, #tpu.memory_space<vmem>>
    %dma_start3A_176 = tpu.memref_slice %arg8[%add3A_170] : memref<98304xf32, #tpu.memory_space<hbm>> -> memref<128xf32, #tpu.memory_space<hbm>>
    tpu.enqueue_dma source(%dma_start3A_176 : memref<128xf32, #tpu.memory_space<hbm>>) target(%dma_start3A_175 : memref<128xf32, #tpu.memory_space<vmem>>) target_semaphore(%arg24 : memref<!tpu.dma_semaphore, #tpu.memory_space<semaphore_mem>>)
    %add3A_177 = arith.constant 65536 : i32
    %add3A_178 = arith.addi %add3A_177, %add3A_142 : i32
    %dma_start3A_179 = arith.constant 2304 : i32
    %dma_start3A_180 = tpu.memref_slice %arg20[%dma_start3A_179] : memref<3072xf32, #tpu.memory_space<vmem>> -> memref<128xf32, #tpu.memory_space<vmem>>
    %dma_start3A_181 = tpu.memref_slice %arg8[%add3A_178] : memref<98304xf32, #tpu.memory_space<hbm>> -> memref<128xf32, #tpu.memory_space<hbm>>
    %dma_start3A_182 = arith.constant 2304 : i32
    %dma_start3A_183 = tpu.memref_slice %arg20[%dma_start3A_182] : memref<3072xf32, #tpu.memory_space<vmem>> -> memref<128xf32, #tpu.memory_space<vmem>>
    %dma_start3A_184 = tpu.memref_slice %arg8[%add3A_178] : memref<98304xf32, #tpu.memory_space<hbm>> -> memref<128xf32, #tpu.memory_space<hbm>>
    tpu.enqueue_dma source(%dma_start3A_184 : memref<128xf32, #tpu.memory_space<hbm>>) target(%dma_start3A_183 : memref<128xf32, #tpu.memory_space<vmem>>) target_semaphore(%arg24 : memref<!tpu.dma_semaphore, #tpu.memory_space<semaphore_mem>>)
    %mul3A_185 = arith.constant 4096 : i32
    %mul3A_186 = arith.muli %select_n3A, %mul3A_185 : i32
    %add3A_187 = arith.constant 3072 : i32
    %add3A_188 = arith.addi %mul3A_186, %add3A_187 : i32
    %add3A_189 = arith.constant 0 : i32
    %add3A_190 = arith.addi %select_n3A_32, %add3A_189 : i32
    %mul3A_191 = arith.constant 128 : i32
    %mul3A_192 = arith.muli %add3A_190, %mul3A_191 : i32
    %add3A_193 = arith.addi %add3A_188, %mul3A_192 : i32
    %dma_start3A_194 = arith.constant 384 : i32
    %dma_start3A_195 = tpu.memref_slice %arg11[%dma_start3A_194] : memref<1024xi32, #tpu.memory_space<vmem>> -> memref<128xi32, #tpu.memory_space<vmem>>
    %dma_start3A_196 = tpu.memref_slice %arg6[%add3A_193] : memref<32768xi32, #tpu.memory_space<hbm>> -> memref<128xi32, #tpu.memory_space<hbm>>
    %dma_start3A_197 = arith.constant 384 : i32
    %dma_start3A_198 = tpu.memref_slice %arg11[%dma_start3A_197] : memref<1024xi32, #tpu.memory_space<vmem>> -> memref<128xi32, #tpu.memory_space<vmem>>
    %dma_start3A_199 = tpu.memref_slice %arg6[%add3A_193] : memref<32768xi32, #tpu.memory_space<hbm>> -> memref<128xi32, #tpu.memory_space<hbm>>
    tpu.enqueue_dma source(%dma_start3A_199 : memref<128xi32, #tpu.memory_space<hbm>>) target(%dma_start3A_198 : memref<128xi32, #tpu.memory_space<vmem>>) target_semaphore(%arg24 : memref<!tpu.dma_semaphore, #tpu.memory_space<semaphore_mem>>)
    %dma_start3A_200 = arith.constant 384 : i32
    %dma_start3A_201 = tpu.memref_slice %arg12[%dma_start3A_200] : memref<1024xi32, #tpu.memory_space<vmem>> -> memref<128xi32, #tpu.memory_space<vmem>>
    %dma_start3A_202 = tpu.memref_slice %arg7[%add3A_193] : memref<32768xi32, #tpu.memory_space<hbm>> -> memref<128xi32, #tpu.memory_space<hbm>>
    %dma_start3A_203 = arith.constant 384 : i32
    %dma_start3A_204 = tpu.memref_slice %arg12[%dma_start3A_203] : memref<1024xi32, #tpu.memory_space<vmem>> -> memref<128xi32, #tpu.memory_space<vmem>>
    %dma_start3A_205 = tpu.memref_slice %arg7[%add3A_193] : memref<32768xi32, #tpu.memory_space<hbm>> -> memref<128xi32, #tpu.memory_space<hbm>>
    tpu.enqueue_dma source(%dma_start3A_205 : memref<128xi32, #tpu.memory_space<hbm>>) target(%dma_start3A_204 : memref<128xi32, #tpu.memory_space<vmem>>) target_semaphore(%arg24 : memref<!tpu.dma_semaphore, #tpu.memory_space<semaphore_mem>>)
    %dma_start3A_206 = arith.constant 384 : i32
    %dma_start3A_207 = tpu.memref_slice %arg21[%dma_start3A_206] : memref<1024xf32, #tpu.memory_space<vmem>> -> memref<128xf32, #tpu.memory_space<vmem>>
    %dma_start3A_208 = tpu.memref_slice %arg9[%add3A_193] : memref<32768xf32, #tpu.memory_space<hbm>> -> memref<128xf32, #tpu.memory_space<hbm>>
    %dma_start3A_209 = arith.constant 384 : i32
    %dma_start3A_210 = tpu.memref_slice %arg21[%dma_start3A_209] : memref<1024xf32, #tpu.memory_space<vmem>> -> memref<128xf32, #tpu.memory_space<vmem>>
    %dma_start3A_211 = tpu.memref_slice %arg9[%add3A_193] : memref<32768xf32, #tpu.memory_space<hbm>> -> memref<128xf32, #tpu.memory_space<hbm>>
    tpu.enqueue_dma source(%dma_start3A_211 : memref<128xf32, #tpu.memory_space<hbm>>) target(%dma_start3A_210 : memref<128xf32, #tpu.memory_space<vmem>>) target_semaphore(%arg24 : memref<!tpu.dma_semaphore, #tpu.memory_space<semaphore_mem>>)
    %add3A_212 = arith.constant 0 : i32
    %add3A_213 = arith.addi %add3A_212, %add3A_193 : i32
    %dma_start3A_214 = arith.constant 384 : i32
    %dma_start3A_215 = tpu.memref_slice %arg20[%dma_start3A_214] : memref<3072xf32, #tpu.memory_space<vmem>> -> memref<128xf32, #tpu.memory_space<vmem>>
    %dma_start3A_216 = tpu.memref_slice %arg8[%add3A_213] : memref<98304xf32, #tpu.memory_space<hbm>> -> memref<128xf32, #tpu.memory_space<hbm>>
    %dma_start3A_217 = arith.constant 384 : i32
    %dma_start3A_218 = tpu.memref_slice %arg20[%dma_start3A_217] : memref<3072xf32, #tpu.memory_space<vmem>> -> memref<128xf32, #tpu.memory_space<vmem>>
    %dma_start3A_219 = tpu.memref_slice %arg8[%add3A_213] : memref<98304xf32, #tpu.memory_space<hbm>> -> memref<128xf32, #tpu.memory_space<hbm>>
    tpu.enqueue_dma source(%dma_start3A_219 : memref<128xf32, #tpu.memory_space<hbm>>) target(%dma_start3A_218 : memref<128xf32, #tpu.memory_space<vmem>>) target_semaphore(%arg24 : memref<!tpu.dma_semaphore, #tpu.memory_space<semaphore_mem>>)
    %add3A_220 = arith.constant 32768 : i32
    %add3A_221 = arith.addi %add3A_220, %add3A_193 : i32
    %dma_start3A_222 = arith.constant 1408 : i32
    %dma_start3A_223 = tpu.memref_slice %arg20[%dma_start3A_222] : memref<3072xf32, #tpu.memory_space<vmem>> -> memref<128xf32, #tpu.memory_space<vmem>>
    %dma_start3A_224 = tpu.memref_slice %arg8[%add3A_221] : memref<98304xf32, #tpu.memory_space<hbm>> -> memref<128xf32, #tpu.memory_space<hbm>>
    %dma_start3A_225 = arith.constant 1408 : i32
    %dma_start3A_226 = tpu.memref_slice %arg20[%dma_start3A_225] : memref<3072xf32, #tpu.memory_space<vmem>> -> memref<128xf32, #tpu.memory_space<vmem>>
    %dma_start3A_227 = tpu.memref_slice %arg8[%add3A_221] : memref<98304xf32, #tpu.memory_space<hbm>> -> memref<128xf32, #tpu.memory_space<hbm>>
    tpu.enqueue_dma source(%dma_start3A_227 : memref<128xf32, #tpu.memory_space<hbm>>) target(%dma_start3A_226 : memref<128xf32, #tpu.memory_space<vmem>>) target_semaphore(%arg24 : memref<!tpu.dma_semaphore, #tpu.memory_space<semaphore_mem>>)
    %add3A_228 = arith.constant 65536 : i32
    %add3A_229 = arith.addi %add3A_228, %add3A_193 : i32
    %dma_start3A_230 = arith.constant 2432 : i32
    %dma_start3A_231 = tpu.memref_slice %arg20[%dma_start3A_230] : memref<3072xf32, #tpu.memory_space<vmem>> -> memref<128xf32, #tpu.memory_space<vmem>>
    %dma_start3A_232 = tpu.memref_slice %arg8[%add3A_229] : memref<98304xf32, #tpu.memory_space<hbm>> -> memref<128xf32, #tpu.memory_space<hbm>>
    %dma_start3A_233 = arith.constant 2432 : i32
    %dma_start3A_234 = tpu.memref_slice %arg20[%dma_start3A_233] : memref<3072xf32, #tpu.memory_space<vmem>> -> memref<128xf32, #tpu.memory_space<vmem>>
    %dma_start3A_235 = tpu.memref_slice %arg8[%add3A_229] : memref<98304xf32, #tpu.memory_space<hbm>> -> memref<128xf32, #tpu.memory_space<hbm>>
    tpu.enqueue_dma source(%dma_start3A_235 : memref<128xf32, #tpu.memory_space<hbm>>) target(%dma_start3A_234 : memref<128xf32, #tpu.memory_space<vmem>>) target_semaphore(%arg24 : memref<!tpu.dma_semaphore, #tpu.memory_space<semaphore_mem>>)
    %mul3A_236 = arith.constant 4096 : i32
    %mul3A_237 = arith.muli %select_n3A, %mul3A_236 : i32
    %add3A_238 = arith.constant 0 : i32
    %add3A_239 = arith.addi %mul3A_237, %add3A_238 : i32
    %add3A_240 = arith.constant 1 : i32
    %add3A_241 = arith.addi %select_n3A_32, %add3A_240 : i32
    %mul3A_242 = arith.constant 128 : i32
    %mul3A_243 = arith.muli %add3A_241, %mul3A_242 : i32
    %add3A_244 = arith.addi %add3A_239, %mul3A_243 : i32
    %dma_start3A_245 = arith.constant 512 : i32
    %dma_start3A_246 = tpu.memref_slice %arg11[%dma_start3A_245] : memref<1024xi32, #tpu.memory_space<vmem>> -> memref<128xi32, #tpu.memory_space<vmem>>
    %dma_start3A_247 = tpu.memref_slice %arg6[%add3A_244] : memref<32768xi32, #tpu.memory_space<hbm>> -> memref<128xi32, #tpu.memory_space<hbm>>
    %dma_start3A_248 = arith.constant 512 : i32
    %dma_start3A_249 = tpu.memref_slice %arg11[%dma_start3A_248] : memref<1024xi32, #tpu.memory_space<vmem>> -> memref<128xi32, #tpu.memory_space<vmem>>
    %dma_start3A_250 = tpu.memref_slice %arg6[%add3A_244] : memref<32768xi32, #tpu.memory_space<hbm>> -> memref<128xi32, #tpu.memory_space<hbm>>
    tpu.enqueue_dma source(%dma_start3A_250 : memref<128xi32, #tpu.memory_space<hbm>>) target(%dma_start3A_249 : memref<128xi32, #tpu.memory_space<vmem>>) target_semaphore(%arg24 : memref<!tpu.dma_semaphore, #tpu.memory_space<semaphore_mem>>)
    %dma_start3A_251 = arith.constant 512 : i32
    %dma_start3A_252 = tpu.memref_slice %arg12[%dma_start3A_251] : memref<1024xi32, #tpu.memory_space<vmem>> -> memref<128xi32, #tpu.memory_space<vmem>>
    %dma_start3A_253 = tpu.memref_slice %arg7[%add3A_244] : memref<32768xi32, #tpu.memory_space<hbm>> -> memref<128xi32, #tpu.memory_space<hbm>>
    %dma_start3A_254 = arith.constant 512 : i32
    %dma_start3A_255 = tpu.memref_slice %arg12[%dma_start3A_254] : memref<1024xi32, #tpu.memory_space<vmem>> -> memref<128xi32, #tpu.memory_space<vmem>>
    %dma_start3A_256 = tpu.memref_slice %arg7[%add3A_244] : memref<32768xi32, #tpu.memory_space<hbm>> -> memref<128xi32, #tpu.memory_space<hbm>>
    tpu.enqueue_dma source(%dma_start3A_256 : memref<128xi32, #tpu.memory_space<hbm>>) target(%dma_start3A_255 : memref<128xi32, #tpu.memory_space<vmem>>) target_semaphore(%arg24 : memref<!tpu.dma_semaphore, #tpu.memory_space<semaphore_mem>>)
    %dma_start3A_257 = arith.constant 512 : i32
    %dma_start3A_258 = tpu.memref_slice %arg21[%dma_start3A_257] : memref<1024xf32, #tpu.memory_space<vmem>> -> memref<128xf32, #tpu.memory_space<vmem>>
    %dma_start3A_259 = tpu.memref_slice %arg9[%add3A_244] : memref<32768xf32, #tpu.memory_space<hbm>> -> memref<128xf32, #tpu.memory_space<hbm>>
    %dma_start3A_260 = arith.constant 512 : i32
    %dma_start3A_261 = tpu.memref_slice %arg21[%dma_start3A_260] : memref<1024xf32, #tpu.memory_space<vmem>> -> memref<128xf32, #tpu.memory_space<vmem>>
    %dma_start3A_262 = tpu.memref_slice %arg9[%add3A_244] : memref<32768xf32, #tpu.memory_space<hbm>> -> memref<128xf32, #tpu.memory_space<hbm>>
    tpu.enqueue_dma source(%dma_start3A_262 : memref<128xf32, #tpu.memory_space<hbm>>) target(%dma_start3A_261 : memref<128xf32, #tpu.memory_space<vmem>>) target_semaphore(%arg24 : memref<!tpu.dma_semaphore, #tpu.memory_space<semaphore_mem>>)
    %add3A_263 = arith.constant 0 : i32
    %add3A_264 = arith.addi %add3A_263, %add3A_244 : i32
    %dma_start3A_265 = arith.constant 512 : i32
    %dma_start3A_266 = tpu.memref_slice %arg20[%dma_start3A_265] : memref<3072xf32, #tpu.memory_space<vmem>> -> memref<128xf32, #tpu.memory_space<vmem>>
    %dma_start3A_267 = tpu.memref_slice %arg8[%add3A_264] : memref<98304xf32, #tpu.memory_space<hbm>> -> memref<128xf32, #tpu.memory_space<hbm>>
    %dma_start3A_268 = arith.constant 512 : i32
    %dma_start3A_269 = tpu.memref_slice %arg20[%dma_start3A_268] : memref<3072xf32, #tpu.memory_space<vmem>> -> memref<128xf32, #tpu.memory_space<vmem>>
    %dma_start3A_270 = tpu.memref_slice %arg8[%add3A_264] : memref<98304xf32, #tpu.memory_space<hbm>> -> memref<128xf32, #tpu.memory_space<hbm>>
    tpu.enqueue_dma source(%dma_start3A_270 : memref<128xf32, #tpu.memory_space<hbm>>) target(%dma_start3A_269 : memref<128xf32, #tpu.memory_space<vmem>>) target_semaphore(%arg24 : memref<!tpu.dma_semaphore, #tpu.memory_space<semaphore_mem>>)
    %add3A_271 = arith.constant 32768 : i32
    %add3A_272 = arith.addi %add3A_271, %add3A_244 : i32
    %dma_start3A_273 = arith.constant 1536 : i32
    %dma_start3A_274 = tpu.memref_slice %arg20[%dma_start3A_273] : memref<3072xf32, #tpu.memory_space<vmem>> -> memref<128xf32, #tpu.memory_space<vmem>>
    %dma_start3A_275 = tpu.memref_slice %arg8[%add3A_272] : memref<98304xf32, #tpu.memory_space<hbm>> -> memref<128xf32, #tpu.memory_space<hbm>>
    %dma_start3A_276 = arith.constant 1536 : i32
    %dma_start3A_277 = tpu.memref_slice %arg20[%dma_start3A_276] : memref<3072xf32, #tpu.memory_space<vmem>> -> memref<128xf32, #tpu.memory_space<vmem>>
    %dma_start3A_278 = tpu.memref_slice %arg8[%add3A_272] : memref<98304xf32, #tpu.memory_space<hbm>> -> memref<128xf32, #tpu.memory_space<hbm>>
    tpu.enqueue_dma source(%dma_start3A_278 : memref<128xf32, #tpu.memory_space<hbm>>) target(%dma_start3A_277 : memref<128xf32, #tpu.memory_space<vmem>>) target_semaphore(%arg24 : memref<!tpu.dma_semaphore, #tpu.memory_space<semaphore_mem>>)
    %add3A_279 = arith.constant 65536 : i32
    %add3A_280 = arith.addi %add3A_279, %add3A_244 : i32
    %dma_start3A_281 = arith.constant 2560 : i32
    %dma_start3A_282 = tpu.memref_slice %arg20[%dma_start3A_281] : memref<3072xf32, #tpu.memory_space<vmem>> -> memref<128xf32, #tpu.memory_space<vmem>>
    %dma_start3A_283 = tpu.memref_slice %arg8[%add3A_280] : memref<98304xf32, #tpu.memory_space<hbm>> -> memref<128xf32, #tpu.memory_space<hbm>>
    %dma_start3A_284 = arith.constant 2560 : i32
    %dma_start3A_285 = tpu.memref_slice %arg20[%dma_start3A_284] : memref<3072xf32, #tpu.memory_space<vmem>> -> memref<128xf32, #tpu.memory_space<vmem>>
    %dma_start3A_286 = tpu.memref_slice %arg8[%add3A_280] : memref<98304xf32, #tpu.memory_space<hbm>> -> memref<128xf32, #tpu.memory_space<hbm>>
    tpu.enqueue_dma source(%dma_start3A_286 : memref<128xf32, #tpu.memory_space<hbm>>) target(%dma_start3A_285 : memref<128xf32, #tpu.memory_space<vmem>>) target_semaphore(%arg24 : memref<!tpu.dma_semaphore, #tpu.memory_space<semaphore_mem>>)
    %mul3A_287 = arith.constant 4096 : i32
    %mul3A_288 = arith.muli %select_n3A, %mul3A_287 : i32
    %add3A_289 = arith.constant 1024 : i32
    %add3A_290 = arith.addi %mul3A_288, %add3A_289 : i32
    %add3A_291 = arith.constant 1 : i32
    %add3A_292 = arith.addi %select_n3A_32, %add3A_291 : i32
    %mul3A_293 = arith.constant 128 : i32
    %mul3A_294 = arith.muli %add3A_292, %mul3A_293 : i32
    %add3A_295 = arith.addi %add3A_290, %mul3A_294 : i32
    %dma_start3A_296 = arith.constant 640 : i32
    %dma_start3A_297 = tpu.memref_slice %arg11[%dma_start3A_296] : memref<1024xi32, #tpu.memory_space<vmem>> -> memref<128xi32, #tpu.memory_space<vmem>>
    %dma_start3A_298 = tpu.memref_slice %arg6[%add3A_295] : memref<32768xi32, #tpu.memory_space<hbm>> -> memref<128xi32, #tpu.memory_space<hbm>>
    %dma_start3A_299 = arith.constant 640 : i32
    %dma_start3A_300 = tpu.memref_slice %arg11[%dma_start3A_299] : memref<1024xi32, #tpu.memory_space<vmem>> -> memref<128xi32, #tpu.memory_space<vmem>>
    %dma_start3A_301 = tpu.memref_slice %arg6[%add3A_295] : memref<32768xi32, #tpu.memory_space<hbm>> -> memref<128xi32, #tpu.memory_space<hbm>>
    tpu.enqueue_dma source(%dma_start3A_301 : memref<128xi32, #tpu.memory_space<hbm>>) target(%dma_start3A_300 : memref<128xi32, #tpu.memory_space<vmem>>) target_semaphore(%arg24 : memref<!tpu.dma_semaphore, #tpu.memory_space<semaphore_mem>>)
    %dma_start3A_302 = arith.constant 640 : i32
    %dma_start3A_303 = tpu.memref_slice %arg12[%dma_start3A_302] : memref<1024xi32, #tpu.memory_space<vmem>> -> memref<128xi32, #tpu.memory_space<vmem>>
    %dma_start3A_304 = tpu.memref_slice %arg7[%add3A_295] : memref<32768xi32, #tpu.memory_space<hbm>> -> memref<128xi32, #tpu.memory_space<hbm>>
    %dma_start3A_305 = arith.constant 640 : i32
    %dma_start3A_306 = tpu.memref_slice %arg12[%dma_start3A_305] : memref<1024xi32, #tpu.memory_space<vmem>> -> memref<128xi32, #tpu.memory_space<vmem>>
    %dma_start3A_307 = tpu.memref_slice %arg7[%add3A_295] : memref<32768xi32, #tpu.memory_space<hbm>> -> memref<128xi32, #tpu.memory_space<hbm>>
    tpu.enqueue_dma source(%dma_start3A_307 : memref<128xi32, #tpu.memory_space<hbm>>) target(%dma_start3A_306 : memref<128xi32, #tpu.memory_space<vmem>>) target_semaphore(%arg24 : memref<!tpu.dma_semaphore, #tpu.memory_space<semaphore_mem>>)
    %dma_start3A_308 = arith.constant 640 : i32
    %dma_start3A_309 = tpu.memref_slice %arg21[%dma_start3A_308] : memref<1024xf32, #tpu.memory_space<vmem>> -> memref<128xf32, #tpu.memory_space<vmem>>
    %dma_start3A_310 = tpu.memref_slice %arg9[%add3A_295] : memref<32768xf32, #tpu.memory_space<hbm>> -> memref<128xf32, #tpu.memory_space<hbm>>
    %dma_start3A_311 = arith.constant 640 : i32
    %dma_start3A_312 = tpu.memref_slice %arg21[%dma_start3A_311] : memref<1024xf32, #tpu.memory_space<vmem>> -> memref<128xf32, #tpu.memory_space<vmem>>
    %dma_start3A_313 = tpu.memref_slice %arg9[%add3A_295] : memref<32768xf32, #tpu.memory_space<hbm>> -> memref<128xf32, #tpu.memory_space<hbm>>
    tpu.enqueue_dma source(%dma_start3A_313 : memref<128xf32, #tpu.memory_space<hbm>>) target(%dma_start3A_312 : memref<128xf32, #tpu.memory_space<vmem>>) target_semaphore(%arg24 : memref<!tpu.dma_semaphore, #tpu.memory_space<semaphore_mem>>)
    %add3A_314 = arith.constant 0 : i32
    %add3A_315 = arith.addi %add3A_314, %add3A_295 : i32
    %dma_start3A_316 = arith.constant 640 : i32
    %dma_start3A_317 = tpu.memref_slice %arg20[%dma_start3A_316] : memref<3072xf32, #tpu.memory_space<vmem>> -> memref<128xf32, #tpu.memory_space<vmem>>
    %dma_start3A_318 = tpu.memref_slice %arg8[%add3A_315] : memref<98304xf32, #tpu.memory_space<hbm>> -> memref<128xf32, #tpu.memory_space<hbm>>
    %dma_start3A_319 = arith.constant 640 : i32
    %dma_start3A_320 = tpu.memref_slice %arg20[%dma_start3A_319] : memref<3072xf32, #tpu.memory_space<vmem>> -> memref<128xf32, #tpu.memory_space<vmem>>
    %dma_start3A_321 = tpu.memref_slice %arg8[%add3A_315] : memref<98304xf32, #tpu.memory_space<hbm>> -> memref<128xf32, #tpu.memory_space<hbm>>
    tpu.enqueue_dma source(%dma_start3A_321 : memref<128xf32, #tpu.memory_space<hbm>>) target(%dma_start3A_320 : memref<128xf32, #tpu.memory_space<vmem>>) target_semaphore(%arg24 : memref<!tpu.dma_semaphore, #tpu.memory_space<semaphore_mem>>)
    %add3A_322 = arith.constant 32768 : i32
    %add3A_323 = arith.addi %add3A_322, %add3A_295 : i32
    %dma_start3A_324 = arith.constant 1664 : i32
    %dma_start3A_325 = tpu.memref_slice %arg20[%dma_start3A_324] : memref<3072xf32, #tpu.memory_space<vmem>> -> memref<128xf32, #tpu.memory_space<vmem>>
    %dma_start3A_326 = tpu.memref_slice %arg8[%add3A_323] : memref<98304xf32, #tpu.memory_space<hbm>> -> memref<128xf32, #tpu.memory_space<hbm>>
    %dma_start3A_327 = arith.constant 1664 : i32
    %dma_start3A_328 = tpu.memref_slice %arg20[%dma_start3A_327] : memref<3072xf32, #tpu.memory_space<vmem>> -> memref<128xf32, #tpu.memory_space<vmem>>
    %dma_start3A_329 = tpu.memref_slice %arg8[%add3A_323] : memref<98304xf32, #tpu.memory_space<hbm>> -> memref<128xf32, #tpu.memory_space<hbm>>
    tpu.enqueue_dma source(%dma_start3A_329 : memref<128xf32, #tpu.memory_space<hbm>>) target(%dma_start3A_328 : memref<128xf32, #tpu.memory_space<vmem>>) target_semaphore(%arg24 : memref<!tpu.dma_semaphore, #tpu.memory_space<semaphore_mem>>)
    %add3A_330 = arith.constant 65536 : i32
    %add3A_331 = arith.addi %add3A_330, %add3A_295 : i32
    %dma_start3A_332 = arith.constant 2688 : i32
    %dma_start3A_333 = tpu.memref_slice %arg20[%dma_start3A_332] : memref<3072xf32, #tpu.memory_space<vmem>> -> memref<128xf32, #tpu.memory_space<vmem>>
    %dma_start3A_334 = tpu.memref_slice %arg8[%add3A_331] : memref<98304xf32, #tpu.memory_space<hbm>> -> memref<128xf32, #tpu.memory_space<hbm>>
    %dma_start3A_335 = arith.constant 2688 : i32
    %dma_start3A_336 = tpu.memref_slice %arg20[%dma_start3A_335] : memref<3072xf32, #tpu.memory_space<vmem>> -> memref<128xf32, #tpu.memory_space<vmem>>
    %dma_start3A_337 = tpu.memref_slice %arg8[%add3A_331] : memref<98304xf32, #tpu.memory_space<hbm>> -> memref<128xf32, #tpu.memory_space<hbm>>
    tpu.enqueue_dma source(%dma_start3A_337 : memref<128xf32, #tpu.memory_space<hbm>>) target(%dma_start3A_336 : memref<128xf32, #tpu.memory_space<vmem>>) target_semaphore(%arg24 : memref<!tpu.dma_semaphore, #tpu.memory_space<semaphore_mem>>)
    %mul3A_338 = arith.constant 4096 : i32
    %mul3A_339 = arith.muli %select_n3A, %mul3A_338 : i32
    %add3A_340 = arith.constant 2048 : i32
    %add3A_341 = arith.addi %mul3A_339, %add3A_340 : i32
    %add3A_342 = arith.constant 1 : i32
    %add3A_343 = arith.addi %select_n3A_32, %add3A_342 : i32
    %mul3A_344 = arith.constant 128 : i32
    %mul3A_345 = arith.muli %add3A_343, %mul3A_344 : i32
    %add3A_346 = arith.addi %add3A_341, %mul3A_345 : i32
    %dma_start3A_347 = arith.constant 768 : i32
    %dma_start3A_348 = tpu.memref_slice %arg11[%dma_start3A_347] : memref<1024xi32, #tpu.memory_space<vmem>> -> memref<128xi32, #tpu.memory_space<vmem>>
    %dma_start3A_349 = tpu.memref_slice %arg6[%add3A_346] : memref<32768xi32, #tpu.memory_space<hbm>> -> memref<128xi32, #tpu.memory_space<hbm>>
    %dma_start3A_350 = arith.constant 768 : i32
    %dma_start3A_351 = tpu.memref_slice %arg11[%dma_start3A_350] : memref<1024xi32, #tpu.memory_space<vmem>> -> memref<128xi32, #tpu.memory_space<vmem>>
    %dma_start3A_352 = tpu.memref_slice %arg6[%add3A_346] : memref<32768xi32, #tpu.memory_space<hbm>> -> memref<128xi32, #tpu.memory_space<hbm>>
    tpu.enqueue_dma source(%dma_start3A_352 : memref<128xi32, #tpu.memory_space<hbm>>) target(%dma_start3A_351 : memref<128xi32, #tpu.memory_space<vmem>>) target_semaphore(%arg24 : memref<!tpu.dma_semaphore, #tpu.memory_space<semaphore_mem>>)
    %dma_start3A_353 = arith.constant 768 : i32
    %dma_start3A_354 = tpu.memref_slice %arg12[%dma_start3A_353] : memref<1024xi32, #tpu.memory_space<vmem>> -> memref<128xi32, #tpu.memory_space<vmem>>
    %dma_start3A_355 = tpu.memref_slice %arg7[%add3A_346] : memref<32768xi32, #tpu.memory_space<hbm>> -> memref<128xi32, #tpu.memory_space<hbm>>
    %dma_start3A_356 = arith.constant 768 : i32
    %dma_start3A_357 = tpu.memref_slice %arg12[%dma_start3A_356] : memref<1024xi32, #tpu.memory_space<vmem>> -> memref<128xi32, #tpu.memory_space<vmem>>
    %dma_start3A_358 = tpu.memref_slice %arg7[%add3A_346] : memref<32768xi32, #tpu.memory_space<hbm>> -> memref<128xi32, #tpu.memory_space<hbm>>
    tpu.enqueue_dma source(%dma_start3A_358 : memref<128xi32, #tpu.memory_space<hbm>>) target(%dma_start3A_357 : memref<128xi32, #tpu.memory_space<vmem>>) target_semaphore(%arg24 : memref<!tpu.dma_semaphore, #tpu.memory_space<semaphore_mem>>)
    %dma_start3A_359 = arith.constant 768 : i32
    %dma_start3A_360 = tpu.memref_slice %arg21[%dma_start3A_359] : memref<1024xf32, #tpu.memory_space<vmem>> -> memref<128xf32, #tpu.memory_space<vmem>>
    %dma_start3A_361 = tpu.memref_slice %arg9[%add3A_346] : memref<32768xf32, #tpu.memory_space<hbm>> -> memref<128xf32, #tpu.memory_space<hbm>>
    %dma_start3A_362 = arith.constant 768 : i32
    %dma_start3A_363 = tpu.memref_slice %arg21[%dma_start3A_362] : memref<1024xf32, #tpu.memory_space<vmem>> -> memref<128xf32, #tpu.memory_space<vmem>>
    %dma_start3A_364 = tpu.memref_slice %arg9[%add3A_346] : memref<32768xf32, #tpu.memory_space<hbm>> -> memref<128xf32, #tpu.memory_space<hbm>>
    tpu.enqueue_dma source(%dma_start3A_364 : memref<128xf32, #tpu.memory_space<hbm>>) target(%dma_start3A_363 : memref<128xf32, #tpu.memory_space<vmem>>) target_semaphore(%arg24 : memref<!tpu.dma_semaphore, #tpu.memory_space<semaphore_mem>>)
    %add3A_365 = arith.constant 0 : i32
    %add3A_366 = arith.addi %add3A_365, %add3A_346 : i32
    %dma_start3A_367 = arith.constant 768 : i32
    %dma_start3A_368 = tpu.memref_slice %arg20[%dma_start3A_367] : memref<3072xf32, #tpu.memory_space<vmem>> -> memref<128xf32, #tpu.memory_space<vmem>>
    %dma_start3A_369 = tpu.memref_slice %arg8[%add3A_366] : memref<98304xf32, #tpu.memory_space<hbm>> -> memref<128xf32, #tpu.memory_space<hbm>>
    %dma_start3A_370 = arith.constant 768 : i32
    %dma_start3A_371 = tpu.memref_slice %arg20[%dma_start3A_370] : memref<3072xf32, #tpu.memory_space<vmem>> -> memref<128xf32, #tpu.memory_space<vmem>>
    %dma_start3A_372 = tpu.memref_slice %arg8[%add3A_366] : memref<98304xf32, #tpu.memory_space<hbm>> -> memref<128xf32, #tpu.memory_space<hbm>>
    tpu.enqueue_dma source(%dma_start3A_372 : memref<128xf32, #tpu.memory_space<hbm>>) target(%dma_start3A_371 : memref<128xf32, #tpu.memory_space<vmem>>) target_semaphore(%arg24 : memref<!tpu.dma_semaphore, #tpu.memory_space<semaphore_mem>>)
    %add3A_373 = arith.constant 32768 : i32
    %add3A_374 = arith.addi %add3A_373, %add3A_346 : i32
    %dma_start3A_375 = arith.constant 1792 : i32
    %dma_start3A_376 = tpu.memref_slice %arg20[%dma_start3A_375] : memref<3072xf32, #tpu.memory_space<vmem>> -> memref<128xf32, #tpu.memory_space<vmem>>
    %dma_start3A_377 = tpu.memref_slice %arg8[%add3A_374] : memref<98304xf32, #tpu.memory_space<hbm>> -> memref<128xf32, #tpu.memory_space<hbm>>
    %dma_start3A_378 = arith.constant 1792 : i32
    %dma_start3A_379 = tpu.memref_slice %arg20[%dma_start3A_378] : memref<3072xf32, #tpu.memory_space<vmem>> -> memref<128xf32, #tpu.memory_space<vmem>>
    %dma_start3A_380 = tpu.memref_slice %arg8[%add3A_374] : memref<98304xf32, #tpu.memory_space<hbm>> -> memref<128xf32, #tpu.memory_space<hbm>>
    tpu.enqueue_dma source(%dma_start3A_380 : memref<128xf32, #tpu.memory_space<hbm>>) target(%dma_start3A_379 : memref<128xf32, #tpu.memory_space<vmem>>) target_semaphore(%arg24 : memref<!tpu.dma_semaphore, #tpu.memory_space<semaphore_mem>>)
    %add3A_381 = arith.constant 65536 : i32
    %add3A_382 = arith.addi %add3A_381, %add3A_346 : i32
    %dma_start3A_383 = arith.constant 2816 : i32
    %dma_start3A_384 = tpu.memref_slice %arg20[%dma_start3A_383] : memref<3072xf32, #tpu.memory_space<vmem>> -> memref<128xf32, #tpu.memory_space<vmem>>
    %dma_start3A_385 = tpu.memref_slice %arg8[%add3A_382] : memref<98304xf32, #tpu.memory_space<hbm>> -> memref<128xf32, #tpu.memory_space<hbm>>
    %dma_start3A_386 = arith.constant 2816 : i32
    %dma_start3A_387 = tpu.memref_slice %arg20[%dma_start3A_386] : memref<3072xf32, #tpu.memory_space<vmem>> -> memref<128xf32, #tpu.memory_space<vmem>>
    %dma_start3A_388 = tpu.memref_slice %arg8[%add3A_382] : memref<98304xf32, #tpu.memory_space<hbm>> -> memref<128xf32, #tpu.memory_space<hbm>>
    tpu.enqueue_dma source(%dma_start3A_388 : memref<128xf32, #tpu.memory_space<hbm>>) target(%dma_start3A_387 : memref<128xf32, #tpu.memory_space<vmem>>) target_semaphore(%arg24 : memref<!tpu.dma_semaphore, #tpu.memory_space<semaphore_mem>>)
    %mul3A_389 = arith.constant 4096 : i32
    %mul3A_390 = arith.muli %select_n3A, %mul3A_389 : i32
    %add3A_391 = arith.constant 3072 : i32
    %add3A_392 = arith.addi %mul3A_390, %add3A_391 : i32
    %add3A_393 = arith.constant 1 : i32
    %add3A_394 = arith.addi %select_n3A_32, %add3A_393 : i32
    %mul3A_395 = arith.constant 128 : i32
    %mul3A_396 = arith.muli %add3A_394, %mul3A_395 : i32
    %add3A_397 = arith.addi %add3A_392, %mul3A_396 : i32
    %dma_start3A_398 = arith.constant 896 : i32
    %dma_start3A_399 = tpu.memref_slice %arg11[%dma_start3A_398] : memref<1024xi32, #tpu.memory_space<vmem>> -> memref<128xi32, #tpu.memory_space<vmem>>
    %dma_start3A_400 = tpu.memref_slice %arg6[%add3A_397] : memref<32768xi32, #tpu.memory_space<hbm>> -> memref<128xi32, #tpu.memory_space<hbm>>
    %dma_start3A_401 = arith.constant 896 : i32
    %dma_start3A_402 = tpu.memref_slice %arg11[%dma_start3A_401] : memref<1024xi32, #tpu.memory_space<vmem>> -> memref<128xi32, #tpu.memory_space<vmem>>
    %dma_start3A_403 = tpu.memref_slice %arg6[%add3A_397] : memref<32768xi32, #tpu.memory_space<hbm>> -> memref<128xi32, #tpu.memory_space<hbm>>
    tpu.enqueue_dma source(%dma_start3A_403 : memref<128xi32, #tpu.memory_space<hbm>>) target(%dma_start3A_402 : memref<128xi32, #tpu.memory_space<vmem>>) target_semaphore(%arg24 : memref<!tpu.dma_semaphore, #tpu.memory_space<semaphore_mem>>)
    %dma_start3A_404 = arith.constant 896 : i32
    %dma_start3A_405 = tpu.memref_slice %arg12[%dma_start3A_404] : memref<1024xi32, #tpu.memory_space<vmem>> -> memref<128xi32, #tpu.memory_space<vmem>>
    %dma_start3A_406 = tpu.memref_slice %arg7[%add3A_397] : memref<32768xi32, #tpu.memory_space<hbm>> -> memref<128xi32, #tpu.memory_space<hbm>>
    %dma_start3A_407 = arith.constant 896 : i32
    %dma_start3A_408 = tpu.memref_slice %arg12[%dma_start3A_407] : memref<1024xi32, #tpu.memory_space<vmem>> -> memref<128xi32, #tpu.memory_space<vmem>>
    %dma_start3A_409 = tpu.memref_slice %arg7[%add3A_397] : memref<32768xi32, #tpu.memory_space<hbm>> -> memref<128xi32, #tpu.memory_space<hbm>>
    tpu.enqueue_dma source(%dma_start3A_409 : memref<128xi32, #tpu.memory_space<hbm>>) target(%dma_start3A_408 : memref<128xi32, #tpu.memory_space<vmem>>) target_semaphore(%arg24 : memref<!tpu.dma_semaphore, #tpu.memory_space<semaphore_mem>>)
    %dma_start3A_410 = arith.constant 896 : i32
    %dma_start3A_411 = tpu.memref_slice %arg21[%dma_start3A_410] : memref<1024xf32, #tpu.memory_space<vmem>> -> memref<128xf32, #tpu.memory_space<vmem>>
    %dma_start3A_412 = tpu.memref_slice %arg9[%add3A_397] : memref<32768xf32, #tpu.memory_space<hbm>> -> memref<128xf32, #tpu.memory_space<hbm>>
    %dma_start3A_413 = arith.constant 896 : i32
    %dma_start3A_414 = tpu.memref_slice %arg21[%dma_start3A_413] : memref<1024xf32, #tpu.memory_space<vmem>> -> memref<128xf32, #tpu.memory_space<vmem>>
    %dma_start3A_415 = tpu.memref_slice %arg9[%add3A_397] : memref<32768xf32, #tpu.memory_space<hbm>> -> memref<128xf32, #tpu.memory_space<hbm>>
    tpu.enqueue_dma source(%dma_start3A_415 : memref<128xf32, #tpu.memory_space<hbm>>) target(%dma_start3A_414 : memref<128xf32, #tpu.memory_space<vmem>>) target_semaphore(%arg24 : memref<!tpu.dma_semaphore, #tpu.memory_space<semaphore_mem>>)
    %add3A_416 = arith.constant 0 : i32
    %add3A_417 = arith.addi %add3A_416, %add3A_397 : i32
    %dma_start3A_418 = arith.constant 896 : i32
    %dma_start3A_419 = tpu.memref_slice %arg20[%dma_start3A_418] : memref<3072xf32, #tpu.memory_space<vmem>> -> memref<128xf32, #tpu.memory_space<vmem>>
    %dma_start3A_420 = tpu.memref_slice %arg8[%add3A_417] : memref<98304xf32, #tpu.memory_space<hbm>> -> memref<128xf32, #tpu.memory_space<hbm>>
    %dma_start3A_421 = arith.constant 896 : i32
    %dma_start3A_422 = tpu.memref_slice %arg20[%dma_start3A_421] : memref<3072xf32, #tpu.memory_space<vmem>> -> memref<128xf32, #tpu.memory_space<vmem>>
    %dma_start3A_423 = tpu.memref_slice %arg8[%add3A_417] : memref<98304xf32, #tpu.memory_space<hbm>> -> memref<128xf32, #tpu.memory_space<hbm>>
    tpu.enqueue_dma source(%dma_start3A_423 : memref<128xf32, #tpu.memory_space<hbm>>) target(%dma_start3A_422 : memref<128xf32, #tpu.memory_space<vmem>>) target_semaphore(%arg24 : memref<!tpu.dma_semaphore, #tpu.memory_space<semaphore_mem>>)
    %add3A_424 = arith.constant 32768 : i32
    %add3A_425 = arith.addi %add3A_424, %add3A_397 : i32
    %dma_start3A_426 = arith.constant 1920 : i32
    %dma_start3A_427 = tpu.memref_slice %arg20[%dma_start3A_426] : memref<3072xf32, #tpu.memory_space<vmem>> -> memref<128xf32, #tpu.memory_space<vmem>>
    %dma_start3A_428 = tpu.memref_slice %arg8[%add3A_425] : memref<98304xf32, #tpu.memory_space<hbm>> -> memref<128xf32, #tpu.memory_space<hbm>>
    %dma_start3A_429 = arith.constant 1920 : i32
    %dma_start3A_430 = tpu.memref_slice %arg20[%dma_start3A_429] : memref<3072xf32, #tpu.memory_space<vmem>> -> memref<128xf32, #tpu.memory_space<vmem>>
    %dma_start3A_431 = tpu.memref_slice %arg8[%add3A_425] : memref<98304xf32, #tpu.memory_space<hbm>> -> memref<128xf32, #tpu.memory_space<hbm>>
    tpu.enqueue_dma source(%dma_start3A_431 : memref<128xf32, #tpu.memory_space<hbm>>) target(%dma_start3A_430 : memref<128xf32, #tpu.memory_space<vmem>>) target_semaphore(%arg24 : memref<!tpu.dma_semaphore, #tpu.memory_space<semaphore_mem>>)
    %add3A_432 = arith.constant 65536 : i32
    %add3A_433 = arith.addi %add3A_432, %add3A_397 : i32
    %dma_start3A_434 = arith.constant 2944 : i32
    %dma_start3A_435 = tpu.memref_slice %arg20[%dma_start3A_434] : memref<3072xf32, #tpu.memory_space<vmem>> -> memref<128xf32, #tpu.memory_space<vmem>>
    %dma_start3A_436 = tpu.memref_slice %arg8[%add3A_433] : memref<98304xf32, #tpu.memory_space<hbm>> -> memref<128xf32, #tpu.memory_space<hbm>>
    %dma_start3A_437 = arith.constant 2944 : i32
    %dma_start3A_438 = tpu.memref_slice %arg20[%dma_start3A_437] : memref<3072xf32, #tpu.memory_space<vmem>> -> memref<128xf32, #tpu.memory_space<vmem>>
    %dma_start3A_439 = tpu.memref_slice %arg8[%add3A_433] : memref<98304xf32, #tpu.memory_space<hbm>> -> memref<128xf32, #tpu.memory_space<hbm>>
    tpu.enqueue_dma source(%dma_start3A_439 : memref<128xf32, #tpu.memory_space<hbm>>) target(%dma_start3A_438 : memref<128xf32, #tpu.memory_space<vmem>>) target_semaphore(%arg24 : memref<!tpu.dma_semaphore, #tpu.memory_space<semaphore_mem>>)
    "tpu.region"() ({
      %run_scoped3A = tpu.sem_alloc : memref<!tpu.dma_semaphore, #tpu.memory_space<semaphore_mem>>
      tpu.enqueue_dma source(%arg5 : memref<16xf32, #tpu.memory_space<hbm>>) target(%arg22 : memref<16xf32, #tpu.memory_space<vmem>>) target_semaphore(%run_scoped3A : memref<!tpu.dma_semaphore, #tpu.memory_space<semaphore_mem>>)
      tpu.wait_dma2 semaphore(%run_scoped3A : memref<!tpu.dma_semaphore, #tpu.memory_space<semaphore_mem>>) src(%arg5 : memref<16xf32, #tpu.memory_space<hbm>>) dst(%arg22 : memref<16xf32, #tpu.memory_space<vmem>>)
      tpu.yield
    }) : () -> ()
    %dma_wait3A = arith.constant 0 : i32
    %dma_wait3A_440 = tpu.memref_slice %arg11[%dma_wait3A] : memref<1024xi32, #tpu.memory_space<vmem>> -> memref<128xi32, #tpu.memory_space<vmem>>
    %dma_wait3A_441 = tpu.memref_slice %arg6[%add3A_41] : memref<32768xi32, #tpu.memory_space<hbm>> -> memref<128xi32, #tpu.memory_space<hbm>>
    %dma_wait3A_442 = arith.constant 0 : i32
    %dma_wait3A_443 = tpu.memref_slice %arg11[%dma_wait3A_442] : memref<1024xi32, #tpu.memory_space<vmem>> -> memref<128xi32, #tpu.memory_space<vmem>>
    %dma_wait3A_444 = tpu.memref_slice %arg6[%add3A_41] : memref<32768xi32, #tpu.memory_space<hbm>> -> memref<128xi32, #tpu.memory_space<hbm>>
    tpu.wait_dma2 semaphore(%arg24 : memref<!tpu.dma_semaphore, #tpu.memory_space<semaphore_mem>>) src(%dma_wait3A_444 : memref<128xi32, #tpu.memory_space<hbm>>) dst(%dma_wait3A_443 : memref<128xi32, #tpu.memory_space<vmem>>)
    %dma_wait3A_445 = arith.constant 0 : i32
    %dma_wait3A_446 = tpu.memref_slice %arg12[%dma_wait3A_445] : memref<1024xi32, #tpu.memory_space<vmem>> -> memref<128xi32, #tpu.memory_space<vmem>>
    %dma_wait3A_447 = tpu.memref_slice %arg7[%add3A_41] : memref<32768xi32, #tpu.memory_space<hbm>> -> memref<128xi32, #tpu.memory_space<hbm>>
    %dma_wait3A_448 = arith.constant 0 : i32
    %dma_wait3A_449 = tpu.memref_slice %arg12[%dma_wait3A_448] : memref<1024xi32, #tpu.memory_space<vmem>> -> memref<128xi32, #tpu.memory_space<vmem>>
    %dma_wait3A_450 = tpu.memref_slice %arg7[%add3A_41] : memref<32768xi32, #tpu.memory_space<hbm>> -> memref<128xi32, #tpu.memory_space<hbm>>
    tpu.wait_dma2 semaphore(%arg24 : memref<!tpu.dma_semaphore, #tpu.memory_space<semaphore_mem>>) src(%dma_wait3A_450 : memref<128xi32, #tpu.memory_space<hbm>>) dst(%dma_wait3A_449 : memref<128xi32, #tpu.memory_space<vmem>>)
    %dma_wait3A_451 = arith.constant 0 : i32
    %dma_wait3A_452 = tpu.memref_slice %arg21[%dma_wait3A_451] : memref<1024xf32, #tpu.memory_space<vmem>> -> memref<128xf32, #tpu.memory_space<vmem>>
    %dma_wait3A_453 = tpu.memref_slice %arg9[%add3A_41] : memref<32768xf32, #tpu.memory_space<hbm>> -> memref<128xf32, #tpu.memory_space<hbm>>
    %dma_wait3A_454 = arith.constant 0 : i32
    %dma_wait3A_455 = tpu.memref_slice %arg21[%dma_wait3A_454] : memref<1024xf32, #tpu.memory_space<vmem>> -> memref<128xf32, #tpu.memory_space<vmem>>
    %dma_wait3A_456 = tpu.memref_slice %arg9[%add3A_41] : memref<32768xf32, #tpu.memory_space<hbm>> -> memref<128xf32, #tpu.memory_space<hbm>>
    tpu.wait_dma2 semaphore(%arg24 : memref<!tpu.dma_semaphore, #tpu.memory_space<semaphore_mem>>) src(%dma_wait3A_456 : memref<128xf32, #tpu.memory_space<hbm>>) dst(%dma_wait3A_455 : memref<128xf32, #tpu.memory_space<vmem>>)
    %dma_wait3A_457 = arith.constant 0 : i32
    %dma_wait3A_458 = tpu.memref_slice %arg20[%dma_wait3A_457] : memref<3072xf32, #tpu.memory_space<vmem>> -> memref<128xf32, #tpu.memory_space<vmem>>
    %dma_wait3A_459 = tpu.memref_slice %arg8[%add3A_60] : memref<98304xf32, #tpu.memory_space<hbm>> -> memref<128xf32, #tpu.memory_space<hbm>>
    %dma_wait3A_460 = arith.constant 0 : i32
    %dma_wait3A_461 = tpu.memref_slice %arg20[%dma_wait3A_460] : memref<3072xf32, #tpu.memory_space<vmem>> -> memref<128xf32, #tpu.memory_space<vmem>>
    %dma_wait3A_462 = tpu.memref_slice %arg8[%add3A_60] : memref<98304xf32, #tpu.memory_space<hbm>> -> memref<128xf32, #tpu.memory_space<hbm>>
    tpu.wait_dma2 semaphore(%arg24 : memref<!tpu.dma_semaphore, #tpu.memory_space<semaphore_mem>>) src(%dma_wait3A_462 : memref<128xf32, #tpu.memory_space<hbm>>) dst(%dma_wait3A_461 : memref<128xf32, #tpu.memory_space<vmem>>)
    %dma_wait3A_463 = arith.constant 1024 : i32
    %dma_wait3A_464 = tpu.memref_slice %arg20[%dma_wait3A_463] : memref<3072xf32, #tpu.memory_space<vmem>> -> memref<128xf32, #tpu.memory_space<vmem>>
    %dma_wait3A_465 = tpu.memref_slice %arg8[%add3A_68] : memref<98304xf32, #tpu.memory_space<hbm>> -> memref<128xf32, #tpu.memory_space<hbm>>
    %dma_wait3A_466 = arith.constant 1024 : i32
    %dma_wait3A_467 = tpu.memref_slice %arg20[%dma_wait3A_466] : memref<3072xf32, #tpu.memory_space<vmem>> -> memref<128xf32, #tpu.memory_space<vmem>>
    %dma_wait3A_468 = tpu.memref_slice %arg8[%add3A_68] : memref<98304xf32, #tpu.memory_space<hbm>> -> memref<128xf32, #tpu.memory_space<hbm>>
    tpu.wait_dma2 semaphore(%arg24 : memref<!tpu.dma_semaphore, #tpu.memory_space<semaphore_mem>>) src(%dma_wait3A_468 : memref<128xf32, #tpu.memory_space<hbm>>) dst(%dma_wait3A_467 : memref<128xf32, #tpu.memory_space<vmem>>)
    %dma_wait3A_469 = arith.constant 2048 : i32
    %dma_wait3A_470 = tpu.memref_slice %arg20[%dma_wait3A_469] : memref<3072xf32, #tpu.memory_space<vmem>> -> memref<128xf32, #tpu.memory_space<vmem>>
    %dma_wait3A_471 = tpu.memref_slice %arg8[%add3A_76] : memref<98304xf32, #tpu.memory_space<hbm>> -> memref<128xf32, #tpu.memory_space<hbm>>
    %dma_wait3A_472 = arith.constant 2048 : i32
    %dma_wait3A_473 = tpu.memref_slice %arg20[%dma_wait3A_472] : memref<3072xf32, #tpu.memory_space<vmem>> -> memref<128xf32, #tpu.memory_space<vmem>>
    %dma_wait3A_474 = tpu.memref_slice %arg8[%add3A_76] : memref<98304xf32, #tpu.memory_space<hbm>> -> memref<128xf32, #tpu.memory_space<hbm>>
    tpu.wait_dma2 semaphore(%arg24 : memref<!tpu.dma_semaphore, #tpu.memory_space<semaphore_mem>>) src(%dma_wait3A_474 : memref<128xf32, #tpu.memory_space<hbm>>) dst(%dma_wait3A_473 : memref<128xf32, #tpu.memory_space<vmem>>)
    %dma_wait3A_475 = arith.constant 128 : i32
    %dma_wait3A_476 = tpu.memref_slice %arg11[%dma_wait3A_475] : memref<1024xi32, #tpu.memory_space<vmem>> -> memref<128xi32, #tpu.memory_space<vmem>>
    %dma_wait3A_477 = tpu.memref_slice %arg6[%add3A_91] : memref<32768xi32, #tpu.memory_space<hbm>> -> memref<128xi32, #tpu.memory_space<hbm>>
    %dma_wait3A_478 = arith.constant 128 : i32
    %dma_wait3A_479 = tpu.memref_slice %arg11[%dma_wait3A_478] : memref<1024xi32, #tpu.memory_space<vmem>> -> memref<128xi32, #tpu.memory_space<vmem>>
    %dma_wait3A_480 = tpu.memref_slice %arg6[%add3A_91] : memref<32768xi32, #tpu.memory_space<hbm>> -> memref<128xi32, #tpu.memory_space<hbm>>
    tpu.wait_dma2 semaphore(%arg24 : memref<!tpu.dma_semaphore, #tpu.memory_space<semaphore_mem>>) src(%dma_wait3A_480 : memref<128xi32, #tpu.memory_space<hbm>>) dst(%dma_wait3A_479 : memref<128xi32, #tpu.memory_space<vmem>>)
    %dma_wait3A_481 = arith.constant 128 : i32
    %dma_wait3A_482 = tpu.memref_slice %arg12[%dma_wait3A_481] : memref<1024xi32, #tpu.memory_space<vmem>> -> memref<128xi32, #tpu.memory_space<vmem>>
    %dma_wait3A_483 = tpu.memref_slice %arg7[%add3A_91] : memref<32768xi32, #tpu.memory_space<hbm>> -> memref<128xi32, #tpu.memory_space<hbm>>
    %dma_wait3A_484 = arith.constant 128 : i32
    %dma_wait3A_485 = tpu.memref_slice %arg12[%dma_wait3A_484] : memref<1024xi32, #tpu.memory_space<vmem>> -> memref<128xi32, #tpu.memory_space<vmem>>
    %dma_wait3A_486 = tpu.memref_slice %arg7[%add3A_91] : memref<32768xi32, #tpu.memory_space<hbm>> -> memref<128xi32, #tpu.memory_space<hbm>>
    tpu.wait_dma2 semaphore(%arg24 : memref<!tpu.dma_semaphore, #tpu.memory_space<semaphore_mem>>) src(%dma_wait3A_486 : memref<128xi32, #tpu.memory_space<hbm>>) dst(%dma_wait3A_485 : memref<128xi32, #tpu.memory_space<vmem>>)
    %dma_wait3A_487 = arith.constant 128 : i32
    %dma_wait3A_488 = tpu.memref_slice %arg21[%dma_wait3A_487] : memref<1024xf32, #tpu.memory_space<vmem>> -> memref<128xf32, #tpu.memory_space<vmem>>
    %dma_wait3A_489 = tpu.memref_slice %arg9[%add3A_91] : memref<32768xf32, #tpu.memory_space<hbm>> -> memref<128xf32, #tpu.memory_space<hbm>>
    %dma_wait3A_490 = arith.constant 128 : i32
    %dma_wait3A_491 = tpu.memref_slice %arg21[%dma_wait3A_490] : memref<1024xf32, #tpu.memory_space<vmem>> -> memref<128xf32, #tpu.memory_space<vmem>>
    %dma_wait3A_492 = tpu.memref_slice %arg9[%add3A_91] : memref<32768xf32, #tpu.memory_space<hbm>> -> memref<128xf32, #tpu.memory_space<hbm>>
    tpu.wait_dma2 semaphore(%arg24 : memref<!tpu.dma_semaphore, #tpu.memory_space<semaphore_mem>>) src(%dma_wait3A_492 : memref<128xf32, #tpu.memory_space<hbm>>) dst(%dma_wait3A_491 : memref<128xf32, #tpu.memory_space<vmem>>)
    %dma_wait3A_493 = arith.constant 128 : i32
    %dma_wait3A_494 = tpu.memref_slice %arg20[%dma_wait3A_493] : memref<3072xf32, #tpu.memory_space<vmem>> -> memref<128xf32, #tpu.memory_space<vmem>>
    %dma_wait3A_495 = tpu.memref_slice %arg8[%add3A_111] : memref<98304xf32, #tpu.memory_space<hbm>> -> memref<128xf32, #tpu.memory_space<hbm>>
    %dma_wait3A_496 = arith.constant 128 : i32
    %dma_wait3A_497 = tpu.memref_slice %arg20[%dma_wait3A_496] : memref<3072xf32, #tpu.memory_space<vmem>> -> memref<128xf32, #tpu.memory_space<vmem>>
    %dma_wait3A_498 = tpu.memref_slice %arg8[%add3A_111] : memref<98304xf32, #tpu.memory_space<hbm>> -> memref<128xf32, #tpu.memory_space<hbm>>
    tpu.wait_dma2 semaphore(%arg24 : memref<!tpu.dma_semaphore, #tpu.memory_space<semaphore_mem>>) src(%dma_wait3A_498 : memref<128xf32, #tpu.memory_space<hbm>>) dst(%dma_wait3A_497 : memref<128xf32, #tpu.memory_space<vmem>>)
    %dma_wait3A_499 = arith.constant 1152 : i32
    %dma_wait3A_500 = tpu.memref_slice %arg20[%dma_wait3A_499] : memref<3072xf32, #tpu.memory_space<vmem>> -> memref<128xf32, #tpu.memory_space<vmem>>
    %dma_wait3A_501 = tpu.memref_slice %arg8[%add3A_119] : memref<98304xf32, #tpu.memory_space<hbm>> -> memref<128xf32, #tpu.memory_space<hbm>>
    %dma_wait3A_502 = arith.constant 1152 : i32
    %dma_wait3A_503 = tpu.memref_slice %arg20[%dma_wait3A_502] : memref<3072xf32, #tpu.memory_space<vmem>> -> memref<128xf32, #tpu.memory_space<vmem>>
    %dma_wait3A_504 = tpu.memref_slice %arg8[%add3A_119] : memref<98304xf32, #tpu.memory_space<hbm>> -> memref<128xf32, #tpu.memory_space<hbm>>
    tpu.wait_dma2 semaphore(%arg24 : memref<!tpu.dma_semaphore, #tpu.memory_space<semaphore_mem>>) src(%dma_wait3A_504 : memref<128xf32, #tpu.memory_space<hbm>>) dst(%dma_wait3A_503 : memref<128xf32, #tpu.memory_space<vmem>>)
    %dma_wait3A_505 = arith.constant 2176 : i32
    %dma_wait3A_506 = tpu.memref_slice %arg20[%dma_wait3A_505] : memref<3072xf32, #tpu.memory_space<vmem>> -> memref<128xf32, #tpu.memory_space<vmem>>
    %dma_wait3A_507 = tpu.memref_slice %arg8[%add3A_127] : memref<98304xf32, #tpu.memory_space<hbm>> -> memref<128xf32, #tpu.memory_space<hbm>>
    %dma_wait3A_508 = arith.constant 2176 : i32
    %dma_wait3A_509 = tpu.memref_slice %arg20[%dma_wait3A_508] : memref<3072xf32, #tpu.memory_space<vmem>> -> memref<128xf32, #tpu.memory_space<vmem>>
    %dma_wait3A_510 = tpu.memref_slice %arg8[%add3A_127] : memref<98304xf32, #tpu.memory_space<hbm>> -> memref<128xf32, #tpu.memory_space<hbm>>
    tpu.wait_dma2 semaphore(%arg24 : memref<!tpu.dma_semaphore, #tpu.memory_space<semaphore_mem>>) src(%dma_wait3A_510 : memref<128xf32, #tpu.memory_space<hbm>>) dst(%dma_wait3A_509 : memref<128xf32, #tpu.memory_space<vmem>>)
    %dma_wait3A_511 = arith.constant 256 : i32
    %dma_wait3A_512 = tpu.memref_slice %arg11[%dma_wait3A_511] : memref<1024xi32, #tpu.memory_space<vmem>> -> memref<128xi32, #tpu.memory_space<vmem>>
    %dma_wait3A_513 = tpu.memref_slice %arg6[%add3A_142] : memref<32768xi32, #tpu.memory_space<hbm>> -> memref<128xi32, #tpu.memory_space<hbm>>
    %dma_wait3A_514 = arith.constant 256 : i32
    %dma_wait3A_515 = tpu.memref_slice %arg11[%dma_wait3A_514] : memref<1024xi32, #tpu.memory_space<vmem>> -> memref<128xi32, #tpu.memory_space<vmem>>
    %dma_wait3A_516 = tpu.memref_slice %arg6[%add3A_142] : memref<32768xi32, #tpu.memory_space<hbm>> -> memref<128xi32, #tpu.memory_space<hbm>>
    tpu.wait_dma2 semaphore(%arg24 : memref<!tpu.dma_semaphore, #tpu.memory_space<semaphore_mem>>) src(%dma_wait3A_516 : memref<128xi32, #tpu.memory_space<hbm>>) dst(%dma_wait3A_515 : memref<128xi32, #tpu.memory_space<vmem>>)
    %dma_wait3A_517 = arith.constant 256 : i32
    %dma_wait3A_518 = tpu.memref_slice %arg12[%dma_wait3A_517] : memref<1024xi32, #tpu.memory_space<vmem>> -> memref<128xi32, #tpu.memory_space<vmem>>
    %dma_wait3A_519 = tpu.memref_slice %arg7[%add3A_142] : memref<32768xi32, #tpu.memory_space<hbm>> -> memref<128xi32, #tpu.memory_space<hbm>>
    %dma_wait3A_520 = arith.constant 256 : i32
    %dma_wait3A_521 = tpu.memref_slice %arg12[%dma_wait3A_520] : memref<1024xi32, #tpu.memory_space<vmem>> -> memref<128xi32, #tpu.memory_space<vmem>>
    %dma_wait3A_522 = tpu.memref_slice %arg7[%add3A_142] : memref<32768xi32, #tpu.memory_space<hbm>> -> memref<128xi32, #tpu.memory_space<hbm>>
    tpu.wait_dma2 semaphore(%arg24 : memref<!tpu.dma_semaphore, #tpu.memory_space<semaphore_mem>>) src(%dma_wait3A_522 : memref<128xi32, #tpu.memory_space<hbm>>) dst(%dma_wait3A_521 : memref<128xi32, #tpu.memory_space<vmem>>)
    %dma_wait3A_523 = arith.constant 256 : i32
    %dma_wait3A_524 = tpu.memref_slice %arg21[%dma_wait3A_523] : memref<1024xf32, #tpu.memory_space<vmem>> -> memref<128xf32, #tpu.memory_space<vmem>>
    %dma_wait3A_525 = tpu.memref_slice %arg9[%add3A_142] : memref<32768xf32, #tpu.memory_space<hbm>> -> memref<128xf32, #tpu.memory_space<hbm>>
    %dma_wait3A_526 = arith.constant 256 : i32
    %dma_wait3A_527 = tpu.memref_slice %arg21[%dma_wait3A_526] : memref<1024xf32, #tpu.memory_space<vmem>> -> memref<128xf32, #tpu.memory_space<vmem>>
    %dma_wait3A_528 = tpu.memref_slice %arg9[%add3A_142] : memref<32768xf32, #tpu.memory_space<hbm>> -> memref<128xf32, #tpu.memory_space<hbm>>
    tpu.wait_dma2 semaphore(%arg24 : memref<!tpu.dma_semaphore, #tpu.memory_space<semaphore_mem>>) src(%dma_wait3A_528 : memref<128xf32, #tpu.memory_space<hbm>>) dst(%dma_wait3A_527 : memref<128xf32, #tpu.memory_space<vmem>>)
    %dma_wait3A_529 = arith.constant 256 : i32
    %dma_wait3A_530 = tpu.memref_slice %arg20[%dma_wait3A_529] : memref<3072xf32, #tpu.memory_space<vmem>> -> memref<128xf32, #tpu.memory_space<vmem>>
    %dma_wait3A_531 = tpu.memref_slice %arg8[%add3A_162] : memref<98304xf32, #tpu.memory_space<hbm>> -> memref<128xf32, #tpu.memory_space<hbm>>
    %dma_wait3A_532 = arith.constant 256 : i32
    %dma_wait3A_533 = tpu.memref_slice %arg20[%dma_wait3A_532] : memref<3072xf32, #tpu.memory_space<vmem>> -> memref<128xf32, #tpu.memory_space<vmem>>
    %dma_wait3A_534 = tpu.memref_slice %arg8[%add3A_162] : memref<98304xf32, #tpu.memory_space<hbm>> -> memref<128xf32, #tpu.memory_space<hbm>>
    tpu.wait_dma2 semaphore(%arg24 : memref<!tpu.dma_semaphore, #tpu.memory_space<semaphore_mem>>) src(%dma_wait3A_534 : memref<128xf32, #tpu.memory_space<hbm>>) dst(%dma_wait3A_533 : memref<128xf32, #tpu.memory_space<vmem>>)
    %dma_wait3A_535 = arith.constant 1280 : i32
    %dma_wait3A_536 = tpu.memref_slice %arg20[%dma_wait3A_535] : memref<3072xf32, #tpu.memory_space<vmem>> -> memref<128xf32, #tpu.memory_space<vmem>>
    %dma_wait3A_537 = tpu.memref_slice %arg8[%add3A_170] : memref<98304xf32, #tpu.memory_space<hbm>> -> memref<128xf32, #tpu.memory_space<hbm>>
    %dma_wait3A_538 = arith.constant 1280 : i32
    %dma_wait3A_539 = tpu.memref_slice %arg20[%dma_wait3A_538] : memref<3072xf32, #tpu.memory_space<vmem>> -> memref<128xf32, #tpu.memory_space<vmem>>
    %dma_wait3A_540 = tpu.memref_slice %arg8[%add3A_170] : memref<98304xf32, #tpu.memory_space<hbm>> -> memref<128xf32, #tpu.memory_space<hbm>>
    tpu.wait_dma2 semaphore(%arg24 : memref<!tpu.dma_semaphore, #tpu.memory_space<semaphore_mem>>) src(%dma_wait3A_540 : memref<128xf32, #tpu.memory_space<hbm>>) dst(%dma_wait3A_539 : memref<128xf32, #tpu.memory_space<vmem>>)
    %dma_wait3A_541 = arith.constant 2304 : i32
    %dma_wait3A_542 = tpu.memref_slice %arg20[%dma_wait3A_541] : memref<3072xf32, #tpu.memory_space<vmem>> -> memref<128xf32, #tpu.memory_space<vmem>>
    %dma_wait3A_543 = tpu.memref_slice %arg8[%add3A_178] : memref<98304xf32, #tpu.memory_space<hbm>> -> memref<128xf32, #tpu.memory_space<hbm>>
    %dma_wait3A_544 = arith.constant 2304 : i32
    %dma_wait3A_545 = tpu.memref_slice %arg20[%dma_wait3A_544] : memref<3072xf32, #tpu.memory_space<vmem>> -> memref<128xf32, #tpu.memory_space<vmem>>
    %dma_wait3A_546 = tpu.memref_slice %arg8[%add3A_178] : memref<98304xf32, #tpu.memory_space<hbm>> -> memref<128xf32, #tpu.memory_space<hbm>>
    tpu.wait_dma2 semaphore(%arg24 : memref<!tpu.dma_semaphore, #tpu.memory_space<semaphore_mem>>) src(%dma_wait3A_546 : memref<128xf32, #tpu.memory_space<hbm>>) dst(%dma_wait3A_545 : memref<128xf32, #tpu.memory_space<vmem>>)
    %dma_wait3A_547 = arith.constant 384 : i32
    %dma_wait3A_548 = tpu.memref_slice %arg11[%dma_wait3A_547] : memref<1024xi32, #tpu.memory_space<vmem>> -> memref<128xi32, #tpu.memory_space<vmem>>
    %dma_wait3A_549 = tpu.memref_slice %arg6[%add3A_193] : memref<32768xi32, #tpu.memory_space<hbm>> -> memref<128xi32, #tpu.memory_space<hbm>>
    %dma_wait3A_550 = arith.constant 384 : i32
    %dma_wait3A_551 = tpu.memref_slice %arg11[%dma_wait3A_550] : memref<1024xi32, #tpu.memory_space<vmem>> -> memref<128xi32, #tpu.memory_space<vmem>>
    %dma_wait3A_552 = tpu.memref_slice %arg6[%add3A_193] : memref<32768xi32, #tpu.memory_space<hbm>> -> memref<128xi32, #tpu.memory_space<hbm>>
    tpu.wait_dma2 semaphore(%arg24 : memref<!tpu.dma_semaphore, #tpu.memory_space<semaphore_mem>>) src(%dma_wait3A_552 : memref<128xi32, #tpu.memory_space<hbm>>) dst(%dma_wait3A_551 : memref<128xi32, #tpu.memory_space<vmem>>)
    %dma_wait3A_553 = arith.constant 384 : i32
    %dma_wait3A_554 = tpu.memref_slice %arg12[%dma_wait3A_553] : memref<1024xi32, #tpu.memory_space<vmem>> -> memref<128xi32, #tpu.memory_space<vmem>>
    %dma_wait3A_555 = tpu.memref_slice %arg7[%add3A_193] : memref<32768xi32, #tpu.memory_space<hbm>> -> memref<128xi32, #tpu.memory_space<hbm>>
    %dma_wait3A_556 = arith.constant 384 : i32
    %dma_wait3A_557 = tpu.memref_slice %arg12[%dma_wait3A_556] : memref<1024xi32, #tpu.memory_space<vmem>> -> memref<128xi32, #tpu.memory_space<vmem>>
    %dma_wait3A_558 = tpu.memref_slice %arg7[%add3A_193] : memref<32768xi32, #tpu.memory_space<hbm>> -> memref<128xi32, #tpu.memory_space<hbm>>
    tpu.wait_dma2 semaphore(%arg24 : memref<!tpu.dma_semaphore, #tpu.memory_space<semaphore_mem>>) src(%dma_wait3A_558 : memref<128xi32, #tpu.memory_space<hbm>>) dst(%dma_wait3A_557 : memref<128xi32, #tpu.memory_space<vmem>>)
    %dma_wait3A_559 = arith.constant 384 : i32
    %dma_wait3A_560 = tpu.memref_slice %arg21[%dma_wait3A_559] : memref<1024xf32, #tpu.memory_space<vmem>> -> memref<128xf32, #tpu.memory_space<vmem>>
    %dma_wait3A_561 = tpu.memref_slice %arg9[%add3A_193] : memref<32768xf32, #tpu.memory_space<hbm>> -> memref<128xf32, #tpu.memory_space<hbm>>
    %dma_wait3A_562 = arith.constant 384 : i32
    %dma_wait3A_563 = tpu.memref_slice %arg21[%dma_wait3A_562] : memref<1024xf32, #tpu.memory_space<vmem>> -> memref<128xf32, #tpu.memory_space<vmem>>
    %dma_wait3A_564 = tpu.memref_slice %arg9[%add3A_193] : memref<32768xf32, #tpu.memory_space<hbm>> -> memref<128xf32, #tpu.memory_space<hbm>>
    tpu.wait_dma2 semaphore(%arg24 : memref<!tpu.dma_semaphore, #tpu.memory_space<semaphore_mem>>) src(%dma_wait3A_564 : memref<128xf32, #tpu.memory_space<hbm>>) dst(%dma_wait3A_563 : memref<128xf32, #tpu.memory_space<vmem>>)
    %dma_wait3A_565 = arith.constant 384 : i32
    %dma_wait3A_566 = tpu.memref_slice %arg20[%dma_wait3A_565] : memref<3072xf32, #tpu.memory_space<vmem>> -> memref<128xf32, #tpu.memory_space<vmem>>
    %dma_wait3A_567 = tpu.memref_slice %arg8[%add3A_213] : memref<98304xf32, #tpu.memory_space<hbm>> -> memref<128xf32, #tpu.memory_space<hbm>>
    %dma_wait3A_568 = arith.constant 384 : i32
    %dma_wait3A_569 = tpu.memref_slice %arg20[%dma_wait3A_568] : memref<3072xf32, #tpu.memory_space<vmem>> -> memref<128xf32, #tpu.memory_space<vmem>>
    %dma_wait3A_570 = tpu.memref_slice %arg8[%add3A_213] : memref<98304xf32, #tpu.memory_space<hbm>> -> memref<128xf32, #tpu.memory_space<hbm>>
    tpu.wait_dma2 semaphore(%arg24 : memref<!tpu.dma_semaphore, #tpu.memory_space<semaphore_mem>>) src(%dma_wait3A_570 : memref<128xf32, #tpu.memory_space<hbm>>) dst(%dma_wait3A_569 : memref<128xf32, #tpu.memory_space<vmem>>)
    %dma_wait3A_571 = arith.constant 1408 : i32
    %dma_wait3A_572 = tpu.memref_slice %arg20[%dma_wait3A_571] : memref<3072xf32, #tpu.memory_space<vmem>> -> memref<128xf32, #tpu.memory_space<vmem>>
    %dma_wait3A_573 = tpu.memref_slice %arg8[%add3A_221] : memref<98304xf32, #tpu.memory_space<hbm>> -> memref<128xf32, #tpu.memory_space<hbm>>
    %dma_wait3A_574 = arith.constant 1408 : i32
    %dma_wait3A_575 = tpu.memref_slice %arg20[%dma_wait3A_574] : memref<3072xf32, #tpu.memory_space<vmem>> -> memref<128xf32, #tpu.memory_space<vmem>>
    %dma_wait3A_576 = tpu.memref_slice %arg8[%add3A_221] : memref<98304xf32, #tpu.memory_space<hbm>> -> memref<128xf32, #tpu.memory_space<hbm>>
    tpu.wait_dma2 semaphore(%arg24 : memref<!tpu.dma_semaphore, #tpu.memory_space<semaphore_mem>>) src(%dma_wait3A_576 : memref<128xf32, #tpu.memory_space<hbm>>) dst(%dma_wait3A_575 : memref<128xf32, #tpu.memory_space<vmem>>)
    %dma_wait3A_577 = arith.constant 2432 : i32
    %dma_wait3A_578 = tpu.memref_slice %arg20[%dma_wait3A_577] : memref<3072xf32, #tpu.memory_space<vmem>> -> memref<128xf32, #tpu.memory_space<vmem>>
    %dma_wait3A_579 = tpu.memref_slice %arg8[%add3A_229] : memref<98304xf32, #tpu.memory_space<hbm>> -> memref<128xf32, #tpu.memory_space<hbm>>
    %dma_wait3A_580 = arith.constant 2432 : i32
    %dma_wait3A_581 = tpu.memref_slice %arg20[%dma_wait3A_580] : memref<3072xf32, #tpu.memory_space<vmem>> -> memref<128xf32, #tpu.memory_space<vmem>>
    %dma_wait3A_582 = tpu.memref_slice %arg8[%add3A_229] : memref<98304xf32, #tpu.memory_space<hbm>> -> memref<128xf32, #tpu.memory_space<hbm>>
    tpu.wait_dma2 semaphore(%arg24 : memref<!tpu.dma_semaphore, #tpu.memory_space<semaphore_mem>>) src(%dma_wait3A_582 : memref<128xf32, #tpu.memory_space<hbm>>) dst(%dma_wait3A_581 : memref<128xf32, #tpu.memory_space<vmem>>)
    %dma_wait3A_583 = arith.constant 512 : i32
    %dma_wait3A_584 = tpu.memref_slice %arg11[%dma_wait3A_583] : memref<1024xi32, #tpu.memory_space<vmem>> -> memref<128xi32, #tpu.memory_space<vmem>>
    %dma_wait3A_585 = tpu.memref_slice %arg6[%add3A_244] : memref<32768xi32, #tpu.memory_space<hbm>> -> memref<128xi32, #tpu.memory_space<hbm>>
    %dma_wait3A_586 = arith.constant 512 : i32
    %dma_wait3A_587 = tpu.memref_slice %arg11[%dma_wait3A_586] : memref<1024xi32, #tpu.memory_space<vmem>> -> memref<128xi32, #tpu.memory_space<vmem>>
    %dma_wait3A_588 = tpu.memref_slice %arg6[%add3A_244] : memref<32768xi32, #tpu.memory_space<hbm>> -> memref<128xi32, #tpu.memory_space<hbm>>
    tpu.wait_dma2 semaphore(%arg24 : memref<!tpu.dma_semaphore, #tpu.memory_space<semaphore_mem>>) src(%dma_wait3A_588 : memref<128xi32, #tpu.memory_space<hbm>>) dst(%dma_wait3A_587 : memref<128xi32, #tpu.memory_space<vmem>>)
    %dma_wait3A_589 = arith.constant 512 : i32
    %dma_wait3A_590 = tpu.memref_slice %arg12[%dma_wait3A_589] : memref<1024xi32, #tpu.memory_space<vmem>> -> memref<128xi32, #tpu.memory_space<vmem>>
    %dma_wait3A_591 = tpu.memref_slice %arg7[%add3A_244] : memref<32768xi32, #tpu.memory_space<hbm>> -> memref<128xi32, #tpu.memory_space<hbm>>
    %dma_wait3A_592 = arith.constant 512 : i32
    %dma_wait3A_593 = tpu.memref_slice %arg12[%dma_wait3A_592] : memref<1024xi32, #tpu.memory_space<vmem>> -> memref<128xi32, #tpu.memory_space<vmem>>
    %dma_wait3A_594 = tpu.memref_slice %arg7[%add3A_244] : memref<32768xi32, #tpu.memory_space<hbm>> -> memref<128xi32, #tpu.memory_space<hbm>>
    tpu.wait_dma2 semaphore(%arg24 : memref<!tpu.dma_semaphore, #tpu.memory_space<semaphore_mem>>) src(%dma_wait3A_594 : memref<128xi32, #tpu.memory_space<hbm>>) dst(%dma_wait3A_593 : memref<128xi32, #tpu.memory_space<vmem>>)
    %dma_wait3A_595 = arith.constant 512 : i32
    %dma_wait3A_596 = tpu.memref_slice %arg21[%dma_wait3A_595] : memref<1024xf32, #tpu.memory_space<vmem>> -> memref<128xf32, #tpu.memory_space<vmem>>
    %dma_wait3A_597 = tpu.memref_slice %arg9[%add3A_244] : memref<32768xf32, #tpu.memory_space<hbm>> -> memref<128xf32, #tpu.memory_space<hbm>>
    %dma_wait3A_598 = arith.constant 512 : i32
    %dma_wait3A_599 = tpu.memref_slice %arg21[%dma_wait3A_598] : memref<1024xf32, #tpu.memory_space<vmem>> -> memref<128xf32, #tpu.memory_space<vmem>>
    %dma_wait3A_600 = tpu.memref_slice %arg9[%add3A_244] : memref<32768xf32, #tpu.memory_space<hbm>> -> memref<128xf32, #tpu.memory_space<hbm>>
    tpu.wait_dma2 semaphore(%arg24 : memref<!tpu.dma_semaphore, #tpu.memory_space<semaphore_mem>>) src(%dma_wait3A_600 : memref<128xf32, #tpu.memory_space<hbm>>) dst(%dma_wait3A_599 : memref<128xf32, #tpu.memory_space<vmem>>)
    %dma_wait3A_601 = arith.constant 512 : i32
    %dma_wait3A_602 = tpu.memref_slice %arg20[%dma_wait3A_601] : memref<3072xf32, #tpu.memory_space<vmem>> -> memref<128xf32, #tpu.memory_space<vmem>>
    %dma_wait3A_603 = tpu.memref_slice %arg8[%add3A_264] : memref<98304xf32, #tpu.memory_space<hbm>> -> memref<128xf32, #tpu.memory_space<hbm>>
    %dma_wait3A_604 = arith.constant 512 : i32
    %dma_wait3A_605 = tpu.memref_slice %arg20[%dma_wait3A_604] : memref<3072xf32, #tpu.memory_space<vmem>> -> memref<128xf32, #tpu.memory_space<vmem>>
    %dma_wait3A_606 = tpu.memref_slice %arg8[%add3A_264] : memref<98304xf32, #tpu.memory_space<hbm>> -> memref<128xf32, #tpu.memory_space<hbm>>
    tpu.wait_dma2 semaphore(%arg24 : memref<!tpu.dma_semaphore, #tpu.memory_space<semaphore_mem>>) src(%dma_wait3A_606 : memref<128xf32, #tpu.memory_space<hbm>>) dst(%dma_wait3A_605 : memref<128xf32, #tpu.memory_space<vmem>>)
    %dma_wait3A_607 = arith.constant 1536 : i32
    %dma_wait3A_608 = tpu.memref_slice %arg20[%dma_wait3A_607] : memref<3072xf32, #tpu.memory_space<vmem>> -> memref<128xf32, #tpu.memory_space<vmem>>
    %dma_wait3A_609 = tpu.memref_slice %arg8[%add3A_272] : memref<98304xf32, #tpu.memory_space<hbm>> -> memref<128xf32, #tpu.memory_space<hbm>>
    %dma_wait3A_610 = arith.constant 1536 : i32
    %dma_wait3A_611 = tpu.memref_slice %arg20[%dma_wait3A_610] : memref<3072xf32, #tpu.memory_space<vmem>> -> memref<128xf32, #tpu.memory_space<vmem>>
    %dma_wait3A_612 = tpu.memref_slice %arg8[%add3A_272] : memref<98304xf32, #tpu.memory_space<hbm>> -> memref<128xf32, #tpu.memory_space<hbm>>
    tpu.wait_dma2 semaphore(%arg24 : memref<!tpu.dma_semaphore, #tpu.memory_space<semaphore_mem>>) src(%dma_wait3A_612 : memref<128xf32, #tpu.memory_space<hbm>>) dst(%dma_wait3A_611 : memref<128xf32, #tpu.memory_space<vmem>>)
    %dma_wait3A_613 = arith.constant 2560 : i32
    %dma_wait3A_614 = tpu.memref_slice %arg20[%dma_wait3A_613] : memref<3072xf32, #tpu.memory_space<vmem>> -> memref<128xf32, #tpu.memory_space<vmem>>
    %dma_wait3A_615 = tpu.memref_slice %arg8[%add3A_280] : memref<98304xf32, #tpu.memory_space<hbm>> -> memref<128xf32, #tpu.memory_space<hbm>>
    %dma_wait3A_616 = arith.constant 2560 : i32
    %dma_wait3A_617 = tpu.memref_slice %arg20[%dma_wait3A_616] : memref<3072xf32, #tpu.memory_space<vmem>> -> memref<128xf32, #tpu.memory_space<vmem>>
    %dma_wait3A_618 = tpu.memref_slice %arg8[%add3A_280] : memref<98304xf32, #tpu.memory_space<hbm>> -> memref<128xf32, #tpu.memory_space<hbm>>
    tpu.wait_dma2 semaphore(%arg24 : memref<!tpu.dma_semaphore, #tpu.memory_space<semaphore_mem>>) src(%dma_wait3A_618 : memref<128xf32, #tpu.memory_space<hbm>>) dst(%dma_wait3A_617 : memref<128xf32, #tpu.memory_space<vmem>>)
    %dma_wait3A_619 = arith.constant 640 : i32
    %dma_wait3A_620 = tpu.memref_slice %arg11[%dma_wait3A_619] : memref<1024xi32, #tpu.memory_space<vmem>> -> memref<128xi32, #tpu.memory_space<vmem>>
    %dma_wait3A_621 = tpu.memref_slice %arg6[%add3A_295] : memref<32768xi32, #tpu.memory_space<hbm>> -> memref<128xi32, #tpu.memory_space<hbm>>
    %dma_wait3A_622 = arith.constant 640 : i32
    %dma_wait3A_623 = tpu.memref_slice %arg11[%dma_wait3A_622] : memref<1024xi32, #tpu.memory_space<vmem>> -> memref<128xi32, #tpu.memory_space<vmem>>
    %dma_wait3A_624 = tpu.memref_slice %arg6[%add3A_295] : memref<32768xi32, #tpu.memory_space<hbm>> -> memref<128xi32, #tpu.memory_space<hbm>>
    tpu.wait_dma2 semaphore(%arg24 : memref<!tpu.dma_semaphore, #tpu.memory_space<semaphore_mem>>) src(%dma_wait3A_624 : memref<128xi32, #tpu.memory_space<hbm>>) dst(%dma_wait3A_623 : memref<128xi32, #tpu.memory_space<vmem>>)
    %dma_wait3A_625 = arith.constant 640 : i32
    %dma_wait3A_626 = tpu.memref_slice %arg12[%dma_wait3A_625] : memref<1024xi32, #tpu.memory_space<vmem>> -> memref<128xi32, #tpu.memory_space<vmem>>
    %dma_wait3A_627 = tpu.memref_slice %arg7[%add3A_295] : memref<32768xi32, #tpu.memory_space<hbm>> -> memref<128xi32, #tpu.memory_space<hbm>>
    %dma_wait3A_628 = arith.constant 640 : i32
    %dma_wait3A_629 = tpu.memref_slice %arg12[%dma_wait3A_628] : memref<1024xi32, #tpu.memory_space<vmem>> -> memref<128xi32, #tpu.memory_space<vmem>>
    %dma_wait3A_630 = tpu.memref_slice %arg7[%add3A_295] : memref<32768xi32, #tpu.memory_space<hbm>> -> memref<128xi32, #tpu.memory_space<hbm>>
    tpu.wait_dma2 semaphore(%arg24 : memref<!tpu.dma_semaphore, #tpu.memory_space<semaphore_mem>>) src(%dma_wait3A_630 : memref<128xi32, #tpu.memory_space<hbm>>) dst(%dma_wait3A_629 : memref<128xi32, #tpu.memory_space<vmem>>)
    %dma_wait3A_631 = arith.constant 640 : i32
    %dma_wait3A_632 = tpu.memref_slice %arg21[%dma_wait3A_631] : memref<1024xf32, #tpu.memory_space<vmem>> -> memref<128xf32, #tpu.memory_space<vmem>>
    %dma_wait3A_633 = tpu.memref_slice %arg9[%add3A_295] : memref<32768xf32, #tpu.memory_space<hbm>> -> memref<128xf32, #tpu.memory_space<hbm>>
    %dma_wait3A_634 = arith.constant 640 : i32
    %dma_wait3A_635 = tpu.memref_slice %arg21[%dma_wait3A_634] : memref<1024xf32, #tpu.memory_space<vmem>> -> memref<128xf32, #tpu.memory_space<vmem>>
    %dma_wait3A_636 = tpu.memref_slice %arg9[%add3A_295] : memref<32768xf32, #tpu.memory_space<hbm>> -> memref<128xf32, #tpu.memory_space<hbm>>
    tpu.wait_dma2 semaphore(%arg24 : memref<!tpu.dma_semaphore, #tpu.memory_space<semaphore_mem>>) src(%dma_wait3A_636 : memref<128xf32, #tpu.memory_space<hbm>>) dst(%dma_wait3A_635 : memref<128xf32, #tpu.memory_space<vmem>>)
    %dma_wait3A_637 = arith.constant 640 : i32
    %dma_wait3A_638 = tpu.memref_slice %arg20[%dma_wait3A_637] : memref<3072xf32, #tpu.memory_space<vmem>> -> memref<128xf32, #tpu.memory_space<vmem>>
    %dma_wait3A_639 = tpu.memref_slice %arg8[%add3A_315] : memref<98304xf32, #tpu.memory_space<hbm>> -> memref<128xf32, #tpu.memory_space<hbm>>
    %dma_wait3A_640 = arith.constant 640 : i32
    %dma_wait3A_641 = tpu.memref_slice %arg20[%dma_wait3A_640] : memref<3072xf32, #tpu.memory_space<vmem>> -> memref<128xf32, #tpu.memory_space<vmem>>
    %dma_wait3A_642 = tpu.memref_slice %arg8[%add3A_315] : memref<98304xf32, #tpu.memory_space<hbm>> -> memref<128xf32, #tpu.memory_space<hbm>>
    tpu.wait_dma2 semaphore(%arg24 : memref<!tpu.dma_semaphore, #tpu.memory_space<semaphore_mem>>) src(%dma_wait3A_642 : memref<128xf32, #tpu.memory_space<hbm>>) dst(%dma_wait3A_641 : memref<128xf32, #tpu.memory_space<vmem>>)
    %dma_wait3A_643 = arith.constant 1664 : i32
    %dma_wait3A_644 = tpu.memref_slice %arg20[%dma_wait3A_643] : memref<3072xf32, #tpu.memory_space<vmem>> -> memref<128xf32, #tpu.memory_space<vmem>>
    %dma_wait3A_645 = tpu.memref_slice %arg8[%add3A_323] : memref<98304xf32, #tpu.memory_space<hbm>> -> memref<128xf32, #tpu.memory_space<hbm>>
    %dma_wait3A_646 = arith.constant 1664 : i32
    %dma_wait3A_647 = tpu.memref_slice %arg20[%dma_wait3A_646] : memref<3072xf32, #tpu.memory_space<vmem>> -> memref<128xf32, #tpu.memory_space<vmem>>
    %dma_wait3A_648 = tpu.memref_slice %arg8[%add3A_323] : memref<98304xf32, #tpu.memory_space<hbm>> -> memref<128xf32, #tpu.memory_space<hbm>>
    tpu.wait_dma2 semaphore(%arg24 : memref<!tpu.dma_semaphore, #tpu.memory_space<semaphore_mem>>) src(%dma_wait3A_648 : memref<128xf32, #tpu.memory_space<hbm>>) dst(%dma_wait3A_647 : memref<128xf32, #tpu.memory_space<vmem>>)
    %dma_wait3A_649 = arith.constant 2688 : i32
    %dma_wait3A_650 = tpu.memref_slice %arg20[%dma_wait3A_649] : memref<3072xf32, #tpu.memory_space<vmem>> -> memref<128xf32, #tpu.memory_space<vmem>>
    %dma_wait3A_651 = tpu.memref_slice %arg8[%add3A_331] : memref<98304xf32, #tpu.memory_space<hbm>> -> memref<128xf32, #tpu.memory_space<hbm>>
    %dma_wait3A_652 = arith.constant 2688 : i32
    %dma_wait3A_653 = tpu.memref_slice %arg20[%dma_wait3A_652] : memref<3072xf32, #tpu.memory_space<vmem>> -> memref<128xf32, #tpu.memory_space<vmem>>
    %dma_wait3A_654 = tpu.memref_slice %arg8[%add3A_331] : memref<98304xf32, #tpu.memory_space<hbm>> -> memref<128xf32, #tpu.memory_space<hbm>>
    tpu.wait_dma2 semaphore(%arg24 : memref<!tpu.dma_semaphore, #tpu.memory_space<semaphore_mem>>) src(%dma_wait3A_654 : memref<128xf32, #tpu.memory_space<hbm>>) dst(%dma_wait3A_653 : memref<128xf32, #tpu.memory_space<vmem>>)
    %dma_wait3A_655 = arith.constant 768 : i32
    %dma_wait3A_656 = tpu.memref_slice %arg11[%dma_wait3A_655] : memref<1024xi32, #tpu.memory_space<vmem>> -> memref<128xi32, #tpu.memory_space<vmem>>
    %dma_wait3A_657 = tpu.memref_slice %arg6[%add3A_346] : memref<32768xi32, #tpu.memory_space<hbm>> -> memref<128xi32, #tpu.memory_space<hbm>>
    %dma_wait3A_658 = arith.constant 768 : i32
    %dma_wait3A_659 = tpu.memref_slice %arg11[%dma_wait3A_658] : memref<1024xi32, #tpu.memory_space<vmem>> -> memref<128xi32, #tpu.memory_space<vmem>>
    %dma_wait3A_660 = tpu.memref_slice %arg6[%add3A_346] : memref<32768xi32, #tpu.memory_space<hbm>> -> memref<128xi32, #tpu.memory_space<hbm>>
    tpu.wait_dma2 semaphore(%arg24 : memref<!tpu.dma_semaphore, #tpu.memory_space<semaphore_mem>>) src(%dma_wait3A_660 : memref<128xi32, #tpu.memory_space<hbm>>) dst(%dma_wait3A_659 : memref<128xi32, #tpu.memory_space<vmem>>)
    %dma_wait3A_661 = arith.constant 768 : i32
    %dma_wait3A_662 = tpu.memref_slice %arg12[%dma_wait3A_661] : memref<1024xi32, #tpu.memory_space<vmem>> -> memref<128xi32, #tpu.memory_space<vmem>>
    %dma_wait3A_663 = tpu.memref_slice %arg7[%add3A_346] : memref<32768xi32, #tpu.memory_space<hbm>> -> memref<128xi32, #tpu.memory_space<hbm>>
    %dma_wait3A_664 = arith.constant 768 : i32
    %dma_wait3A_665 = tpu.memref_slice %arg12[%dma_wait3A_664] : memref<1024xi32, #tpu.memory_space<vmem>> -> memref<128xi32, #tpu.memory_space<vmem>>
    %dma_wait3A_666 = tpu.memref_slice %arg7[%add3A_346] : memref<32768xi32, #tpu.memory_space<hbm>> -> memref<128xi32, #tpu.memory_space<hbm>>
    tpu.wait_dma2 semaphore(%arg24 : memref<!tpu.dma_semaphore, #tpu.memory_space<semaphore_mem>>) src(%dma_wait3A_666 : memref<128xi32, #tpu.memory_space<hbm>>) dst(%dma_wait3A_665 : memref<128xi32, #tpu.memory_space<vmem>>)
    %dma_wait3A_667 = arith.constant 768 : i32
    %dma_wait3A_668 = tpu.memref_slice %arg21[%dma_wait3A_667] : memref<1024xf32, #tpu.memory_space<vmem>> -> memref<128xf32, #tpu.memory_space<vmem>>
    %dma_wait3A_669 = tpu.memref_slice %arg9[%add3A_346] : memref<32768xf32, #tpu.memory_space<hbm>> -> memref<128xf32, #tpu.memory_space<hbm>>
    %dma_wait3A_670 = arith.constant 768 : i32
    %dma_wait3A_671 = tpu.memref_slice %arg21[%dma_wait3A_670] : memref<1024xf32, #tpu.memory_space<vmem>> -> memref<128xf32, #tpu.memory_space<vmem>>
    %dma_wait3A_672 = tpu.memref_slice %arg9[%add3A_346] : memref<32768xf32, #tpu.memory_space<hbm>> -> memref<128xf32, #tpu.memory_space<hbm>>
    tpu.wait_dma2 semaphore(%arg24 : memref<!tpu.dma_semaphore, #tpu.memory_space<semaphore_mem>>) src(%dma_wait3A_672 : memref<128xf32, #tpu.memory_space<hbm>>) dst(%dma_wait3A_671 : memref<128xf32, #tpu.memory_space<vmem>>)
    %dma_wait3A_673 = arith.constant 768 : i32
    %dma_wait3A_674 = tpu.memref_slice %arg20[%dma_wait3A_673] : memref<3072xf32, #tpu.memory_space<vmem>> -> memref<128xf32, #tpu.memory_space<vmem>>
    %dma_wait3A_675 = tpu.memref_slice %arg8[%add3A_366] : memref<98304xf32, #tpu.memory_space<hbm>> -> memref<128xf32, #tpu.memory_space<hbm>>
    %dma_wait3A_676 = arith.constant 768 : i32
    %dma_wait3A_677 = tpu.memref_slice %arg20[%dma_wait3A_676] : memref<3072xf32, #tpu.memory_space<vmem>> -> memref<128xf32, #tpu.memory_space<vmem>>
    %dma_wait3A_678 = tpu.memref_slice %arg8[%add3A_366] : memref<98304xf32, #tpu.memory_space<hbm>> -> memref<128xf32, #tpu.memory_space<hbm>>
    tpu.wait_dma2 semaphore(%arg24 : memref<!tpu.dma_semaphore, #tpu.memory_space<semaphore_mem>>) src(%dma_wait3A_678 : memref<128xf32, #tpu.memory_space<hbm>>) dst(%dma_wait3A_677 : memref<128xf32, #tpu.memory_space<vmem>>)
    %dma_wait3A_679 = arith.constant 1792 : i32
    %dma_wait3A_680 = tpu.memref_slice %arg20[%dma_wait3A_679] : memref<3072xf32, #tpu.memory_space<vmem>> -> memref<128xf32, #tpu.memory_space<vmem>>
    %dma_wait3A_681 = tpu.memref_slice %arg8[%add3A_374] : memref<98304xf32, #tpu.memory_space<hbm>> -> memref<128xf32, #tpu.memory_space<hbm>>
    %dma_wait3A_682 = arith.constant 1792 : i32
    %dma_wait3A_683 = tpu.memref_slice %arg20[%dma_wait3A_682] : memref<3072xf32, #tpu.memory_space<vmem>> -> memref<128xf32, #tpu.memory_space<vmem>>
    %dma_wait3A_684 = tpu.memref_slice %arg8[%add3A_374] : memref<98304xf32, #tpu.memory_space<hbm>> -> memref<128xf32, #tpu.memory_space<hbm>>
    tpu.wait_dma2 semaphore(%arg24 : memref<!tpu.dma_semaphore, #tpu.memory_space<semaphore_mem>>) src(%dma_wait3A_684 : memref<128xf32, #tpu.memory_space<hbm>>) dst(%dma_wait3A_683 : memref<128xf32, #tpu.memory_space<vmem>>)
    %dma_wait3A_685 = arith.constant 2816 : i32
    %dma_wait3A_686 = tpu.memref_slice %arg20[%dma_wait3A_685] : memref<3072xf32, #tpu.memory_space<vmem>> -> memref<128xf32, #tpu.memory_space<vmem>>
    %dma_wait3A_687 = tpu.memref_slice %arg8[%add3A_382] : memref<98304xf32, #tpu.memory_space<hbm>> -> memref<128xf32, #tpu.memory_space<hbm>>
    %dma_wait3A_688 = arith.constant 2816 : i32
    %dma_wait3A_689 = tpu.memref_slice %arg20[%dma_wait3A_688] : memref<3072xf32, #tpu.memory_space<vmem>> -> memref<128xf32, #tpu.memory_space<vmem>>
    %dma_wait3A_690 = tpu.memref_slice %arg8[%add3A_382] : memref<98304xf32, #tpu.memory_space<hbm>> -> memref<128xf32, #tpu.memory_space<hbm>>
    tpu.wait_dma2 semaphore(%arg24 : memref<!tpu.dma_semaphore, #tpu.memory_space<semaphore_mem>>) src(%dma_wait3A_690 : memref<128xf32, #tpu.memory_space<hbm>>) dst(%dma_wait3A_689 : memref<128xf32, #tpu.memory_space<vmem>>)
    %dma_wait3A_691 = arith.constant 896 : i32
    %dma_wait3A_692 = tpu.memref_slice %arg11[%dma_wait3A_691] : memref<1024xi32, #tpu.memory_space<vmem>> -> memref<128xi32, #tpu.memory_space<vmem>>
    %dma_wait3A_693 = tpu.memref_slice %arg6[%add3A_397] : memref<32768xi32, #tpu.memory_space<hbm>> -> memref<128xi32, #tpu.memory_space<hbm>>
    %dma_wait3A_694 = arith.constant 896 : i32
    %dma_wait3A_695 = tpu.memref_slice %arg11[%dma_wait3A_694] : memref<1024xi32, #tpu.memory_space<vmem>> -> memref<128xi32, #tpu.memory_space<vmem>>
    %dma_wait3A_696 = tpu.memref_slice %arg6[%add3A_397] : memref<32768xi32, #tpu.memory_space<hbm>> -> memref<128xi32, #tpu.memory_space<hbm>>
    tpu.wait_dma2 semaphore(%arg24 : memref<!tpu.dma_semaphore, #tpu.memory_space<semaphore_mem>>) src(%dma_wait3A_696 : memref<128xi32, #tpu.memory_space<hbm>>) dst(%dma_wait3A_695 : memref<128xi32, #tpu.memory_space<vmem>>)
    %dma_wait3A_697 = arith.constant 896 : i32
    %dma_wait3A_698 = tpu.memref_slice %arg12[%dma_wait3A_697] : memref<1024xi32, #tpu.memory_space<vmem>> -> memref<128xi32, #tpu.memory_space<vmem>>
    %dma_wait3A_699 = tpu.memref_slice %arg7[%add3A_397] : memref<32768xi32, #tpu.memory_space<hbm>> -> memref<128xi32, #tpu.memory_space<hbm>>
    %dma_wait3A_700 = arith.constant 896 : i32
    %dma_wait3A_701 = tpu.memref_slice %arg12[%dma_wait3A_700] : memref<1024xi32, #tpu.memory_space<vmem>> -> memref<128xi32, #tpu.memory_space<vmem>>
    %dma_wait3A_702 = tpu.memref_slice %arg7[%add3A_397] : memref<32768xi32, #tpu.memory_space<hbm>> -> memref<128xi32, #tpu.memory_space<hbm>>
    tpu.wait_dma2 semaphore(%arg24 : memref<!tpu.dma_semaphore, #tpu.memory_space<semaphore_mem>>) src(%dma_wait3A_702 : memref<128xi32, #tpu.memory_space<hbm>>) dst(%dma_wait3A_701 : memref<128xi32, #tpu.memory_space<vmem>>)
    %dma_wait3A_703 = arith.constant 896 : i32
    %dma_wait3A_704 = tpu.memref_slice %arg21[%dma_wait3A_703] : memref<1024xf32, #tpu.memory_space<vmem>> -> memref<128xf32, #tpu.memory_space<vmem>>
    %dma_wait3A_705 = tpu.memref_slice %arg9[%add3A_397] : memref<32768xf32, #tpu.memory_space<hbm>> -> memref<128xf32, #tpu.memory_space<hbm>>
    %dma_wait3A_706 = arith.constant 896 : i32
    %dma_wait3A_707 = tpu.memref_slice %arg21[%dma_wait3A_706] : memref<1024xf32, #tpu.memory_space<vmem>> -> memref<128xf32, #tpu.memory_space<vmem>>
    %dma_wait3A_708 = tpu.memref_slice %arg9[%add3A_397] : memref<32768xf32, #tpu.memory_space<hbm>> -> memref<128xf32, #tpu.memory_space<hbm>>
    tpu.wait_dma2 semaphore(%arg24 : memref<!tpu.dma_semaphore, #tpu.memory_space<semaphore_mem>>) src(%dma_wait3A_708 : memref<128xf32, #tpu.memory_space<hbm>>) dst(%dma_wait3A_707 : memref<128xf32, #tpu.memory_space<vmem>>)
    %dma_wait3A_709 = arith.constant 896 : i32
    %dma_wait3A_710 = tpu.memref_slice %arg20[%dma_wait3A_709] : memref<3072xf32, #tpu.memory_space<vmem>> -> memref<128xf32, #tpu.memory_space<vmem>>
    %dma_wait3A_711 = tpu.memref_slice %arg8[%add3A_417] : memref<98304xf32, #tpu.memory_space<hbm>> -> memref<128xf32, #tpu.memory_space<hbm>>
    %dma_wait3A_712 = arith.constant 896 : i32
    %dma_wait3A_713 = tpu.memref_slice %arg20[%dma_wait3A_712] : memref<3072xf32, #tpu.memory_space<vmem>> -> memref<128xf32, #tpu.memory_space<vmem>>
    %dma_wait3A_714 = tpu.memref_slice %arg8[%add3A_417] : memref<98304xf32, #tpu.memory_space<hbm>> -> memref<128xf32, #tpu.memory_space<hbm>>
    tpu.wait_dma2 semaphore(%arg24 : memref<!tpu.dma_semaphore, #tpu.memory_space<semaphore_mem>>) src(%dma_wait3A_714 : memref<128xf32, #tpu.memory_space<hbm>>) dst(%dma_wait3A_713 : memref<128xf32, #tpu.memory_space<vmem>>)
    %dma_wait3A_715 = arith.constant 1920 : i32
    %dma_wait3A_716 = tpu.memref_slice %arg20[%dma_wait3A_715] : memref<3072xf32, #tpu.memory_space<vmem>> -> memref<128xf32, #tpu.memory_space<vmem>>
    %dma_wait3A_717 = tpu.memref_slice %arg8[%add3A_425] : memref<98304xf32, #tpu.memory_space<hbm>> -> memref<128xf32, #tpu.memory_space<hbm>>
    %dma_wait3A_718 = arith.constant 1920 : i32
    %dma_wait3A_719 = tpu.memref_slice %arg20[%dma_wait3A_718] : memref<3072xf32, #tpu.memory_space<vmem>> -> memref<128xf32, #tpu.memory_space<vmem>>
    %dma_wait3A_720 = tpu.memref_slice %arg8[%add3A_425] : memref<98304xf32, #tpu.memory_space<hbm>> -> memref<128xf32, #tpu.memory_space<hbm>>
    tpu.wait_dma2 semaphore(%arg24 : memref<!tpu.dma_semaphore, #tpu.memory_space<semaphore_mem>>) src(%dma_wait3A_720 : memref<128xf32, #tpu.memory_space<hbm>>) dst(%dma_wait3A_719 : memref<128xf32, #tpu.memory_space<vmem>>)
    %dma_wait3A_721 = arith.constant 2944 : i32
    %dma_wait3A_722 = tpu.memref_slice %arg20[%dma_wait3A_721] : memref<3072xf32, #tpu.memory_space<vmem>> -> memref<128xf32, #tpu.memory_space<vmem>>
    %dma_wait3A_723 = tpu.memref_slice %arg8[%add3A_433] : memref<98304xf32, #tpu.memory_space<hbm>> -> memref<128xf32, #tpu.memory_space<hbm>>
    %dma_wait3A_724 = arith.constant 2944 : i32
    %dma_wait3A_725 = tpu.memref_slice %arg20[%dma_wait3A_724] : memref<3072xf32, #tpu.memory_space<vmem>> -> memref<128xf32, #tpu.memory_space<vmem>>
    %dma_wait3A_726 = tpu.memref_slice %arg8[%add3A_433] : memref<98304xf32, #tpu.memory_space<hbm>> -> memref<128xf32, #tpu.memory_space<hbm>>
    tpu.wait_dma2 semaphore(%arg24 : memref<!tpu.dma_semaphore, #tpu.memory_space<semaphore_mem>>) src(%dma_wait3A_726 : memref<128xf32, #tpu.memory_space<hbm>>) dst(%dma_wait3A_725 : memref<128xf32, #tpu.memory_space<vmem>>)
    %scan3A = arith.constant 0 : i32
    %scan3A_727 = arith.constant 0 : i32
    %scan3A_728 = arith.constant 64 : i32
    %scan3A_729 = arith.addi %scan3A_727, %scan3A_728 : i32
    %scan3A_730 = arith.constant 1 : i32
    %scan3A_731 = scf.for %scan3A_1323 = %scan3A_727 to %scan3A_729 step %scan3A_730 iter_args(%scan3A_1324 = %scan3A) -> (i32)  : i32 {
      %mul3A_1325 = arith.constant 16 : i32
      %mul3A_1326 = arith.muli %scan3A_1323, %mul3A_1325 : i32
      %get3A = arith.index_cast %mul3A_1326 : i32 to index
      %get3A_1327 = tpu.vector_load %arg11[%get3A] {strides = array<i32>} : memref<1024xi32, #tpu.memory_space<vmem>>, vector<16xi32>,
      %mul3A_1328 = arith.constant 16 : i32
      %mul3A_1329 = arith.muli %scan3A_1323, %mul3A_1328 : i32
      %get3A_1330 = arith.index_cast %mul3A_1329 : i32 to index
      %get3A_1331 = tpu.vector_load %arg12[%get3A_1330] {strides = array<i32>} : memref<1024xi32, #tpu.memory_space<vmem>>, vector<16xi32>,
      %mul3A_1332 = arith.constant 2 : i32
      %mul3A_1333 = arith.muli %mul3A_1332, %add3A : i32
      %ge3A = arith.constant 32 : i32
      %ge3A_1334 = arith.cmpi sge, %scan3A_1323, %ge3A : i32
      %jit3A_1335 = arith.constant 1 : i32
      %jit3A_1336 = arith.constant 0 : i32
      %select_n3A_1337 = arith.select %ge3A_1334, %jit3A_1335, %jit3A_1336 : i32
      %add3A_1338 = arith.addi %mul3A_1333, %select_n3A_1337 : i32
      %shift_right_arithmetic3A = arith.constant 7 : i32
      %shift_right_arithmetic3A_1339 = vector.broadcast %shift_right_arithmetic3A : i32 to vector<16xi32>
      %shift_right_arithmetic3A_1340 = arith.shrsi %get3A_1327, %shift_right_arithmetic3A_1339 : vector<16xi32>
      %shift_left3A = arith.constant 10 : i32
      %shift_left3A_1341 = vector.broadcast %shift_left3A : i32 to vector<16xi32>
      %shift_left3A_1342 = arith.shli %shift_right_arithmetic3A_1340, %shift_left3A_1341 : vector<16xi32>
      %and3A_1343 = arith.constant 127 : i32
      %and3A_1344 = vector.broadcast %and3A_1343 : i32 to vector<16xi32>
      %and3A_1345 = arith.andi %get3A_1327, %and3A_1344 : vector<16xi32>
      %mul3A_1346 = arith.constant 65536 : i32
      %mul3A_1347 = arith.muli %add3A_1338, %mul3A_1346 : i32
      %add3A_1348 = vector.broadcast %mul3A_1347 : i32 to vector<16xi32>
      %add3A_1349 = arith.addi %add3A_1348, %shift_left3A_1342 : vector<16xi32>
      %add3A_1350 = arith.addi %add3A_1349, %and3A_1345 : vector<16xi32>
      %shift_right_arithmetic3A_1351 = arith.constant 3 : i32
      %shift_right_arithmetic3A_1352 = vector.broadcast %shift_right_arithmetic3A_1351 : i32 to vector<16xi32>
      %shift_right_arithmetic3A_1353 = arith.shrsi %get3A_1331, %shift_right_arithmetic3A_1352 : vector<16xi32>
      %shift_left3A_1354 = arith.constant 15 : i32
      %shift_left3A_1355 = vector.broadcast %shift_left3A_1354 : i32 to vector<16xi32>
      %shift_left3A_1356 = arith.shli %shift_right_arithmetic3A_1353, %shift_left3A_1355 : vector<16xi32>
      %add3A_1357 = arith.addi %add3A_1350, %shift_left3A_1356 : vector<16xi32>
      %and3A_1358 = arith.constant 7 : i32
      %and3A_1359 = vector.broadcast %and3A_1358 : i32 to vector<16xi32>
      %and3A_1360 = arith.andi %get3A_1331, %and3A_1359 : vector<16xi32>
      %shift_left3A_1361 = arith.constant 7 : i32
      %shift_left3A_1362 = vector.broadcast %shift_left3A_1361 : i32 to vector<16xi32>
      %shift_left3A_1363 = arith.shli %and3A_1360, %shift_left3A_1362 : vector<16xi32>
      %add3A_1364 = arith.addi %add3A_1357, %shift_left3A_1363 : vector<16xi32>
      %mul3A_1365 = arith.constant 16 : i32
      %mul3A_1366 = arith.muli %scan3A_1323, %mul3A_1365 : i32
      %swap3A_1367 = arith.index_cast %mul3A_1366 : i32 to index
      %swap3A_1368 = tpu.vector_load %arg13[%swap3A_1367] {strides = array<i32>} : memref<2048xi32, #tpu.memory_space<vmem>>, vector<16xi32>,
      tpu.vector_store %arg13[%swap3A_1367], %add3A_1364 {strides = array<i32>} : memref<2048xi32, #tpu.memory_space<vmem>>, vector<16xi32>,
      %add3A_1369 = arith.constant 32768 : i32
      %add3A_1370 = vector.broadcast %add3A_1369 : i32 to vector<16xi32>
      %add3A_1371 = arith.addi %add3A_1350, %add3A_1370 : vector<16xi32>
      %add3A_1372 = arith.constant 896 : i32
      %add3A_1373 = vector.broadcast %add3A_1372 : i32 to vector<16xi32>
      %add3A_1374 = arith.addi %add3A_1371, %add3A_1373 : vector<16xi32>
      %mul3A_1375 = arith.constant 16 : i32
      %mul3A_1376 = arith.muli %scan3A_1323, %mul3A_1375 : i32
      %add3A_1377 = arith.constant 1024 : i32
      %add3A_1378 = arith.addi %add3A_1377, %mul3A_1376 : i32
      %swap3A_1379 = arith.index_cast %add3A_1378 : i32 to index
      %swap3A_1380 = tpu.vector_load %arg13[%swap3A_1379] {strides = array<i32>} : memref<2048xi32, #tpu.memory_space<vmem>>, vector<16xi32>,
      tpu.vector_store %arg13[%swap3A_1379], %add3A_1374 {strides = array<i32>} : memref<2048xi32, #tpu.memory_space<vmem>>, vector<16xi32>,
      %shift_right_arithmetic3A_1381 = arith.constant 3 : i32
      %shift_right_arithmetic3A_1382 = arith.shrsi %add3A_1338, %shift_right_arithmetic3A_1381 : i32
      %shift_left3A_1383 = arith.constant 15 : i32
      %shift_left3A_1384 = arith.shli %shift_right_arithmetic3A_1382, %shift_left3A_1383 : i32
      %and3A_1385 = arith.constant 7 : i32
      %and3A_1386 = arith.andi %add3A_1338, %and3A_1385 : i32
      %shift_left3A_1387 = arith.constant 7 : i32
      %shift_left3A_1388 = arith.shli %and3A_1386, %shift_left3A_1387 : i32
      %add3A_1389 = arith.addi %shift_left3A_1384, %shift_left3A_1388 : i32
      %add3A_1390 = vector.broadcast %add3A_1389 : i32 to vector<16xi32>
      %add3A_1391 = arith.addi %add3A_1390, %shift_left3A_1342 : vector<16xi32>
      %add3A_1392 = arith.addi %add3A_1391, %and3A_1345 : vector<16xi32>
      %mul3A_1393 = arith.constant 16 : i32
      %mul3A_1394 = arith.muli %scan3A_1323, %mul3A_1393 : i32
      %swap3A_1395 = arith.index_cast %mul3A_1394 : i32 to index
      %swap3A_1396 = tpu.vector_load %arg14[%swap3A_1395] {strides = array<i32>} : memref<3072xi32, #tpu.memory_space<vmem>>, vector<16xi32>,
      tpu.vector_store %arg14[%swap3A_1395], %add3A_1392 {strides = array<i32>} : memref<3072xi32, #tpu.memory_space<vmem>>, vector<16xi32>,
      %add3A_1397 = arith.constant 262144 : i32
      %add3A_1398 = vector.broadcast %add3A_1397 : i32 to vector<16xi32>
      %add3A_1399 = arith.addi %add3A_1392, %add3A_1398 : vector<16xi32>
      %mul3A_1400 = arith.constant 16 : i32
      %mul3A_1401 = arith.muli %scan3A_1323, %mul3A_1400 : i32
      %add3A_1402 = arith.constant 1024 : i32
      %add3A_1403 = arith.addi %add3A_1402, %mul3A_1401 : i32
      %swap3A_1404 = arith.index_cast %add3A_1403 : i32 to index
      %swap3A_1405 = tpu.vector_load %arg14[%swap3A_1404] {strides = array<i32>} : memref<3072xi32, #tpu.memory_space<vmem>>, vector<16xi32>,
      tpu.vector_store %arg14[%swap3A_1404], %add3A_1399 {strides = array<i32>} : memref<3072xi32, #tpu.memory_space<vmem>>, vector<16xi32>,
      %add3A_1406 = arith.constant 524288 : i32
      %add3A_1407 = vector.broadcast %add3A_1406 : i32 to vector<16xi32>
      %add3A_1408 = arith.addi %add3A_1392, %add3A_1407 : vector<16xi32>
      %mul3A_1409 = arith.constant 16 : i32
      %mul3A_1410 = arith.muli %scan3A_1323, %mul3A_1409 : i32
      %add3A_1411 = arith.constant 2048 : i32
      %add3A_1412 = arith.addi %add3A_1411, %mul3A_1410 : i32
      %swap3A_1413 = arith.index_cast %add3A_1412 : i32 to index
      %swap3A_1414 = tpu.vector_load %arg14[%swap3A_1413] {strides = array<i32>} : memref<3072xi32, #tpu.memory_space<vmem>>, vector<16xi32>,
      tpu.vector_store %arg14[%swap3A_1413], %add3A_1408 {strides = array<i32>} : memref<3072xi32, #tpu.memory_space<vmem>>, vector<16xi32>,
      %mul3A_1415 = arith.constant 4096 : i32
      %mul3A_1416 = arith.muli %add3A_1338, %mul3A_1415 : i32
      %add3A_1417 = vector.broadcast %mul3A_1416 : i32 to vector<16xi32>
      %add3A_1418 = arith.addi %add3A_1417, %get3A_1327 : vector<16xi32>
      %mul3A_1419 = arith.constant 16 : i32
      %mul3A_1420 = arith.muli %scan3A_1323, %mul3A_1419 : i32
      %swap3A_1421 = arith.index_cast %mul3A_1420 : i32 to index
      %swap3A_1422 = tpu.vector_load %arg15[%swap3A_1421] {strides = array<i32>} : memref<1024xi32, #tpu.memory_space<vmem>>, vector<16xi32>,
      tpu.vector_store %arg15[%swap3A_1421], %add3A_1418 {strides = array<i32>} : memref<1024xi32, #tpu.memory_space<vmem>>, vector<16xi32>,
      %scan3A_1423 = arith.constant 0 : i32
      scf.yield %scan3A_1423 : i32
    }
    %scan3A_732 = arith.constant 64 : i32
    %dma_start3A_733 = arith.constant 0 : i32
    %dma_start3A_734 = tpu.memref_slice %arg16[%dma_start3A_733] : memref<1024xf32, #tpu.memory_space<vmem>> -> memref<128xf32, #tpu.memory_space<vmem>>
    %dma_start3A_735 = arith.constant 0 : i32
    %dma_start3A_736 = tpu.memref_slice %arg13[%dma_start3A_735] : memref<2048xi32, #tpu.memory_space<vmem>> -> memref<128xi32, #tpu.memory_space<vmem>>
    %dma_start3A_737 = arith.constant 0 : i32
    %dma_start3A_738 = tpu.memref_slice %arg2[%dma_start3A_737] : memref<4194304xf32, #tpu.memory_space<hbm>> -> memref<4194304xf32, #tpu.memory_space<hbm>>
    tpu.enqueue_indirect_dma source(%dma_start3A_738 : memref<4194304xf32, #tpu.memory_space<hbm>>) target(%dma_start3A_734 : memref<128xf32, #tpu.memory_space<vmem>>) offsets(%dma_start3A_736 : memref<128xi32, #tpu.memory_space<vmem>>) semaphore(%arg24 : memref<!tpu.dma_semaphore, #tpu.memory_space<semaphore_mem>>)
    %dma_start3A_739 = arith.constant 128 : i32
    %dma_start3A_740 = tpu.memref_slice %arg16[%dma_start3A_739] : memref<1024xf32, #tpu.memory_space<vmem>> -> memref<128xf32, #tpu.memory_space<vmem>>
    %dma_start3A_741 = arith.constant 128 : i32
    %dma_start3A_742 = tpu.memref_slice %arg13[%dma_start3A_741] : memref<2048xi32, #tpu.memory_space<vmem>> -> memref<128xi32, #tpu.memory_space<vmem>>
    %dma_start3A_743 = arith.constant 0 : i32
    %dma_start3A_744 = tpu.memref_slice %arg2[%dma_start3A_743] : memref<4194304xf32, #tpu.memory_space<hbm>> -> memref<4194304xf32, #tpu.memory_space<hbm>>
    tpu.enqueue_indirect_dma source(%dma_start3A_744 : memref<4194304xf32, #tpu.memory_space<hbm>>) target(%dma_start3A_740 : memref<128xf32, #tpu.memory_space<vmem>>) offsets(%dma_start3A_742 : memref<128xi32, #tpu.memory_space<vmem>>) semaphore(%arg24 : memref<!tpu.dma_semaphore, #tpu.memory_space<semaphore_mem>>)
    %dma_start3A_745 = arith.constant 256 : i32
    %dma_start3A_746 = tpu.memref_slice %arg16[%dma_start3A_745] : memref<1024xf32, #tpu.memory_space<vmem>> -> memref<128xf32, #tpu.memory_space<vmem>>
    %dma_start3A_747 = arith.constant 256 : i32
    %dma_start3A_748 = tpu.memref_slice %arg13[%dma_start3A_747] : memref<2048xi32, #tpu.memory_space<vmem>> -> memref<128xi32, #tpu.memory_space<vmem>>
    %dma_start3A_749 = arith.constant 0 : i32
    %dma_start3A_750 = tpu.memref_slice %arg2[%dma_start3A_749] : memref<4194304xf32, #tpu.memory_space<hbm>> -> memref<4194304xf32, #tpu.memory_space<hbm>>
    tpu.enqueue_indirect_dma source(%dma_start3A_750 : memref<4194304xf32, #tpu.memory_space<hbm>>) target(%dma_start3A_746 : memref<128xf32, #tpu.memory_space<vmem>>) offsets(%dma_start3A_748 : memref<128xi32, #tpu.memory_space<vmem>>) semaphore(%arg24 : memref<!tpu.dma_semaphore, #tpu.memory_space<semaphore_mem>>)
    %dma_start3A_751 = arith.constant 384 : i32
    %dma_start3A_752 = tpu.memref_slice %arg16[%dma_start3A_751] : memref<1024xf32, #tpu.memory_space<vmem>> -> memref<128xf32, #tpu.memory_space<vmem>>
    %dma_start3A_753 = arith.constant 384 : i32
    %dma_start3A_754 = tpu.memref_slice %arg13[%dma_start3A_753] : memref<2048xi32, #tpu.memory_space<vmem>> -> memref<128xi32, #tpu.memory_space<vmem>>
    %dma_start3A_755 = arith.constant 0 : i32
    %dma_start3A_756 = tpu.memref_slice %arg2[%dma_start3A_755] : memref<4194304xf32, #tpu.memory_space<hbm>> -> memref<4194304xf32, #tpu.memory_space<hbm>>
    tpu.enqueue_indirect_dma source(%dma_start3A_756 : memref<4194304xf32, #tpu.memory_space<hbm>>) target(%dma_start3A_752 : memref<128xf32, #tpu.memory_space<vmem>>) offsets(%dma_start3A_754 : memref<128xi32, #tpu.memory_space<vmem>>) semaphore(%arg24 : memref<!tpu.dma_semaphore, #tpu.memory_space<semaphore_mem>>)
    %dma_start3A_757 = arith.constant 512 : i32
    %dma_start3A_758 = tpu.memref_slice %arg16[%dma_start3A_757] : memref<1024xf32, #tpu.memory_space<vmem>> -> memref<128xf32, #tpu.memory_space<vmem>>
    %dma_start3A_759 = arith.constant 512 : i32
    %dma_start3A_760 = tpu.memref_slice %arg13[%dma_start3A_759] : memref<2048xi32, #tpu.memory_space<vmem>> -> memref<128xi32, #tpu.memory_space<vmem>>
    %dma_start3A_761 = arith.constant 0 : i32
    %dma_start3A_762 = tpu.memref_slice %arg2[%dma_start3A_761] : memref<4194304xf32, #tpu.memory_space<hbm>> -> memref<4194304xf32, #tpu.memory_space<hbm>>
    tpu.enqueue_indirect_dma source(%dma_start3A_762 : memref<4194304xf32, #tpu.memory_space<hbm>>) target(%dma_start3A_758 : memref<128xf32, #tpu.memory_space<vmem>>) offsets(%dma_start3A_760 : memref<128xi32, #tpu.memory_space<vmem>>) semaphore(%arg24 : memref<!tpu.dma_semaphore, #tpu.memory_space<semaphore_mem>>)
    %dma_start3A_763 = arith.constant 640 : i32
    %dma_start3A_764 = tpu.memref_slice %arg16[%dma_start3A_763] : memref<1024xf32, #tpu.memory_space<vmem>> -> memref<128xf32, #tpu.memory_space<vmem>>
    %dma_start3A_765 = arith.constant 640 : i32
    %dma_start3A_766 = tpu.memref_slice %arg13[%dma_start3A_765] : memref<2048xi32, #tpu.memory_space<vmem>> -> memref<128xi32, #tpu.memory_space<vmem>>
    %dma_start3A_767 = arith.constant 0 : i32
    %dma_start3A_768 = tpu.memref_slice %arg2[%dma_start3A_767] : memref<4194304xf32, #tpu.memory_space<hbm>> -> memref<4194304xf32, #tpu.memory_space<hbm>>
    tpu.enqueue_indirect_dma source(%dma_start3A_768 : memref<4194304xf32, #tpu.memory_space<hbm>>) target(%dma_start3A_764 : memref<128xf32, #tpu.memory_space<vmem>>) offsets(%dma_start3A_766 : memref<128xi32, #tpu.memory_space<vmem>>) semaphore(%arg24 : memref<!tpu.dma_semaphore, #tpu.memory_space<semaphore_mem>>)
    %dma_start3A_769 = arith.constant 768 : i32
    %dma_start3A_770 = tpu.memref_slice %arg16[%dma_start3A_769] : memref<1024xf32, #tpu.memory_space<vmem>> -> memref<128xf32, #tpu.memory_space<vmem>>
    %dma_start3A_771 = arith.constant 768 : i32
    %dma_start3A_772 = tpu.memref_slice %arg13[%dma_start3A_771] : memref<2048xi32, #tpu.memory_space<vmem>> -> memref<128xi32, #tpu.memory_space<vmem>>
    %dma_start3A_773 = arith.constant 0 : i32
    %dma_start3A_774 = tpu.memref_slice %arg2[%dma_start3A_773] : memref<4194304xf32, #tpu.memory_space<hbm>> -> memref<4194304xf32, #tpu.memory_space<hbm>>
    tpu.enqueue_indirect_dma source(%dma_start3A_774 : memref<4194304xf32, #tpu.memory_space<hbm>>) target(%dma_start3A_770 : memref<128xf32, #tpu.memory_space<vmem>>) offsets(%dma_start3A_772 : memref<128xi32, #tpu.memory_space<vmem>>) semaphore(%arg24 : memref<!tpu.dma_semaphore, #tpu.memory_space<semaphore_mem>>)
    %dma_start3A_775 = arith.constant 896 : i32
    %dma_start3A_776 = tpu.memref_slice %arg16[%dma_start3A_775] : memref<1024xf32, #tpu.memory_space<vmem>> -> memref<128xf32, #tpu.memory_space<vmem>>
    %dma_start3A_777 = arith.constant 896 : i32
    %dma_start3A_778 = tpu.memref_slice %arg13[%dma_start3A_777] : memref<2048xi32, #tpu.memory_space<vmem>> -> memref<128xi32, #tpu.memory_space<vmem>>
    %dma_start3A_779 = arith.constant 0 : i32
    %dma_start3A_780 = tpu.memref_slice %arg2[%dma_start3A_779] : memref<4194304xf32, #tpu.memory_space<hbm>> -> memref<4194304xf32, #tpu.memory_space<hbm>>
    tpu.enqueue_indirect_dma source(%dma_start3A_780 : memref<4194304xf32, #tpu.memory_space<hbm>>) target(%dma_start3A_776 : memref<128xf32, #tpu.memory_space<vmem>>) offsets(%dma_start3A_778 : memref<128xi32, #tpu.memory_space<vmem>>) semaphore(%arg24 : memref<!tpu.dma_semaphore, #tpu.memory_space<semaphore_mem>>)
    %dma_start3A_781 = arith.constant 0 : i32
    %dma_start3A_782 = tpu.memref_slice %arg17[%dma_start3A_781] : memref<1024xf32, #tpu.memory_space<vmem>> -> memref<128xf32, #tpu.memory_space<vmem>>
    %dma_start3A_783 = arith.constant 1024 : i32
    %dma_start3A_784 = tpu.memref_slice %arg13[%dma_start3A_783] : memref<2048xi32, #tpu.memory_space<vmem>> -> memref<128xi32, #tpu.memory_space<vmem>>
    %dma_start3A_785 = arith.constant 0 : i32
    %dma_start3A_786 = tpu.memref_slice %arg2[%dma_start3A_785] : memref<4194304xf32, #tpu.memory_space<hbm>> -> memref<4194304xf32, #tpu.memory_space<hbm>>
    tpu.enqueue_indirect_dma source(%dma_start3A_786 : memref<4194304xf32, #tpu.memory_space<hbm>>) target(%dma_start3A_782 : memref<128xf32, #tpu.memory_space<vmem>>) offsets(%dma_start3A_784 : memref<128xi32, #tpu.memory_space<vmem>>) semaphore(%arg24 : memref<!tpu.dma_semaphore, #tpu.memory_space<semaphore_mem>>)
    %dma_start3A_787 = arith.constant 128 : i32
    %dma_start3A_788 = tpu.memref_slice %arg17[%dma_start3A_787] : memref<1024xf32, #tpu.memory_space<vmem>> -> memref<128xf32, #tpu.memory_space<vmem>>
    %dma_start3A_789 = arith.constant 1152 : i32
    %dma_start3A_790 = tpu.memref_slice %arg13[%dma_start3A_789] : memref<2048xi32, #tpu.memory_space<vmem>> -> memref<128xi32, #tpu.memory_space<vmem>>
    %dma_start3A_791 = arith.constant 0 : i32
    %dma_start3A_792 = tpu.memref_slice %arg2[%dma_start3A_791] : memref<4194304xf32, #tpu.memory_space<hbm>> -> memref<4194304xf32, #tpu.memory_space<hbm>>
    tpu.enqueue_indirect_dma source(%dma_start3A_792 : memref<4194304xf32, #tpu.memory_space<hbm>>) target(%dma_start3A_788 : memref<128xf32, #tpu.memory_space<vmem>>) offsets(%dma_start3A_790 : memref<128xi32, #tpu.memory_space<vmem>>) semaphore(%arg24 : memref<!tpu.dma_semaphore, #tpu.memory_space<semaphore_mem>>)
    %dma_start3A_793 = arith.constant 256 : i32
    %dma_start3A_794 = tpu.memref_slice %arg17[%dma_start3A_793] : memref<1024xf32, #tpu.memory_space<vmem>> -> memref<128xf32, #tpu.memory_space<vmem>>
    %dma_start3A_795 = arith.constant 1280 : i32
    %dma_start3A_796 = tpu.memref_slice %arg13[%dma_start3A_795] : memref<2048xi32, #tpu.memory_space<vmem>> -> memref<128xi32, #tpu.memory_space<vmem>>
    %dma_start3A_797 = arith.constant 0 : i32
    %dma_start3A_798 = tpu.memref_slice %arg2[%dma_start3A_797] : memref<4194304xf32, #tpu.memory_space<hbm>> -> memref<4194304xf32, #tpu.memory_space<hbm>>
    tpu.enqueue_indirect_dma source(%dma_start3A_798 : memref<4194304xf32, #tpu.memory_space<hbm>>) target(%dma_start3A_794 : memref<128xf32, #tpu.memory_space<vmem>>) offsets(%dma_start3A_796 : memref<128xi32, #tpu.memory_space<vmem>>) semaphore(%arg24 : memref<!tpu.dma_semaphore, #tpu.memory_space<semaphore_mem>>)
    %dma_start3A_799 = arith.constant 384 : i32
    %dma_start3A_800 = tpu.memref_slice %arg17[%dma_start3A_799] : memref<1024xf32, #tpu.memory_space<vmem>> -> memref<128xf32, #tpu.memory_space<vmem>>
    %dma_start3A_801 = arith.constant 1408 : i32
    %dma_start3A_802 = tpu.memref_slice %arg13[%dma_start3A_801] : memref<2048xi32, #tpu.memory_space<vmem>> -> memref<128xi32, #tpu.memory_space<vmem>>
    %dma_start3A_803 = arith.constant 0 : i32
    %dma_start3A_804 = tpu.memref_slice %arg2[%dma_start3A_803] : memref<4194304xf32, #tpu.memory_space<hbm>> -> memref<4194304xf32, #tpu.memory_space<hbm>>
    tpu.enqueue_indirect_dma source(%dma_start3A_804 : memref<4194304xf32, #tpu.memory_space<hbm>>) target(%dma_start3A_800 : memref<128xf32, #tpu.memory_space<vmem>>) offsets(%dma_start3A_802 : memref<128xi32, #tpu.memory_space<vmem>>) semaphore(%arg24 : memref<!tpu.dma_semaphore, #tpu.memory_space<semaphore_mem>>)
    %dma_start3A_805 = arith.constant 512 : i32
    %dma_start3A_806 = tpu.memref_slice %arg17[%dma_start3A_805] : memref<1024xf32, #tpu.memory_space<vmem>> -> memref<128xf32, #tpu.memory_space<vmem>>
    %dma_start3A_807 = arith.constant 1536 : i32
    %dma_start3A_808 = tpu.memref_slice %arg13[%dma_start3A_807] : memref<2048xi32, #tpu.memory_space<vmem>> -> memref<128xi32, #tpu.memory_space<vmem>>
    %dma_start3A_809 = arith.constant 0 : i32
    %dma_start3A_810 = tpu.memref_slice %arg2[%dma_start3A_809] : memref<4194304xf32, #tpu.memory_space<hbm>> -> memref<4194304xf32, #tpu.memory_space<hbm>>
    tpu.enqueue_indirect_dma source(%dma_start3A_810 : memref<4194304xf32, #tpu.memory_space<hbm>>) target(%dma_start3A_806 : memref<128xf32, #tpu.memory_space<vmem>>) offsets(%dma_start3A_808 : memref<128xi32, #tpu.memory_space<vmem>>) semaphore(%arg24 : memref<!tpu.dma_semaphore, #tpu.memory_space<semaphore_mem>>)
    %dma_start3A_811 = arith.constant 640 : i32
    %dma_start3A_812 = tpu.memref_slice %arg17[%dma_start3A_811] : memref<1024xf32, #tpu.memory_space<vmem>> -> memref<128xf32, #tpu.memory_space<vmem>>
    %dma_start3A_813 = arith.constant 1664 : i32
    %dma_start3A_814 = tpu.memref_slice %arg13[%dma_start3A_813] : memref<2048xi32, #tpu.memory_space<vmem>> -> memref<128xi32, #tpu.memory_space<vmem>>
    %dma_start3A_815 = arith.constant 0 : i32
    %dma_start3A_816 = tpu.memref_slice %arg2[%dma_start3A_815] : memref<4194304xf32, #tpu.memory_space<hbm>> -> memref<4194304xf32, #tpu.memory_space<hbm>>
    tpu.enqueue_indirect_dma source(%dma_start3A_816 : memref<4194304xf32, #tpu.memory_space<hbm>>) target(%dma_start3A_812 : memref<128xf32, #tpu.memory_space<vmem>>) offsets(%dma_start3A_814 : memref<128xi32, #tpu.memory_space<vmem>>) semaphore(%arg24 : memref<!tpu.dma_semaphore, #tpu.memory_space<semaphore_mem>>)
    %dma_start3A_817 = arith.constant 768 : i32
    %dma_start3A_818 = tpu.memref_slice %arg17[%dma_start3A_817] : memref<1024xf32, #tpu.memory_space<vmem>> -> memref<128xf32, #tpu.memory_space<vmem>>
    %dma_start3A_819 = arith.constant 1792 : i32
    %dma_start3A_820 = tpu.memref_slice %arg13[%dma_start3A_819] : memref<2048xi32, #tpu.memory_space<vmem>> -> memref<128xi32, #tpu.memory_space<vmem>>
    %dma_start3A_821 = arith.constant 0 : i32
    %dma_start3A_822 = tpu.memref_slice %arg2[%dma_start3A_821] : memref<4194304xf32, #tpu.memory_space<hbm>> -> memref<4194304xf32, #tpu.memory_space<hbm>>
    tpu.enqueue_indirect_dma source(%dma_start3A_822 : memref<4194304xf32, #tpu.memory_space<hbm>>) target(%dma_start3A_818 : memref<128xf32, #tpu.memory_space<vmem>>) offsets(%dma_start3A_820 : memref<128xi32, #tpu.memory_space<vmem>>) semaphore(%arg24 : memref<!tpu.dma_semaphore, #tpu.memory_space<semaphore_mem>>)
    %dma_start3A_823 = arith.constant 896 : i32
    %dma_start3A_824 = tpu.memref_slice %arg17[%dma_start3A_823] : memref<1024xf32, #tpu.memory_space<vmem>> -> memref<128xf32, #tpu.memory_space<vmem>>
    %dma_start3A_825 = arith.constant 1920 : i32
    %dma_start3A_826 = tpu.memref_slice %arg13[%dma_start3A_825] : memref<2048xi32, #tpu.memory_space<vmem>> -> memref<128xi32, #tpu.memory_space<vmem>>
    %dma_start3A_827 = arith.constant 0 : i32
    %dma_start3A_828 = tpu.memref_slice %arg2[%dma_start3A_827] : memref<4194304xf32, #tpu.memory_space<hbm>> -> memref<4194304xf32, #tpu.memory_space<hbm>>
    tpu.enqueue_indirect_dma source(%dma_start3A_828 : memref<4194304xf32, #tpu.memory_space<hbm>>) target(%dma_start3A_824 : memref<128xf32, #tpu.memory_space<vmem>>) offsets(%dma_start3A_826 : memref<128xi32, #tpu.memory_space<vmem>>) semaphore(%arg24 : memref<!tpu.dma_semaphore, #tpu.memory_space<semaphore_mem>>)
    %dma_start3A_829 = arith.constant 0 : i32
    %dma_start3A_830 = tpu.memref_slice %arg18[%dma_start3A_829] : memref<3072xf32, #tpu.memory_space<vmem>> -> memref<128xf32, #tpu.memory_space<vmem>>
    %dma_start3A_831 = arith.constant 0 : i32
    %dma_start3A_832 = tpu.memref_slice %arg14[%dma_start3A_831] : memref<3072xi32, #tpu.memory_space<vmem>> -> memref<128xi32, #tpu.memory_space<vmem>>
    %dma_start3A_833 = arith.constant 0 : i32
    %dma_start3A_834 = tpu.memref_slice %arg3[%dma_start3A_833] : memref<786432xf32, #tpu.memory_space<hbm>> -> memref<786432xf32, #tpu.memory_space<hbm>>
    tpu.enqueue_indirect_dma source(%dma_start3A_834 : memref<786432xf32, #tpu.memory_space<hbm>>) target(%dma_start3A_830 : memref<128xf32, #tpu.memory_space<vmem>>) offsets(%dma_start3A_832 : memref<128xi32, #tpu.memory_space<vmem>>) semaphore(%arg24 : memref<!tpu.dma_semaphore, #tpu.memory_space<semaphore_mem>>)
    %dma_start3A_835 = arith.constant 128 : i32
    %dma_start3A_836 = tpu.memref_slice %arg18[%dma_start3A_835] : memref<3072xf32, #tpu.memory_space<vmem>> -> memref<128xf32, #tpu.memory_space<vmem>>
    %dma_start3A_837 = arith.constant 128 : i32
    %dma_start3A_838 = tpu.memref_slice %arg14[%dma_start3A_837] : memref<3072xi32, #tpu.memory_space<vmem>> -> memref<128xi32, #tpu.memory_space<vmem>>
    %dma_start3A_839 = arith.constant 0 : i32
    %dma_start3A_840 = tpu.memref_slice %arg3[%dma_start3A_839] : memref<786432xf32, #tpu.memory_space<hbm>> -> memref<786432xf32, #tpu.memory_space<hbm>>
    tpu.enqueue_indirect_dma source(%dma_start3A_840 : memref<786432xf32, #tpu.memory_space<hbm>>) target(%dma_start3A_836 : memref<128xf32, #tpu.memory_space<vmem>>) offsets(%dma_start3A_838 : memref<128xi32, #tpu.memory_space<vmem>>) semaphore(%arg24 : memref<!tpu.dma_semaphore, #tpu.memory_space<semaphore_mem>>)
    %dma_start3A_841 = arith.constant 256 : i32
    %dma_start3A_842 = tpu.memref_slice %arg18[%dma_start3A_841] : memref<3072xf32, #tpu.memory_space<vmem>> -> memref<128xf32, #tpu.memory_space<vmem>>
    %dma_start3A_843 = arith.constant 256 : i32
    %dma_start3A_844 = tpu.memref_slice %arg14[%dma_start3A_843] : memref<3072xi32, #tpu.memory_space<vmem>> -> memref<128xi32, #tpu.memory_space<vmem>>
    %dma_start3A_845 = arith.constant 0 : i32
    %dma_start3A_846 = tpu.memref_slice %arg3[%dma_start3A_845] : memref<786432xf32, #tpu.memory_space<hbm>> -> memref<786432xf32, #tpu.memory_space<hbm>>
    tpu.enqueue_indirect_dma source(%dma_start3A_846 : memref<786432xf32, #tpu.memory_space<hbm>>) target(%dma_start3A_842 : memref<128xf32, #tpu.memory_space<vmem>>) offsets(%dma_start3A_844 : memref<128xi32, #tpu.memory_space<vmem>>) semaphore(%arg24 : memref<!tpu.dma_semaphore, #tpu.memory_space<semaphore_mem>>)
    %dma_start3A_847 = arith.constant 384 : i32
    %dma_start3A_848 = tpu.memref_slice %arg18[%dma_start3A_847] : memref<3072xf32, #tpu.memory_space<vmem>> -> memref<128xf32, #tpu.memory_space<vmem>>
    %dma_start3A_849 = arith.constant 384 : i32
    %dma_start3A_850 = tpu.memref_slice %arg14[%dma_start3A_849] : memref<3072xi32, #tpu.memory_space<vmem>> -> memref<128xi32, #tpu.memory_space<vmem>>
    %dma_start3A_851 = arith.constant 0 : i32
    %dma_start3A_852 = tpu.memref_slice %arg3[%dma_start3A_851] : memref<786432xf32, #tpu.memory_space<hbm>> -> memref<786432xf32, #tpu.memory_space<hbm>>
    tpu.enqueue_indirect_dma source(%dma_start3A_852 : memref<786432xf32, #tpu.memory_space<hbm>>) target(%dma_start3A_848 : memref<128xf32, #tpu.memory_space<vmem>>) offsets(%dma_start3A_850 : memref<128xi32, #tpu.memory_space<vmem>>) semaphore(%arg24 : memref<!tpu.dma_semaphore, #tpu.memory_space<semaphore_mem>>)
    %dma_start3A_853 = arith.constant 512 : i32
    %dma_start3A_854 = tpu.memref_slice %arg18[%dma_start3A_853] : memref<3072xf32, #tpu.memory_space<vmem>> -> memref<128xf32, #tpu.memory_space<vmem>>
    %dma_start3A_855 = arith.constant 512 : i32
    %dma_start3A_856 = tpu.memref_slice %arg14[%dma_start3A_855] : memref<3072xi32, #tpu.memory_space<vmem>> -> memref<128xi32, #tpu.memory_space<vmem>>
    %dma_start3A_857 = arith.constant 0 : i32
    %dma_start3A_858 = tpu.memref_slice %arg3[%dma_start3A_857] : memref<786432xf32, #tpu.memory_space<hbm>> -> memref<786432xf32, #tpu.memory_space<hbm>>
    tpu.enqueue_indirect_dma source(%dma_start3A_858 : memref<786432xf32, #tpu.memory_space<hbm>>) target(%dma_start3A_854 : memref<128xf32, #tpu.memory_space<vmem>>) offsets(%dma_start3A_856 : memref<128xi32, #tpu.memory_space<vmem>>) semaphore(%arg24 : memref<!tpu.dma_semaphore, #tpu.memory_space<semaphore_mem>>)
    %dma_start3A_859 = arith.constant 640 : i32
    %dma_start3A_860 = tpu.memref_slice %arg18[%dma_start3A_859] : memref<3072xf32, #tpu.memory_space<vmem>> -> memref<128xf32, #tpu.memory_space<vmem>>
    %dma_start3A_861 = arith.constant 640 : i32
    %dma_start3A_862 = tpu.memref_slice %arg14[%dma_start3A_861] : memref<3072xi32, #tpu.memory_space<vmem>> -> memref<128xi32, #tpu.memory_space<vmem>>
    %dma_start3A_863 = arith.constant 0 : i32
    %dma_start3A_864 = tpu.memref_slice %arg3[%dma_start3A_863] : memref<786432xf32, #tpu.memory_space<hbm>> -> memref<786432xf32, #tpu.memory_space<hbm>>
    tpu.enqueue_indirect_dma source(%dma_start3A_864 : memref<786432xf32, #tpu.memory_space<hbm>>) target(%dma_start3A_860 : memref<128xf32, #tpu.memory_space<vmem>>) offsets(%dma_start3A_862 : memref<128xi32, #tpu.memory_space<vmem>>) semaphore(%arg24 : memref<!tpu.dma_semaphore, #tpu.memory_space<semaphore_mem>>)
    %dma_start3A_865 = arith.constant 768 : i32
    %dma_start3A_866 = tpu.memref_slice %arg18[%dma_start3A_865] : memref<3072xf32, #tpu.memory_space<vmem>> -> memref<128xf32, #tpu.memory_space<vmem>>
    %dma_start3A_867 = arith.constant 768 : i32
    %dma_start3A_868 = tpu.memref_slice %arg14[%dma_start3A_867] : memref<3072xi32, #tpu.memory_space<vmem>> -> memref<128xi32, #tpu.memory_space<vmem>>
    %dma_start3A_869 = arith.constant 0 : i32
    %dma_start3A_870 = tpu.memref_slice %arg3[%dma_start3A_869] : memref<786432xf32, #tpu.memory_space<hbm>> -> memref<786432xf32, #tpu.memory_space<hbm>>
    tpu.enqueue_indirect_dma source(%dma_start3A_870 : memref<786432xf32, #tpu.memory_space<hbm>>) target(%dma_start3A_866 : memref<128xf32, #tpu.memory_space<vmem>>) offsets(%dma_start3A_868 : memref<128xi32, #tpu.memory_space<vmem>>) semaphore(%arg24 : memref<!tpu.dma_semaphore, #tpu.memory_space<semaphore_mem>>)
    %dma_start3A_871 = arith.constant 896 : i32
    %dma_start3A_872 = tpu.memref_slice %arg18[%dma_start3A_871] : memref<3072xf32, #tpu.memory_space<vmem>> -> memref<128xf32, #tpu.memory_space<vmem>>
    %dma_start3A_873 = arith.constant 896 : i32
    %dma_start3A_874 = tpu.memref_slice %arg14[%dma_start3A_873] : memref<3072xi32, #tpu.memory_space<vmem>> -> memref<128xi32, #tpu.memory_space<vmem>>
    %dma_start3A_875 = arith.constant 0 : i32
    %dma_start3A_876 = tpu.memref_slice %arg3[%dma_start3A_875] : memref<786432xf32, #tpu.memory_space<hbm>> -> memref<786432xf32, #tpu.memory_space<hbm>>
    tpu.enqueue_indirect_dma source(%dma_start3A_876 : memref<786432xf32, #tpu.memory_space<hbm>>) target(%dma_start3A_872 : memref<128xf32, #tpu.memory_space<vmem>>) offsets(%dma_start3A_874 : memref<128xi32, #tpu.memory_space<vmem>>) semaphore(%arg24 : memref<!tpu.dma_semaphore, #tpu.memory_space<semaphore_mem>>)
    %dma_start3A_877 = arith.constant 1024 : i32
    %dma_start3A_878 = tpu.memref_slice %arg18[%dma_start3A_877] : memref<3072xf32, #tpu.memory_space<vmem>> -> memref<128xf32, #tpu.memory_space<vmem>>
    %dma_start3A_879 = arith.constant 1024 : i32
    %dma_start3A_880 = tpu.memref_slice %arg14[%dma_start3A_879] : memref<3072xi32, #tpu.memory_space<vmem>> -> memref<128xi32, #tpu.memory_space<vmem>>
    %dma_start3A_881 = arith.constant 0 : i32
    %dma_start3A_882 = tpu.memref_slice %arg3[%dma_start3A_881] : memref<786432xf32, #tpu.memory_space<hbm>> -> memref<786432xf32, #tpu.memory_space<hbm>>
    tpu.enqueue_indirect_dma source(%dma_start3A_882 : memref<786432xf32, #tpu.memory_space<hbm>>) target(%dma_start3A_878 : memref<128xf32, #tpu.memory_space<vmem>>) offsets(%dma_start3A_880 : memref<128xi32, #tpu.memory_space<vmem>>) semaphore(%arg24 : memref<!tpu.dma_semaphore, #tpu.memory_space<semaphore_mem>>)
    %dma_start3A_883 = arith.constant 1152 : i32
    %dma_start3A_884 = tpu.memref_slice %arg18[%dma_start3A_883] : memref<3072xf32, #tpu.memory_space<vmem>> -> memref<128xf32, #tpu.memory_space<vmem>>
    %dma_start3A_885 = arith.constant 1152 : i32
    %dma_start3A_886 = tpu.memref_slice %arg14[%dma_start3A_885] : memref<3072xi32, #tpu.memory_space<vmem>> -> memref<128xi32, #tpu.memory_space<vmem>>
    %dma_start3A_887 = arith.constant 0 : i32
    %dma_start3A_888 = tpu.memref_slice %arg3[%dma_start3A_887] : memref<786432xf32, #tpu.memory_space<hbm>> -> memref<786432xf32, #tpu.memory_space<hbm>>
    tpu.enqueue_indirect_dma source(%dma_start3A_888 : memref<786432xf32, #tpu.memory_space<hbm>>) target(%dma_start3A_884 : memref<128xf32, #tpu.memory_space<vmem>>) offsets(%dma_start3A_886 : memref<128xi32, #tpu.memory_space<vmem>>) semaphore(%arg24 : memref<!tpu.dma_semaphore, #tpu.memory_space<semaphore_mem>>)
    %dma_start3A_889 = arith.constant 1280 : i32
    %dma_start3A_890 = tpu.memref_slice %arg18[%dma_start3A_889] : memref<3072xf32, #tpu.memory_space<vmem>> -> memref<128xf32, #tpu.memory_space<vmem>>
    %dma_start3A_891 = arith.constant 1280 : i32
    %dma_start3A_892 = tpu.memref_slice %arg14[%dma_start3A_891] : memref<3072xi32, #tpu.memory_space<vmem>> -> memref<128xi32, #tpu.memory_space<vmem>>
    %dma_start3A_893 = arith.constant 0 : i32
    %dma_start3A_894 = tpu.memref_slice %arg3[%dma_start3A_893] : memref<786432xf32, #tpu.memory_space<hbm>> -> memref<786432xf32, #tpu.memory_space<hbm>>
    tpu.enqueue_indirect_dma source(%dma_start3A_894 : memref<786432xf32, #tpu.memory_space<hbm>>) target(%dma_start3A_890 : memref<128xf32, #tpu.memory_space<vmem>>) offsets(%dma_start3A_892 : memref<128xi32, #tpu.memory_space<vmem>>) semaphore(%arg24 : memref<!tpu.dma_semaphore, #tpu.memory_space<semaphore_mem>>)
    %dma_start3A_895 = arith.constant 1408 : i32
    %dma_start3A_896 = tpu.memref_slice %arg18[%dma_start3A_895] : memref<3072xf32, #tpu.memory_space<vmem>> -> memref<128xf32, #tpu.memory_space<vmem>>
    %dma_start3A_897 = arith.constant 1408 : i32
    %dma_start3A_898 = tpu.memref_slice %arg14[%dma_start3A_897] : memref<3072xi32, #tpu.memory_space<vmem>> -> memref<128xi32, #tpu.memory_space<vmem>>
    %dma_start3A_899 = arith.constant 0 : i32
    %dma_start3A_900 = tpu.memref_slice %arg3[%dma_start3A_899] : memref<786432xf32, #tpu.memory_space<hbm>> -> memref<786432xf32, #tpu.memory_space<hbm>>
    tpu.enqueue_indirect_dma source(%dma_start3A_900 : memref<786432xf32, #tpu.memory_space<hbm>>) target(%dma_start3A_896 : memref<128xf32, #tpu.memory_space<vmem>>) offsets(%dma_start3A_898 : memref<128xi32, #tpu.memory_space<vmem>>) semaphore(%arg24 : memref<!tpu.dma_semaphore, #tpu.memory_space<semaphore_mem>>)
    %dma_start3A_901 = arith.constant 1536 : i32
    %dma_start3A_902 = tpu.memref_slice %arg18[%dma_start3A_901] : memref<3072xf32, #tpu.memory_space<vmem>> -> memref<128xf32, #tpu.memory_space<vmem>>
    %dma_start3A_903 = arith.constant 1536 : i32
    %dma_start3A_904 = tpu.memref_slice %arg14[%dma_start3A_903] : memref<3072xi32, #tpu.memory_space<vmem>> -> memref<128xi32, #tpu.memory_space<vmem>>
    %dma_start3A_905 = arith.constant 0 : i32
    %dma_start3A_906 = tpu.memref_slice %arg3[%dma_start3A_905] : memref<786432xf32, #tpu.memory_space<hbm>> -> memref<786432xf32, #tpu.memory_space<hbm>>
    tpu.enqueue_indirect_dma source(%dma_start3A_906 : memref<786432xf32, #tpu.memory_space<hbm>>) target(%dma_start3A_902 : memref<128xf32, #tpu.memory_space<vmem>>) offsets(%dma_start3A_904 : memref<128xi32, #tpu.memory_space<vmem>>) semaphore(%arg24 : memref<!tpu.dma_semaphore, #tpu.memory_space<semaphore_mem>>)
    %dma_start3A_907 = arith.constant 1664 : i32
    %dma_start3A_908 = tpu.memref_slice %arg18[%dma_start3A_907] : memref<3072xf32, #tpu.memory_space<vmem>> -> memref<128xf32, #tpu.memory_space<vmem>>
    %dma_start3A_909 = arith.constant 1664 : i32
    %dma_start3A_910 = tpu.memref_slice %arg14[%dma_start3A_909] : memref<3072xi32, #tpu.memory_space<vmem>> -> memref<128xi32, #tpu.memory_space<vmem>>
    %dma_start3A_911 = arith.constant 0 : i32
    %dma_start3A_912 = tpu.memref_slice %arg3[%dma_start3A_911] : memref<786432xf32, #tpu.memory_space<hbm>> -> memref<786432xf32, #tpu.memory_space<hbm>>
    tpu.enqueue_indirect_dma source(%dma_start3A_912 : memref<786432xf32, #tpu.memory_space<hbm>>) target(%dma_start3A_908 : memref<128xf32, #tpu.memory_space<vmem>>) offsets(%dma_start3A_910 : memref<128xi32, #tpu.memory_space<vmem>>) semaphore(%arg24 : memref<!tpu.dma_semaphore, #tpu.memory_space<semaphore_mem>>)
    %dma_start3A_913 = arith.constant 1792 : i32
    %dma_start3A_914 = tpu.memref_slice %arg18[%dma_start3A_913] : memref<3072xf32, #tpu.memory_space<vmem>> -> memref<128xf32, #tpu.memory_space<vmem>>
    %dma_start3A_915 = arith.constant 1792 : i32
    %dma_start3A_916 = tpu.memref_slice %arg14[%dma_start3A_915] : memref<3072xi32, #tpu.memory_space<vmem>> -> memref<128xi32, #tpu.memory_space<vmem>>
    %dma_start3A_917 = arith.constant 0 : i32
    %dma_start3A_918 = tpu.memref_slice %arg3[%dma_start3A_917] : memref<786432xf32, #tpu.memory_space<hbm>> -> memref<786432xf32, #tpu.memory_space<hbm>>
    tpu.enqueue_indirect_dma source(%dma_start3A_918 : memref<786432xf32, #tpu.memory_space<hbm>>) target(%dma_start3A_914 : memref<128xf32, #tpu.memory_space<vmem>>) offsets(%dma_start3A_916 : memref<128xi32, #tpu.memory_space<vmem>>) semaphore(%arg24 : memref<!tpu.dma_semaphore, #tpu.memory_space<semaphore_mem>>)
    %dma_start3A_919 = arith.constant 1920 : i32
    %dma_start3A_920 = tpu.memref_slice %arg18[%dma_start3A_919] : memref<3072xf32, #tpu.memory_space<vmem>> -> memref<128xf32, #tpu.memory_space<vmem>>
    %dma_start3A_921 = arith.constant 1920 : i32
    %dma_start3A_922 = tpu.memref_slice %arg14[%dma_start3A_921] : memref<3072xi32, #tpu.memory_space<vmem>> -> memref<128xi32, #tpu.memory_space<vmem>>
    %dma_start3A_923 = arith.constant 0 : i32
    %dma_start3A_924 = tpu.memref_slice %arg3[%dma_start3A_923] : memref<786432xf32, #tpu.memory_space<hbm>> -> memref<786432xf32, #tpu.memory_space<hbm>>
    tpu.enqueue_indirect_dma source(%dma_start3A_924 : memref<786432xf32, #tpu.memory_space<hbm>>) target(%dma_start3A_920 : memref<128xf32, #tpu.memory_space<vmem>>) offsets(%dma_start3A_922 : memref<128xi32, #tpu.memory_space<vmem>>) semaphore(%arg24 : memref<!tpu.dma_semaphore, #tpu.memory_space<semaphore_mem>>)
    %dma_start3A_925 = arith.constant 2048 : i32
    %dma_start3A_926 = tpu.memref_slice %arg18[%dma_start3A_925] : memref<3072xf32, #tpu.memory_space<vmem>> -> memref<128xf32, #tpu.memory_space<vmem>>
    %dma_start3A_927 = arith.constant 2048 : i32
    %dma_start3A_928 = tpu.memref_slice %arg14[%dma_start3A_927] : memref<3072xi32, #tpu.memory_space<vmem>> -> memref<128xi32, #tpu.memory_space<vmem>>
    %dma_start3A_929 = arith.constant 0 : i32
    %dma_start3A_930 = tpu.memref_slice %arg3[%dma_start3A_929] : memref<786432xf32, #tpu.memory_space<hbm>> -> memref<786432xf32, #tpu.memory_space<hbm>>
    tpu.enqueue_indirect_dma source(%dma_start3A_930 : memref<786432xf32, #tpu.memory_space<hbm>>) target(%dma_start3A_926 : memref<128xf32, #tpu.memory_space<vmem>>) offsets(%dma_start3A_928 : memref<128xi32, #tpu.memory_space<vmem>>) semaphore(%arg24 : memref<!tpu.dma_semaphore, #tpu.memory_space<semaphore_mem>>)
    %dma_start3A_931 = arith.constant 2176 : i32
    %dma_start3A_932 = tpu.memref_slice %arg18[%dma_start3A_931] : memref<3072xf32, #tpu.memory_space<vmem>> -> memref<128xf32, #tpu.memory_space<vmem>>
    %dma_start3A_933 = arith.constant 2176 : i32
    %dma_start3A_934 = tpu.memref_slice %arg14[%dma_start3A_933] : memref<3072xi32, #tpu.memory_space<vmem>> -> memref<128xi32, #tpu.memory_space<vmem>>
    %dma_start3A_935 = arith.constant 0 : i32
    %dma_start3A_936 = tpu.memref_slice %arg3[%dma_start3A_935] : memref<786432xf32, #tpu.memory_space<hbm>> -> memref<786432xf32, #tpu.memory_space<hbm>>
    tpu.enqueue_indirect_dma source(%dma_start3A_936 : memref<786432xf32, #tpu.memory_space<hbm>>) target(%dma_start3A_932 : memref<128xf32, #tpu.memory_space<vmem>>) offsets(%dma_start3A_934 : memref<128xi32, #tpu.memory_space<vmem>>) semaphore(%arg24 : memref<!tpu.dma_semaphore, #tpu.memory_space<semaphore_mem>>)
    %dma_start3A_937 = arith.constant 2304 : i32
    %dma_start3A_938 = tpu.memref_slice %arg18[%dma_start3A_937] : memref<3072xf32, #tpu.memory_space<vmem>> -> memref<128xf32, #tpu.memory_space<vmem>>
    %dma_start3A_939 = arith.constant 2304 : i32
    %dma_start3A_940 = tpu.memref_slice %arg14[%dma_start3A_939] : memref<3072xi32, #tpu.memory_space<vmem>> -> memref<128xi32, #tpu.memory_space<vmem>>
    %dma_start3A_941 = arith.constant 0 : i32
    %dma_start3A_942 = tpu.memref_slice %arg3[%dma_start3A_941] : memref<786432xf32, #tpu.memory_space<hbm>> -> memref<786432xf32, #tpu.memory_space<hbm>>
    tpu.enqueue_indirect_dma source(%dma_start3A_942 : memref<786432xf32, #tpu.memory_space<hbm>>) target(%dma_start3A_938 : memref<128xf32, #tpu.memory_space<vmem>>) offsets(%dma_start3A_940 : memref<128xi32, #tpu.memory_space<vmem>>) semaphore(%arg24 : memref<!tpu.dma_semaphore, #tpu.memory_space<semaphore_mem>>)
    %dma_start3A_943 = arith.constant 2432 : i32
    %dma_start3A_944 = tpu.memref_slice %arg18[%dma_start3A_943] : memref<3072xf32, #tpu.memory_space<vmem>> -> memref<128xf32, #tpu.memory_space<vmem>>
    %dma_start3A_945 = arith.constant 2432 : i32
    %dma_start3A_946 = tpu.memref_slice %arg14[%dma_start3A_945] : memref<3072xi32, #tpu.memory_space<vmem>> -> memref<128xi32, #tpu.memory_space<vmem>>
    %dma_start3A_947 = arith.constant 0 : i32
    %dma_start3A_948 = tpu.memref_slice %arg3[%dma_start3A_947] : memref<786432xf32, #tpu.memory_space<hbm>> -> memref<786432xf32, #tpu.memory_space<hbm>>
    tpu.enqueue_indirect_dma source(%dma_start3A_948 : memref<786432xf32, #tpu.memory_space<hbm>>) target(%dma_start3A_944 : memref<128xf32, #tpu.memory_space<vmem>>) offsets(%dma_start3A_946 : memref<128xi32, #tpu.memory_space<vmem>>) semaphore(%arg24 : memref<!tpu.dma_semaphore, #tpu.memory_space<semaphore_mem>>)
    %dma_start3A_949 = arith.constant 2560 : i32
    %dma_start3A_950 = tpu.memref_slice %arg18[%dma_start3A_949] : memref<3072xf32, #tpu.memory_space<vmem>> -> memref<128xf32, #tpu.memory_space<vmem>>
    %dma_start3A_951 = arith.constant 2560 : i32
    %dma_start3A_952 = tpu.memref_slice %arg14[%dma_start3A_951] : memref<3072xi32, #tpu.memory_space<vmem>> -> memref<128xi32, #tpu.memory_space<vmem>>
    %dma_start3A_953 = arith.constant 0 : i32
    %dma_start3A_954 = tpu.memref_slice %arg3[%dma_start3A_953] : memref<786432xf32, #tpu.memory_space<hbm>> -> memref<786432xf32, #tpu.memory_space<hbm>>
    tpu.enqueue_indirect_dma source(%dma_start3A_954 : memref<786432xf32, #tpu.memory_space<hbm>>) target(%dma_start3A_950 : memref<128xf32, #tpu.memory_space<vmem>>) offsets(%dma_start3A_952 : memref<128xi32, #tpu.memory_space<vmem>>) semaphore(%arg24 : memref<!tpu.dma_semaphore, #tpu.memory_space<semaphore_mem>>)
    %dma_start3A_955 = arith.constant 2688 : i32
    %dma_start3A_956 = tpu.memref_slice %arg18[%dma_start3A_955] : memref<3072xf32, #tpu.memory_space<vmem>> -> memref<128xf32, #tpu.memory_space<vmem>>
    %dma_start3A_957 = arith.constant 2688 : i32
    %dma_start3A_958 = tpu.memref_slice %arg14[%dma_start3A_957] : memref<3072xi32, #tpu.memory_space<vmem>> -> memref<128xi32, #tpu.memory_space<vmem>>
    %dma_start3A_959 = arith.constant 0 : i32
    %dma_start3A_960 = tpu.memref_slice %arg3[%dma_start3A_959] : memref<786432xf32, #tpu.memory_space<hbm>> -> memref<786432xf32, #tpu.memory_space<hbm>>
    tpu.enqueue_indirect_dma source(%dma_start3A_960 : memref<786432xf32, #tpu.memory_space<hbm>>) target(%dma_start3A_956 : memref<128xf32, #tpu.memory_space<vmem>>) offsets(%dma_start3A_958 : memref<128xi32, #tpu.memory_space<vmem>>) semaphore(%arg24 : memref<!tpu.dma_semaphore, #tpu.memory_space<semaphore_mem>>)
    %dma_start3A_961 = arith.constant 2816 : i32
    %dma_start3A_962 = tpu.memref_slice %arg18[%dma_start3A_961] : memref<3072xf32, #tpu.memory_space<vmem>> -> memref<128xf32, #tpu.memory_space<vmem>>
    %dma_start3A_963 = arith.constant 2816 : i32
    %dma_start3A_964 = tpu.memref_slice %arg14[%dma_start3A_963] : memref<3072xi32, #tpu.memory_space<vmem>> -> memref<128xi32, #tpu.memory_space<vmem>>
    %dma_start3A_965 = arith.constant 0 : i32
    %dma_start3A_966 = tpu.memref_slice %arg3[%dma_start3A_965] : memref<786432xf32, #tpu.memory_space<hbm>> -> memref<786432xf32, #tpu.memory_space<hbm>>
    tpu.enqueue_indirect_dma source(%dma_start3A_966 : memref<786432xf32, #tpu.memory_space<hbm>>) target(%dma_start3A_962 : memref<128xf32, #tpu.memory_space<vmem>>) offsets(%dma_start3A_964 : memref<128xi32, #tpu.memory_space<vmem>>) semaphore(%arg24 : memref<!tpu.dma_semaphore, #tpu.memory_space<semaphore_mem>>)
    %dma_start3A_967 = arith.constant 2944 : i32
    %dma_start3A_968 = tpu.memref_slice %arg18[%dma_start3A_967] : memref<3072xf32, #tpu.memory_space<vmem>> -> memref<128xf32, #tpu.memory_space<vmem>>
    %dma_start3A_969 = arith.constant 2944 : i32
    %dma_start3A_970 = tpu.memref_slice %arg14[%dma_start3A_969] : memref<3072xi32, #tpu.memory_space<vmem>> -> memref<128xi32, #tpu.memory_space<vmem>>
    %dma_start3A_971 = arith.constant 0 : i32
    %dma_start3A_972 = tpu.memref_slice %arg3[%dma_start3A_971] : memref<786432xf32, #tpu.memory_space<hbm>> -> memref<786432xf32, #tpu.memory_space<hbm>>
    tpu.enqueue_indirect_dma source(%dma_start3A_972 : memref<786432xf32, #tpu.memory_space<hbm>>) target(%dma_start3A_968 : memref<128xf32, #tpu.memory_space<vmem>>) offsets(%dma_start3A_970 : memref<128xi32, #tpu.memory_space<vmem>>) semaphore(%arg24 : memref<!tpu.dma_semaphore, #tpu.memory_space<semaphore_mem>>)
    %dma_start3A_973 = arith.constant 0 : i32
    %dma_start3A_974 = tpu.memref_slice %arg19[%dma_start3A_973] : memref<1024xf32, #tpu.memory_space<vmem>> -> memref<128xf32, #tpu.memory_space<vmem>>
    %dma_start3A_975 = arith.constant 0 : i32
    %dma_start3A_976 = tpu.memref_slice %arg15[%dma_start3A_975] : memref<1024xi32, #tpu.memory_space<vmem>> -> memref<128xi32, #tpu.memory_space<vmem>>
    %dma_start3A_977 = arith.constant 0 : i32
    %dma_start3A_978 = tpu.memref_slice %arg4[%dma_start3A_977] : memref<262144xf32, #tpu.memory_space<hbm>> -> memref<262144xf32, #tpu.memory_space<hbm>>
    tpu.enqueue_indirect_dma source(%dma_start3A_978 : memref<262144xf32, #tpu.memory_space<hbm>>) target(%dma_start3A_974 : memref<128xf32, #tpu.memory_space<vmem>>) offsets(%dma_start3A_976 : memref<128xi32, #tpu.memory_space<vmem>>) semaphore(%arg24 : memref<!tpu.dma_semaphore, #tpu.memory_space<semaphore_mem>>)
    %dma_start3A_979 = arith.constant 128 : i32
    %dma_start3A_980 = tpu.memref_slice %arg19[%dma_start3A_979] : memref<1024xf32, #tpu.memory_space<vmem>> -> memref<128xf32, #tpu.memory_space<vmem>>
    %dma_start3A_981 = arith.constant 128 : i32
    %dma_start3A_982 = tpu.memref_slice %arg15[%dma_start3A_981] : memref<1024xi32, #tpu.memory_space<vmem>> -> memref<128xi32, #tpu.memory_space<vmem>>
    %dma_start3A_983 = arith.constant 0 : i32
    %dma_start3A_984 = tpu.memref_slice %arg4[%dma_start3A_983] : memref<262144xf32, #tpu.memory_space<hbm>> -> memref<262144xf32, #tpu.memory_space<hbm>>
    tpu.enqueue_indirect_dma source(%dma_start3A_984 : memref<262144xf32, #tpu.memory_space<hbm>>) target(%dma_start3A_980 : memref<128xf32, #tpu.memory_space<vmem>>) offsets(%dma_start3A_982 : memref<128xi32, #tpu.memory_space<vmem>>) semaphore(%arg24 : memref<!tpu.dma_semaphore, #tpu.memory_space<semaphore_mem>>)
    %dma_start3A_985 = arith.constant 256 : i32
    %dma_start3A_986 = tpu.memref_slice %arg19[%dma_start3A_985] : memref<1024xf32, #tpu.memory_space<vmem>> -> memref<128xf32, #tpu.memory_space<vmem>>
    %dma_start3A_987 = arith.constant 256 : i32
    %dma_start3A_988 = tpu.memref_slice %arg15[%dma_start3A_987] : memref<1024xi32, #tpu.memory_space<vmem>> -> memref<128xi32, #tpu.memory_space<vmem>>
    %dma_start3A_989 = arith.constant 0 : i32
    %dma_start3A_990 = tpu.memref_slice %arg4[%dma_start3A_989] : memref<262144xf32, #tpu.memory_space<hbm>> -> memref<262144xf32, #tpu.memory_space<hbm>>
    tpu.enqueue_indirect_dma source(%dma_start3A_990 : memref<262144xf32, #tpu.memory_space<hbm>>) target(%dma_start3A_986 : memref<128xf32, #tpu.memory_space<vmem>>) offsets(%dma_start3A_988 : memref<128xi32, #tpu.memory_space<vmem>>) semaphore(%arg24 : memref<!tpu.dma_semaphore, #tpu.memory_space<semaphore_mem>>)
    %dma_start3A_991 = arith.constant 384 : i32
    %dma_start3A_992 = tpu.memref_slice %arg19[%dma_start3A_991] : memref<1024xf32, #tpu.memory_space<vmem>> -> memref<128xf32, #tpu.memory_space<vmem>>
    %dma_start3A_993 = arith.constant 384 : i32
    %dma_start3A_994 = tpu.memref_slice %arg15[%dma_start3A_993] : memref<1024xi32, #tpu.memory_space<vmem>> -> memref<128xi32, #tpu.memory_space<vmem>>
    %dma_start3A_995 = arith.constant 0 : i32
    %dma_start3A_996 = tpu.memref_slice %arg4[%dma_start3A_995] : memref<262144xf32, #tpu.memory_space<hbm>> -> memref<262144xf32, #tpu.memory_space<hbm>>
    tpu.enqueue_indirect_dma source(%dma_start3A_996 : memref<262144xf32, #tpu.memory_space<hbm>>) target(%dma_start3A_992 : memref<128xf32, #tpu.memory_space<vmem>>) offsets(%dma_start3A_994 : memref<128xi32, #tpu.memory_space<vmem>>) semaphore(%arg24 : memref<!tpu.dma_semaphore, #tpu.memory_space<semaphore_mem>>)
    %dma_start3A_997 = arith.constant 512 : i32
    %dma_start3A_998 = tpu.memref_slice %arg19[%dma_start3A_997] : memref<1024xf32, #tpu.memory_space<vmem>> -> memref<128xf32, #tpu.memory_space<vmem>>
    %dma_start3A_999 = arith.constant 512 : i32
    %dma_start3A_1000 = tpu.memref_slice %arg15[%dma_start3A_999] : memref<1024xi32, #tpu.memory_space<vmem>> -> memref<128xi32, #tpu.memory_space<vmem>>
    %dma_start3A_1001 = arith.constant 0 : i32
    %dma_start3A_1002 = tpu.memref_slice %arg4[%dma_start3A_1001] : memref<262144xf32, #tpu.memory_space<hbm>> -> memref<262144xf32, #tpu.memory_space<hbm>>
    tpu.enqueue_indirect_dma source(%dma_start3A_1002 : memref<262144xf32, #tpu.memory_space<hbm>>) target(%dma_start3A_998 : memref<128xf32, #tpu.memory_space<vmem>>) offsets(%dma_start3A_1000 : memref<128xi32, #tpu.memory_space<vmem>>) semaphore(%arg24 : memref<!tpu.dma_semaphore, #tpu.memory_space<semaphore_mem>>)
    %dma_start3A_1003 = arith.constant 640 : i32
    %dma_start3A_1004 = tpu.memref_slice %arg19[%dma_start3A_1003] : memref<1024xf32, #tpu.memory_space<vmem>> -> memref<128xf32, #tpu.memory_space<vmem>>
    %dma_start3A_1005 = arith.constant 640 : i32
    %dma_start3A_1006 = tpu.memref_slice %arg15[%dma_start3A_1005] : memref<1024xi32, #tpu.memory_space<vmem>> -> memref<128xi32, #tpu.memory_space<vmem>>
    %dma_start3A_1007 = arith.constant 0 : i32
    %dma_start3A_1008 = tpu.memref_slice %arg4[%dma_start3A_1007] : memref<262144xf32, #tpu.memory_space<hbm>> -> memref<262144xf32, #tpu.memory_space<hbm>>
    tpu.enqueue_indirect_dma source(%dma_start3A_1008 : memref<262144xf32, #tpu.memory_space<hbm>>) target(%dma_start3A_1004 : memref<128xf32, #tpu.memory_space<vmem>>) offsets(%dma_start3A_1006 : memref<128xi32, #tpu.memory_space<vmem>>) semaphore(%arg24 : memref<!tpu.dma_semaphore, #tpu.memory_space<semaphore_mem>>)
    %dma_start3A_1009 = arith.constant 768 : i32
    %dma_start3A_1010 = tpu.memref_slice %arg19[%dma_start3A_1009] : memref<1024xf32, #tpu.memory_space<vmem>> -> memref<128xf32, #tpu.memory_space<vmem>>
    %dma_start3A_1011 = arith.constant 768 : i32
    %dma_start3A_1012 = tpu.memref_slice %arg15[%dma_start3A_1011] : memref<1024xi32, #tpu.memory_space<vmem>> -> memref<128xi32, #tpu.memory_space<vmem>>
    %dma_start3A_1013 = arith.constant 0 : i32
    %dma_start3A_1014 = tpu.memref_slice %arg4[%dma_start3A_1013] : memref<262144xf32, #tpu.memory_space<hbm>> -> memref<262144xf32, #tpu.memory_space<hbm>>
    tpu.enqueue_indirect_dma source(%dma_start3A_1014 : memref<262144xf32, #tpu.memory_space<hbm>>) target(%dma_start3A_1010 : memref<128xf32, #tpu.memory_space<vmem>>) offsets(%dma_start3A_1012 : memref<128xi32, #tpu.memory_space<vmem>>) semaphore(%arg24 : memref<!tpu.dma_semaphore, #tpu.memory_space<semaphore_mem>>)
    %dma_start3A_1015 = arith.constant 896 : i32
    %dma_start3A_1016 = tpu.memref_slice %arg19[%dma_start3A_1015] : memref<1024xf32, #tpu.memory_space<vmem>> -> memref<128xf32, #tpu.memory_space<vmem>>
    %dma_start3A_1017 = arith.constant 896 : i32
    %dma_start3A_1018 = tpu.memref_slice %arg15[%dma_start3A_1017] : memref<1024xi32, #tpu.memory_space<vmem>> -> memref<128xi32, #tpu.memory_space<vmem>>
    %dma_start3A_1019 = arith.constant 0 : i32
    %dma_start3A_1020 = tpu.memref_slice %arg4[%dma_start3A_1019] : memref<262144xf32, #tpu.memory_space<hbm>> -> memref<262144xf32, #tpu.memory_space<hbm>>
    tpu.enqueue_indirect_dma source(%dma_start3A_1020 : memref<262144xf32, #tpu.memory_space<hbm>>) target(%dma_start3A_1016 : memref<128xf32, #tpu.memory_space<vmem>>) offsets(%dma_start3A_1018 : memref<128xi32, #tpu.memory_space<vmem>>) semaphore(%arg24 : memref<!tpu.dma_semaphore, #tpu.memory_space<semaphore_mem>>)
    %dma_wait3A_1021 = arith.constant 0 : i32
    %dma_wait3A_1022 = tpu.memref_slice %arg16[%dma_wait3A_1021] : memref<1024xf32, #tpu.memory_space<vmem>> -> memref<128xf32, #tpu.memory_space<vmem>>
    %dma_wait3A_1023 = arith.constant 0 : i32
    %dma_wait3A_1024 = tpu.memref_slice %arg13[%dma_wait3A_1023] : memref<2048xi32, #tpu.memory_space<vmem>> -> memref<128xi32, #tpu.memory_space<vmem>>
    %dma_wait3A_1025 = arith.constant 0 : i32
    %dma_wait3A_1026 = tpu.memref_slice %arg2[%dma_wait3A_1025] : memref<4194304xf32, #tpu.memory_space<hbm>> -> memref<4194304xf32, #tpu.memory_space<hbm>>
    tpu.wait_indirect_dma semaphore(%arg24 : memref<!tpu.dma_semaphore, #tpu.memory_space<semaphore_mem>>) src(%dma_wait3A_1026 : memref<4194304xf32, #tpu.memory_space<hbm>>) dst(%dma_wait3A_1022 : memref<128xf32, #tpu.memory_space<vmem>>)
    %dma_wait3A_1027 = arith.constant 128 : i32
    %dma_wait3A_1028 = tpu.memref_slice %arg16[%dma_wait3A_1027] : memref<1024xf32, #tpu.memory_space<vmem>> -> memref<128xf32, #tpu.memory_space<vmem>>
    %dma_wait3A_1029 = arith.constant 128 : i32
    %dma_wait3A_1030 = tpu.memref_slice %arg13[%dma_wait3A_1029] : memref<2048xi32, #tpu.memory_space<vmem>> -> memref<128xi32, #tpu.memory_space<vmem>>
    %dma_wait3A_1031 = arith.constant 0 : i32
    %dma_wait3A_1032 = tpu.memref_slice %arg2[%dma_wait3A_1031] : memref<4194304xf32, #tpu.memory_space<hbm>> -> memref<4194304xf32, #tpu.memory_space<hbm>>
    tpu.wait_indirect_dma semaphore(%arg24 : memref<!tpu.dma_semaphore, #tpu.memory_space<semaphore_mem>>) src(%dma_wait3A_1032 : memref<4194304xf32, #tpu.memory_space<hbm>>) dst(%dma_wait3A_1028 : memref<128xf32, #tpu.memory_space<vmem>>)
    %dma_wait3A_1033 = arith.constant 256 : i32
    %dma_wait3A_1034 = tpu.memref_slice %arg16[%dma_wait3A_1033] : memref<1024xf32, #tpu.memory_space<vmem>> -> memref<128xf32, #tpu.memory_space<vmem>>
    %dma_wait3A_1035 = arith.constant 256 : i32
    %dma_wait3A_1036 = tpu.memref_slice %arg13[%dma_wait3A_1035] : memref<2048xi32, #tpu.memory_space<vmem>> -> memref<128xi32, #tpu.memory_space<vmem>>
    %dma_wait3A_1037 = arith.constant 0 : i32
    %dma_wait3A_1038 = tpu.memref_slice %arg2[%dma_wait3A_1037] : memref<4194304xf32, #tpu.memory_space<hbm>> -> memref<4194304xf32, #tpu.memory_space<hbm>>
    tpu.wait_indirect_dma semaphore(%arg24 : memref<!tpu.dma_semaphore, #tpu.memory_space<semaphore_mem>>) src(%dma_wait3A_1038 : memref<4194304xf32, #tpu.memory_space<hbm>>) dst(%dma_wait3A_1034 : memref<128xf32, #tpu.memory_space<vmem>>)
    %dma_wait3A_1039 = arith.constant 384 : i32
    %dma_wait3A_1040 = tpu.memref_slice %arg16[%dma_wait3A_1039] : memref<1024xf32, #tpu.memory_space<vmem>> -> memref<128xf32, #tpu.memory_space<vmem>>
    %dma_wait3A_1041 = arith.constant 384 : i32
    %dma_wait3A_1042 = tpu.memref_slice %arg13[%dma_wait3A_1041] : memref<2048xi32, #tpu.memory_space<vmem>> -> memref<128xi32, #tpu.memory_space<vmem>>
    %dma_wait3A_1043 = arith.constant 0 : i32
    %dma_wait3A_1044 = tpu.memref_slice %arg2[%dma_wait3A_1043] : memref<4194304xf32, #tpu.memory_space<hbm>> -> memref<4194304xf32, #tpu.memory_space<hbm>>
    tpu.wait_indirect_dma semaphore(%arg24 : memref<!tpu.dma_semaphore, #tpu.memory_space<semaphore_mem>>) src(%dma_wait3A_1044 : memref<4194304xf32, #tpu.memory_space<hbm>>) dst(%dma_wait3A_1040 : memref<128xf32, #tpu.memory_space<vmem>>)
    %dma_wait3A_1045 = arith.constant 512 : i32
    %dma_wait3A_1046 = tpu.memref_slice %arg16[%dma_wait3A_1045] : memref<1024xf32, #tpu.memory_space<vmem>> -> memref<128xf32, #tpu.memory_space<vmem>>
    %dma_wait3A_1047 = arith.constant 512 : i32
    %dma_wait3A_1048 = tpu.memref_slice %arg13[%dma_wait3A_1047] : memref<2048xi32, #tpu.memory_space<vmem>> -> memref<128xi32, #tpu.memory_space<vmem>>
    %dma_wait3A_1049 = arith.constant 0 : i32
    %dma_wait3A_1050 = tpu.memref_slice %arg2[%dma_wait3A_1049] : memref<4194304xf32, #tpu.memory_space<hbm>> -> memref<4194304xf32, #tpu.memory_space<hbm>>
    tpu.wait_indirect_dma semaphore(%arg24 : memref<!tpu.dma_semaphore, #tpu.memory_space<semaphore_mem>>) src(%dma_wait3A_1050 : memref<4194304xf32, #tpu.memory_space<hbm>>) dst(%dma_wait3A_1046 : memref<128xf32, #tpu.memory_space<vmem>>)
    %dma_wait3A_1051 = arith.constant 640 : i32
    %dma_wait3A_1052 = tpu.memref_slice %arg16[%dma_wait3A_1051] : memref<1024xf32, #tpu.memory_space<vmem>> -> memref<128xf32, #tpu.memory_space<vmem>>
    %dma_wait3A_1053 = arith.constant 640 : i32
    %dma_wait3A_1054 = tpu.memref_slice %arg13[%dma_wait3A_1053] : memref<2048xi32, #tpu.memory_space<vmem>> -> memref<128xi32, #tpu.memory_space<vmem>>
    %dma_wait3A_1055 = arith.constant 0 : i32
    %dma_wait3A_1056 = tpu.memref_slice %arg2[%dma_wait3A_1055] : memref<4194304xf32, #tpu.memory_space<hbm>> -> memref<4194304xf32, #tpu.memory_space<hbm>>
    tpu.wait_indirect_dma semaphore(%arg24 : memref<!tpu.dma_semaphore, #tpu.memory_space<semaphore_mem>>) src(%dma_wait3A_1056 : memref<4194304xf32, #tpu.memory_space<hbm>>) dst(%dma_wait3A_1052 : memref<128xf32, #tpu.memory_space<vmem>>)
    %dma_wait3A_1057 = arith.constant 768 : i32
    %dma_wait3A_1058 = tpu.memref_slice %arg16[%dma_wait3A_1057] : memref<1024xf32, #tpu.memory_space<vmem>> -> memref<128xf32, #tpu.memory_space<vmem>>
    %dma_wait3A_1059 = arith.constant 768 : i32
    %dma_wait3A_1060 = tpu.memref_slice %arg13[%dma_wait3A_1059] : memref<2048xi32, #tpu.memory_space<vmem>> -> memref<128xi32, #tpu.memory_space<vmem>>
    %dma_wait3A_1061 = arith.constant 0 : i32
    %dma_wait3A_1062 = tpu.memref_slice %arg2[%dma_wait3A_1061] : memref<4194304xf32, #tpu.memory_space<hbm>> -> memref<4194304xf32, #tpu.memory_space<hbm>>
    tpu.wait_indirect_dma semaphore(%arg24 : memref<!tpu.dma_semaphore, #tpu.memory_space<semaphore_mem>>) src(%dma_wait3A_1062 : memref<4194304xf32, #tpu.memory_space<hbm>>) dst(%dma_wait3A_1058 : memref<128xf32, #tpu.memory_space<vmem>>)
    %dma_wait3A_1063 = arith.constant 896 : i32
    %dma_wait3A_1064 = tpu.memref_slice %arg16[%dma_wait3A_1063] : memref<1024xf32, #tpu.memory_space<vmem>> -> memref<128xf32, #tpu.memory_space<vmem>>
    %dma_wait3A_1065 = arith.constant 896 : i32
    %dma_wait3A_1066 = tpu.memref_slice %arg13[%dma_wait3A_1065] : memref<2048xi32, #tpu.memory_space<vmem>> -> memref<128xi32, #tpu.memory_space<vmem>>
    %dma_wait3A_1067 = arith.constant 0 : i32
    %dma_wait3A_1068 = tpu.memref_slice %arg2[%dma_wait3A_1067] : memref<4194304xf32, #tpu.memory_space<hbm>> -> memref<4194304xf32, #tpu.memory_space<hbm>>
    tpu.wait_indirect_dma semaphore(%arg24 : memref<!tpu.dma_semaphore, #tpu.memory_space<semaphore_mem>>) src(%dma_wait3A_1068 : memref<4194304xf32, #tpu.memory_space<hbm>>) dst(%dma_wait3A_1064 : memref<128xf32, #tpu.memory_space<vmem>>)
    %dma_wait3A_1069 = arith.constant 0 : i32
    %dma_wait3A_1070 = tpu.memref_slice %arg17[%dma_wait3A_1069] : memref<1024xf32, #tpu.memory_space<vmem>> -> memref<128xf32, #tpu.memory_space<vmem>>
    %dma_wait3A_1071 = arith.constant 1024 : i32
    %dma_wait3A_1072 = tpu.memref_slice %arg13[%dma_wait3A_1071] : memref<2048xi32, #tpu.memory_space<vmem>> -> memref<128xi32, #tpu.memory_space<vmem>>
    %dma_wait3A_1073 = arith.constant 0 : i32
    %dma_wait3A_1074 = tpu.memref_slice %arg2[%dma_wait3A_1073] : memref<4194304xf32, #tpu.memory_space<hbm>> -> memref<4194304xf32, #tpu.memory_space<hbm>>
    tpu.wait_indirect_dma semaphore(%arg24 : memref<!tpu.dma_semaphore, #tpu.memory_space<semaphore_mem>>) src(%dma_wait3A_1074 : memref<4194304xf32, #tpu.memory_space<hbm>>) dst(%dma_wait3A_1070 : memref<128xf32, #tpu.memory_space<vmem>>)
    %dma_wait3A_1075 = arith.constant 128 : i32
    %dma_wait3A_1076 = tpu.memref_slice %arg17[%dma_wait3A_1075] : memref<1024xf32, #tpu.memory_space<vmem>> -> memref<128xf32, #tpu.memory_space<vmem>>
    %dma_wait3A_1077 = arith.constant 1152 : i32
    %dma_wait3A_1078 = tpu.memref_slice %arg13[%dma_wait3A_1077] : memref<2048xi32, #tpu.memory_space<vmem>> -> memref<128xi32, #tpu.memory_space<vmem>>
    %dma_wait3A_1079 = arith.constant 0 : i32
    %dma_wait3A_1080 = tpu.memref_slice %arg2[%dma_wait3A_1079] : memref<4194304xf32, #tpu.memory_space<hbm>> -> memref<4194304xf32, #tpu.memory_space<hbm>>
    tpu.wait_indirect_dma semaphore(%arg24 : memref<!tpu.dma_semaphore, #tpu.memory_space<semaphore_mem>>) src(%dma_wait3A_1080 : memref<4194304xf32, #tpu.memory_space<hbm>>) dst(%dma_wait3A_1076 : memref<128xf32, #tpu.memory_space<vmem>>)
    %dma_wait3A_1081 = arith.constant 256 : i32
    %dma_wait3A_1082 = tpu.memref_slice %arg17[%dma_wait3A_1081] : memref<1024xf32, #tpu.memory_space<vmem>> -> memref<128xf32, #tpu.memory_space<vmem>>
    %dma_wait3A_1083 = arith.constant 1280 : i32
    %dma_wait3A_1084 = tpu.memref_slice %arg13[%dma_wait3A_1083] : memref<2048xi32, #tpu.memory_space<vmem>> -> memref<128xi32, #tpu.memory_space<vmem>>
    %dma_wait3A_1085 = arith.constant 0 : i32
    %dma_wait3A_1086 = tpu.memref_slice %arg2[%dma_wait3A_1085] : memref<4194304xf32, #tpu.memory_space<hbm>> -> memref<4194304xf32, #tpu.memory_space<hbm>>
    tpu.wait_indirect_dma semaphore(%arg24 : memref<!tpu.dma_semaphore, #tpu.memory_space<semaphore_mem>>) src(%dma_wait3A_1086 : memref<4194304xf32, #tpu.memory_space<hbm>>) dst(%dma_wait3A_1082 : memref<128xf32, #tpu.memory_space<vmem>>)
    %dma_wait3A_1087 = arith.constant 384 : i32
    %dma_wait3A_1088 = tpu.memref_slice %arg17[%dma_wait3A_1087] : memref<1024xf32, #tpu.memory_space<vmem>> -> memref<128xf32, #tpu.memory_space<vmem>>
    %dma_wait3A_1089 = arith.constant 1408 : i32
    %dma_wait3A_1090 = tpu.memref_slice %arg13[%dma_wait3A_1089] : memref<2048xi32, #tpu.memory_space<vmem>> -> memref<128xi32, #tpu.memory_space<vmem>>
    %dma_wait3A_1091 = arith.constant 0 : i32
    %dma_wait3A_1092 = tpu.memref_slice %arg2[%dma_wait3A_1091] : memref<4194304xf32, #tpu.memory_space<hbm>> -> memref<4194304xf32, #tpu.memory_space<hbm>>
    tpu.wait_indirect_dma semaphore(%arg24 : memref<!tpu.dma_semaphore, #tpu.memory_space<semaphore_mem>>) src(%dma_wait3A_1092 : memref<4194304xf32, #tpu.memory_space<hbm>>) dst(%dma_wait3A_1088 : memref<128xf32, #tpu.memory_space<vmem>>)
    %dma_wait3A_1093 = arith.constant 512 : i32
    %dma_wait3A_1094 = tpu.memref_slice %arg17[%dma_wait3A_1093] : memref<1024xf32, #tpu.memory_space<vmem>> -> memref<128xf32, #tpu.memory_space<vmem>>
    %dma_wait3A_1095 = arith.constant 1536 : i32
    %dma_wait3A_1096 = tpu.memref_slice %arg13[%dma_wait3A_1095] : memref<2048xi32, #tpu.memory_space<vmem>> -> memref<128xi32, #tpu.memory_space<vmem>>
    %dma_wait3A_1097 = arith.constant 0 : i32
    %dma_wait3A_1098 = tpu.memref_slice %arg2[%dma_wait3A_1097] : memref<4194304xf32, #tpu.memory_space<hbm>> -> memref<4194304xf32, #tpu.memory_space<hbm>>
    tpu.wait_indirect_dma semaphore(%arg24 : memref<!tpu.dma_semaphore, #tpu.memory_space<semaphore_mem>>) src(%dma_wait3A_1098 : memref<4194304xf32, #tpu.memory_space<hbm>>) dst(%dma_wait3A_1094 : memref<128xf32, #tpu.memory_space<vmem>>)
    %dma_wait3A_1099 = arith.constant 640 : i32
    %dma_wait3A_1100 = tpu.memref_slice %arg17[%dma_wait3A_1099] : memref<1024xf32, #tpu.memory_space<vmem>> -> memref<128xf32, #tpu.memory_space<vmem>>
    %dma_wait3A_1101 = arith.constant 1664 : i32
    %dma_wait3A_1102 = tpu.memref_slice %arg13[%dma_wait3A_1101] : memref<2048xi32, #tpu.memory_space<vmem>> -> memref<128xi32, #tpu.memory_space<vmem>>
    %dma_wait3A_1103 = arith.constant 0 : i32
    %dma_wait3A_1104 = tpu.memref_slice %arg2[%dma_wait3A_1103] : memref<4194304xf32, #tpu.memory_space<hbm>> -> memref<4194304xf32, #tpu.memory_space<hbm>>
    tpu.wait_indirect_dma semaphore(%arg24 : memref<!tpu.dma_semaphore, #tpu.memory_space<semaphore_mem>>) src(%dma_wait3A_1104 : memref<4194304xf32, #tpu.memory_space<hbm>>) dst(%dma_wait3A_1100 : memref<128xf32, #tpu.memory_space<vmem>>)
    %dma_wait3A_1105 = arith.constant 768 : i32
    %dma_wait3A_1106 = tpu.memref_slice %arg17[%dma_wait3A_1105] : memref<1024xf32, #tpu.memory_space<vmem>> -> memref<128xf32, #tpu.memory_space<vmem>>
    %dma_wait3A_1107 = arith.constant 1792 : i32
    %dma_wait3A_1108 = tpu.memref_slice %arg13[%dma_wait3A_1107] : memref<2048xi32, #tpu.memory_space<vmem>> -> memref<128xi32, #tpu.memory_space<vmem>>
    %dma_wait3A_1109 = arith.constant 0 : i32
    %dma_wait3A_1110 = tpu.memref_slice %arg2[%dma_wait3A_1109] : memref<4194304xf32, #tpu.memory_space<hbm>> -> memref<4194304xf32, #tpu.memory_space<hbm>>
    tpu.wait_indirect_dma semaphore(%arg24 : memref<!tpu.dma_semaphore, #tpu.memory_space<semaphore_mem>>) src(%dma_wait3A_1110 : memref<4194304xf32, #tpu.memory_space<hbm>>) dst(%dma_wait3A_1106 : memref<128xf32, #tpu.memory_space<vmem>>)
    %dma_wait3A_1111 = arith.constant 896 : i32
    %dma_wait3A_1112 = tpu.memref_slice %arg17[%dma_wait3A_1111] : memref<1024xf32, #tpu.memory_space<vmem>> -> memref<128xf32, #tpu.memory_space<vmem>>
    %dma_wait3A_1113 = arith.constant 1920 : i32
    %dma_wait3A_1114 = tpu.memref_slice %arg13[%dma_wait3A_1113] : memref<2048xi32, #tpu.memory_space<vmem>> -> memref<128xi32, #tpu.memory_space<vmem>>
    %dma_wait3A_1115 = arith.constant 0 : i32
    %dma_wait3A_1116 = tpu.memref_slice %arg2[%dma_wait3A_1115] : memref<4194304xf32, #tpu.memory_space<hbm>> -> memref<4194304xf32, #tpu.memory_space<hbm>>
    tpu.wait_indirect_dma semaphore(%arg24 : memref<!tpu.dma_semaphore, #tpu.memory_space<semaphore_mem>>) src(%dma_wait3A_1116 : memref<4194304xf32, #tpu.memory_space<hbm>>) dst(%dma_wait3A_1112 : memref<128xf32, #tpu.memory_space<vmem>>)
    %dma_wait3A_1117 = arith.constant 0 : i32
    %dma_wait3A_1118 = tpu.memref_slice %arg18[%dma_wait3A_1117] : memref<3072xf32, #tpu.memory_space<vmem>> -> memref<128xf32, #tpu.memory_space<vmem>>
    %dma_wait3A_1119 = arith.constant 0 : i32
    %dma_wait3A_1120 = tpu.memref_slice %arg14[%dma_wait3A_1119] : memref<3072xi32, #tpu.memory_space<vmem>> -> memref<128xi32, #tpu.memory_space<vmem>>
    %dma_wait3A_1121 = arith.constant 0 : i32
    %dma_wait3A_1122 = tpu.memref_slice %arg3[%dma_wait3A_1121] : memref<786432xf32, #tpu.memory_space<hbm>> -> memref<786432xf32, #tpu.memory_space<hbm>>
    tpu.wait_indirect_dma semaphore(%arg24 : memref<!tpu.dma_semaphore, #tpu.memory_space<semaphore_mem>>) src(%dma_wait3A_1122 : memref<786432xf32, #tpu.memory_space<hbm>>) dst(%dma_wait3A_1118 : memref<128xf32, #tpu.memory_space<vmem>>)
    %dma_wait3A_1123 = arith.constant 128 : i32
    %dma_wait3A_1124 = tpu.memref_slice %arg18[%dma_wait3A_1123] : memref<3072xf32, #tpu.memory_space<vmem>> -> memref<128xf32, #tpu.memory_space<vmem>>
    %dma_wait3A_1125 = arith.constant 128 : i32
    %dma_wait3A_1126 = tpu.memref_slice %arg14[%dma_wait3A_1125] : memref<3072xi32, #tpu.memory_space<vmem>> -> memref<128xi32, #tpu.memory_space<vmem>>
    %dma_wait3A_1127 = arith.constant 0 : i32
    %dma_wait3A_1128 = tpu.memref_slice %arg3[%dma_wait3A_1127] : memref<786432xf32, #tpu.memory_space<hbm>> -> memref<786432xf32, #tpu.memory_space<hbm>>
    tpu.wait_indirect_dma semaphore(%arg24 : memref<!tpu.dma_semaphore, #tpu.memory_space<semaphore_mem>>) src(%dma_wait3A_1128 : memref<786432xf32, #tpu.memory_space<hbm>>) dst(%dma_wait3A_1124 : memref<128xf32, #tpu.memory_space<vmem>>)
    %dma_wait3A_1129 = arith.constant 256 : i32
    %dma_wait3A_1130 = tpu.memref_slice %arg18[%dma_wait3A_1129] : memref<3072xf32, #tpu.memory_space<vmem>> -> memref<128xf32, #tpu.memory_space<vmem>>
    %dma_wait3A_1131 = arith.constant 256 : i32
    %dma_wait3A_1132 = tpu.memref_slice %arg14[%dma_wait3A_1131] : memref<3072xi32, #tpu.memory_space<vmem>> -> memref<128xi32, #tpu.memory_space<vmem>>
    %dma_wait3A_1133 = arith.constant 0 : i32
    %dma_wait3A_1134 = tpu.memref_slice %arg3[%dma_wait3A_1133] : memref<786432xf32, #tpu.memory_space<hbm>> -> memref<786432xf32, #tpu.memory_space<hbm>>
    tpu.wait_indirect_dma semaphore(%arg24 : memref<!tpu.dma_semaphore, #tpu.memory_space<semaphore_mem>>) src(%dma_wait3A_1134 : memref<786432xf32, #tpu.memory_space<hbm>>) dst(%dma_wait3A_1130 : memref<128xf32, #tpu.memory_space<vmem>>)
    %dma_wait3A_1135 = arith.constant 384 : i32
    %dma_wait3A_1136 = tpu.memref_slice %arg18[%dma_wait3A_1135] : memref<3072xf32, #tpu.memory_space<vmem>> -> memref<128xf32, #tpu.memory_space<vmem>>
    %dma_wait3A_1137 = arith.constant 384 : i32
    %dma_wait3A_1138 = tpu.memref_slice %arg14[%dma_wait3A_1137] : memref<3072xi32, #tpu.memory_space<vmem>> -> memref<128xi32, #tpu.memory_space<vmem>>
    %dma_wait3A_1139 = arith.constant 0 : i32
    %dma_wait3A_1140 = tpu.memref_slice %arg3[%dma_wait3A_1139] : memref<786432xf32, #tpu.memory_space<hbm>> -> memref<786432xf32, #tpu.memory_space<hbm>>
    tpu.wait_indirect_dma semaphore(%arg24 : memref<!tpu.dma_semaphore, #tpu.memory_space<semaphore_mem>>) src(%dma_wait3A_1140 : memref<786432xf32, #tpu.memory_space<hbm>>) dst(%dma_wait3A_1136 : memref<128xf32, #tpu.memory_space<vmem>>)
    %dma_wait3A_1141 = arith.constant 512 : i32
    %dma_wait3A_1142 = tpu.memref_slice %arg18[%dma_wait3A_1141] : memref<3072xf32, #tpu.memory_space<vmem>> -> memref<128xf32, #tpu.memory_space<vmem>>
    %dma_wait3A_1143 = arith.constant 512 : i32
    %dma_wait3A_1144 = tpu.memref_slice %arg14[%dma_wait3A_1143] : memref<3072xi32, #tpu.memory_space<vmem>> -> memref<128xi32, #tpu.memory_space<vmem>>
    %dma_wait3A_1145 = arith.constant 0 : i32
    %dma_wait3A_1146 = tpu.memref_slice %arg3[%dma_wait3A_1145] : memref<786432xf32, #tpu.memory_space<hbm>> -> memref<786432xf32, #tpu.memory_space<hbm>>
    tpu.wait_indirect_dma semaphore(%arg24 : memref<!tpu.dma_semaphore, #tpu.memory_space<semaphore_mem>>) src(%dma_wait3A_1146 : memref<786432xf32, #tpu.memory_space<hbm>>) dst(%dma_wait3A_1142 : memref<128xf32, #tpu.memory_space<vmem>>)
    %dma_wait3A_1147 = arith.constant 640 : i32
    %dma_wait3A_1148 = tpu.memref_slice %arg18[%dma_wait3A_1147] : memref<3072xf32, #tpu.memory_space<vmem>> -> memref<128xf32, #tpu.memory_space<vmem>>
    %dma_wait3A_1149 = arith.constant 640 : i32
    %dma_wait3A_1150 = tpu.memref_slice %arg14[%dma_wait3A_1149] : memref<3072xi32, #tpu.memory_space<vmem>> -> memref<128xi32, #tpu.memory_space<vmem>>
    %dma_wait3A_1151 = arith.constant 0 : i32
    %dma_wait3A_1152 = tpu.memref_slice %arg3[%dma_wait3A_1151] : memref<786432xf32, #tpu.memory_space<hbm>> -> memref<786432xf32, #tpu.memory_space<hbm>>
    tpu.wait_indirect_dma semaphore(%arg24 : memref<!tpu.dma_semaphore, #tpu.memory_space<semaphore_mem>>) src(%dma_wait3A_1152 : memref<786432xf32, #tpu.memory_space<hbm>>) dst(%dma_wait3A_1148 : memref<128xf32, #tpu.memory_space<vmem>>)
    %dma_wait3A_1153 = arith.constant 768 : i32
    %dma_wait3A_1154 = tpu.memref_slice %arg18[%dma_wait3A_1153] : memref<3072xf32, #tpu.memory_space<vmem>> -> memref<128xf32, #tpu.memory_space<vmem>>
    %dma_wait3A_1155 = arith.constant 768 : i32
    %dma_wait3A_1156 = tpu.memref_slice %arg14[%dma_wait3A_1155] : memref<3072xi32, #tpu.memory_space<vmem>> -> memref<128xi32, #tpu.memory_space<vmem>>
    %dma_wait3A_1157 = arith.constant 0 : i32
    %dma_wait3A_1158 = tpu.memref_slice %arg3[%dma_wait3A_1157] : memref<786432xf32, #tpu.memory_space<hbm>> -> memref<786432xf32, #tpu.memory_space<hbm>>
    tpu.wait_indirect_dma semaphore(%arg24 : memref<!tpu.dma_semaphore, #tpu.memory_space<semaphore_mem>>) src(%dma_wait3A_1158 : memref<786432xf32, #tpu.memory_space<hbm>>) dst(%dma_wait3A_1154 : memref<128xf32, #tpu.memory_space<vmem>>)
    %dma_wait3A_1159 = arith.constant 896 : i32
    %dma_wait3A_1160 = tpu.memref_slice %arg18[%dma_wait3A_1159] : memref<3072xf32, #tpu.memory_space<vmem>> -> memref<128xf32, #tpu.memory_space<vmem>>
    %dma_wait3A_1161 = arith.constant 896 : i32
    %dma_wait3A_1162 = tpu.memref_slice %arg14[%dma_wait3A_1161] : memref<3072xi32, #tpu.memory_space<vmem>> -> memref<128xi32, #tpu.memory_space<vmem>>
    %dma_wait3A_1163 = arith.constant 0 : i32
    %dma_wait3A_1164 = tpu.memref_slice %arg3[%dma_wait3A_1163] : memref<786432xf32, #tpu.memory_space<hbm>> -> memref<786432xf32, #tpu.memory_space<hbm>>
    tpu.wait_indirect_dma semaphore(%arg24 : memref<!tpu.dma_semaphore, #tpu.memory_space<semaphore_mem>>) src(%dma_wait3A_1164 : memref<786432xf32, #tpu.memory_space<hbm>>) dst(%dma_wait3A_1160 : memref<128xf32, #tpu.memory_space<vmem>>)
    %dma_wait3A_1165 = arith.constant 1024 : i32
    %dma_wait3A_1166 = tpu.memref_slice %arg18[%dma_wait3A_1165] : memref<3072xf32, #tpu.memory_space<vmem>> -> memref<128xf32, #tpu.memory_space<vmem>>
    %dma_wait3A_1167 = arith.constant 1024 : i32
    %dma_wait3A_1168 = tpu.memref_slice %arg14[%dma_wait3A_1167] : memref<3072xi32, #tpu.memory_space<vmem>> -> memref<128xi32, #tpu.memory_space<vmem>>
    %dma_wait3A_1169 = arith.constant 0 : i32
    %dma_wait3A_1170 = tpu.memref_slice %arg3[%dma_wait3A_1169] : memref<786432xf32, #tpu.memory_space<hbm>> -> memref<786432xf32, #tpu.memory_space<hbm>>
    tpu.wait_indirect_dma semaphore(%arg24 : memref<!tpu.dma_semaphore, #tpu.memory_space<semaphore_mem>>) src(%dma_wait3A_1170 : memref<786432xf32, #tpu.memory_space<hbm>>) dst(%dma_wait3A_1166 : memref<128xf32, #tpu.memory_space<vmem>>)
    %dma_wait3A_1171 = arith.constant 1152 : i32
    %dma_wait3A_1172 = tpu.memref_slice %arg18[%dma_wait3A_1171] : memref<3072xf32, #tpu.memory_space<vmem>> -> memref<128xf32, #tpu.memory_space<vmem>>
    %dma_wait3A_1173 = arith.constant 1152 : i32
    %dma_wait3A_1174 = tpu.memref_slice %arg14[%dma_wait3A_1173] : memref<3072xi32, #tpu.memory_space<vmem>> -> memref<128xi32, #tpu.memory_space<vmem>>
    %dma_wait3A_1175 = arith.constant 0 : i32
    %dma_wait3A_1176 = tpu.memref_slice %arg3[%dma_wait3A_1175] : memref<786432xf32, #tpu.memory_space<hbm>> -> memref<786432xf32, #tpu.memory_space<hbm>>
    tpu.wait_indirect_dma semaphore(%arg24 : memref<!tpu.dma_semaphore, #tpu.memory_space<semaphore_mem>>) src(%dma_wait3A_1176 : memref<786432xf32, #tpu.memory_space<hbm>>) dst(%dma_wait3A_1172 : memref<128xf32, #tpu.memory_space<vmem>>)
    %dma_wait3A_1177 = arith.constant 1280 : i32
    %dma_wait3A_1178 = tpu.memref_slice %arg18[%dma_wait3A_1177] : memref<3072xf32, #tpu.memory_space<vmem>> -> memref<128xf32, #tpu.memory_space<vmem>>
    %dma_wait3A_1179 = arith.constant 1280 : i32
    %dma_wait3A_1180 = tpu.memref_slice %arg14[%dma_wait3A_1179] : memref<3072xi32, #tpu.memory_space<vmem>> -> memref<128xi32, #tpu.memory_space<vmem>>
    %dma_wait3A_1181 = arith.constant 0 : i32
    %dma_wait3A_1182 = tpu.memref_slice %arg3[%dma_wait3A_1181] : memref<786432xf32, #tpu.memory_space<hbm>> -> memref<786432xf32, #tpu.memory_space<hbm>>
    tpu.wait_indirect_dma semaphore(%arg24 : memref<!tpu.dma_semaphore, #tpu.memory_space<semaphore_mem>>) src(%dma_wait3A_1182 : memref<786432xf32, #tpu.memory_space<hbm>>) dst(%dma_wait3A_1178 : memref<128xf32, #tpu.memory_space<vmem>>)
    %dma_wait3A_1183 = arith.constant 1408 : i32
    %dma_wait3A_1184 = tpu.memref_slice %arg18[%dma_wait3A_1183] : memref<3072xf32, #tpu.memory_space<vmem>> -> memref<128xf32, #tpu.memory_space<vmem>>
    %dma_wait3A_1185 = arith.constant 1408 : i32
    %dma_wait3A_1186 = tpu.memref_slice %arg14[%dma_wait3A_1185] : memref<3072xi32, #tpu.memory_space<vmem>> -> memref<128xi32, #tpu.memory_space<vmem>>
    %dma_wait3A_1187 = arith.constant 0 : i32
    %dma_wait3A_1188 = tpu.memref_slice %arg3[%dma_wait3A_1187] : memref<786432xf32, #tpu.memory_space<hbm>> -> memref<786432xf32, #tpu.memory_space<hbm>>
    tpu.wait_indirect_dma semaphore(%arg24 : memref<!tpu.dma_semaphore, #tpu.memory_space<semaphore_mem>>) src(%dma_wait3A_1188 : memref<786432xf32, #tpu.memory_space<hbm>>) dst(%dma_wait3A_1184 : memref<128xf32, #tpu.memory_space<vmem>>)
    %dma_wait3A_1189 = arith.constant 1536 : i32
    %dma_wait3A_1190 = tpu.memref_slice %arg18[%dma_wait3A_1189] : memref<3072xf32, #tpu.memory_space<vmem>> -> memref<128xf32, #tpu.memory_space<vmem>>
    %dma_wait3A_1191 = arith.constant 1536 : i32
    %dma_wait3A_1192 = tpu.memref_slice %arg14[%dma_wait3A_1191] : memref<3072xi32, #tpu.memory_space<vmem>> -> memref<128xi32, #tpu.memory_space<vmem>>
    %dma_wait3A_1193 = arith.constant 0 : i32
    %dma_wait3A_1194 = tpu.memref_slice %arg3[%dma_wait3A_1193] : memref<786432xf32, #tpu.memory_space<hbm>> -> memref<786432xf32, #tpu.memory_space<hbm>>
    tpu.wait_indirect_dma semaphore(%arg24 : memref<!tpu.dma_semaphore, #tpu.memory_space<semaphore_mem>>) src(%dma_wait3A_1194 : memref<786432xf32, #tpu.memory_space<hbm>>) dst(%dma_wait3A_1190 : memref<128xf32, #tpu.memory_space<vmem>>)
    %dma_wait3A_1195 = arith.constant 1664 : i32
    %dma_wait3A_1196 = tpu.memref_slice %arg18[%dma_wait3A_1195] : memref<3072xf32, #tpu.memory_space<vmem>> -> memref<128xf32, #tpu.memory_space<vmem>>
    %dma_wait3A_1197 = arith.constant 1664 : i32
    %dma_wait3A_1198 = tpu.memref_slice %arg14[%dma_wait3A_1197] : memref<3072xi32, #tpu.memory_space<vmem>> -> memref<128xi32, #tpu.memory_space<vmem>>
    %dma_wait3A_1199 = arith.constant 0 : i32
    %dma_wait3A_1200 = tpu.memref_slice %arg3[%dma_wait3A_1199] : memref<786432xf32, #tpu.memory_space<hbm>> -> memref<786432xf32, #tpu.memory_space<hbm>>
    tpu.wait_indirect_dma semaphore(%arg24 : memref<!tpu.dma_semaphore, #tpu.memory_space<semaphore_mem>>) src(%dma_wait3A_1200 : memref<786432xf32, #tpu.memory_space<hbm>>) dst(%dma_wait3A_1196 : memref<128xf32, #tpu.memory_space<vmem>>)
    %dma_wait3A_1201 = arith.constant 1792 : i32
    %dma_wait3A_1202 = tpu.memref_slice %arg18[%dma_wait3A_1201] : memref<3072xf32, #tpu.memory_space<vmem>> -> memref<128xf32, #tpu.memory_space<vmem>>
    %dma_wait3A_1203 = arith.constant 1792 : i32
    %dma_wait3A_1204 = tpu.memref_slice %arg14[%dma_wait3A_1203] : memref<3072xi32, #tpu.memory_space<vmem>> -> memref<128xi32, #tpu.memory_space<vmem>>
    %dma_wait3A_1205 = arith.constant 0 : i32
    %dma_wait3A_1206 = tpu.memref_slice %arg3[%dma_wait3A_1205] : memref<786432xf32, #tpu.memory_space<hbm>> -> memref<786432xf32, #tpu.memory_space<hbm>>
    tpu.wait_indirect_dma semaphore(%arg24 : memref<!tpu.dma_semaphore, #tpu.memory_space<semaphore_mem>>) src(%dma_wait3A_1206 : memref<786432xf32, #tpu.memory_space<hbm>>) dst(%dma_wait3A_1202 : memref<128xf32, #tpu.memory_space<vmem>>)
    %dma_wait3A_1207 = arith.constant 1920 : i32
    %dma_wait3A_1208 = tpu.memref_slice %arg18[%dma_wait3A_1207] : memref<3072xf32, #tpu.memory_space<vmem>> -> memref<128xf32, #tpu.memory_space<vmem>>
    %dma_wait3A_1209 = arith.constant 1920 : i32
    %dma_wait3A_1210 = tpu.memref_slice %arg14[%dma_wait3A_1209] : memref<3072xi32, #tpu.memory_space<vmem>> -> memref<128xi32, #tpu.memory_space<vmem>>
    %dma_wait3A_1211 = arith.constant 0 : i32
    %dma_wait3A_1212 = tpu.memref_slice %arg3[%dma_wait3A_1211] : memref<786432xf32, #tpu.memory_space<hbm>> -> memref<786432xf32, #tpu.memory_space<hbm>>
    tpu.wait_indirect_dma semaphore(%arg24 : memref<!tpu.dma_semaphore, #tpu.memory_space<semaphore_mem>>) src(%dma_wait3A_1212 : memref<786432xf32, #tpu.memory_space<hbm>>) dst(%dma_wait3A_1208 : memref<128xf32, #tpu.memory_space<vmem>>)
    %dma_wait3A_1213 = arith.constant 2048 : i32
    %dma_wait3A_1214 = tpu.memref_slice %arg18[%dma_wait3A_1213] : memref<3072xf32, #tpu.memory_space<vmem>> -> memref<128xf32, #tpu.memory_space<vmem>>
    %dma_wait3A_1215 = arith.constant 2048 : i32
    %dma_wait3A_1216 = tpu.memref_slice %arg14[%dma_wait3A_1215] : memref<3072xi32, #tpu.memory_space<vmem>> -> memref<128xi32, #tpu.memory_space<vmem>>
    %dma_wait3A_1217 = arith.constant 0 : i32
    %dma_wait3A_1218 = tpu.memref_slice %arg3[%dma_wait3A_1217] : memref<786432xf32, #tpu.memory_space<hbm>> -> memref<786432xf32, #tpu.memory_space<hbm>>
    tpu.wait_indirect_dma semaphore(%arg24 : memref<!tpu.dma_semaphore, #tpu.memory_space<semaphore_mem>>) src(%dma_wait3A_1218 : memref<786432xf32, #tpu.memory_space<hbm>>) dst(%dma_wait3A_1214 : memref<128xf32, #tpu.memory_space<vmem>>)
    %dma_wait3A_1219 = arith.constant 2176 : i32
    %dma_wait3A_1220 = tpu.memref_slice %arg18[%dma_wait3A_1219] : memref<3072xf32, #tpu.memory_space<vmem>> -> memref<128xf32, #tpu.memory_space<vmem>>
    %dma_wait3A_1221 = arith.constant 2176 : i32
    %dma_wait3A_1222 = tpu.memref_slice %arg14[%dma_wait3A_1221] : memref<3072xi32, #tpu.memory_space<vmem>> -> memref<128xi32, #tpu.memory_space<vmem>>
    %dma_wait3A_1223 = arith.constant 0 : i32
    %dma_wait3A_1224 = tpu.memref_slice %arg3[%dma_wait3A_1223] : memref<786432xf32, #tpu.memory_space<hbm>> -> memref<786432xf32, #tpu.memory_space<hbm>>
    tpu.wait_indirect_dma semaphore(%arg24 : memref<!tpu.dma_semaphore, #tpu.memory_space<semaphore_mem>>) src(%dma_wait3A_1224 : memref<786432xf32, #tpu.memory_space<hbm>>) dst(%dma_wait3A_1220 : memref<128xf32, #tpu.memory_space<vmem>>)
    %dma_wait3A_1225 = arith.constant 2304 : i32
    %dma_wait3A_1226 = tpu.memref_slice %arg18[%dma_wait3A_1225] : memref<3072xf32, #tpu.memory_space<vmem>> -> memref<128xf32, #tpu.memory_space<vmem>>
    %dma_wait3A_1227 = arith.constant 2304 : i32
    %dma_wait3A_1228 = tpu.memref_slice %arg14[%dma_wait3A_1227] : memref<3072xi32, #tpu.memory_space<vmem>> -> memref<128xi32, #tpu.memory_space<vmem>>
    %dma_wait3A_1229 = arith.constant 0 : i32
    %dma_wait3A_1230 = tpu.memref_slice %arg3[%dma_wait3A_1229] : memref<786432xf32, #tpu.memory_space<hbm>> -> memref<786432xf32, #tpu.memory_space<hbm>>
    tpu.wait_indirect_dma semaphore(%arg24 : memref<!tpu.dma_semaphore, #tpu.memory_space<semaphore_mem>>) src(%dma_wait3A_1230 : memref<786432xf32, #tpu.memory_space<hbm>>) dst(%dma_wait3A_1226 : memref<128xf32, #tpu.memory_space<vmem>>)
    %dma_wait3A_1231 = arith.constant 2432 : i32
    %dma_wait3A_1232 = tpu.memref_slice %arg18[%dma_wait3A_1231] : memref<3072xf32, #tpu.memory_space<vmem>> -> memref<128xf32, #tpu.memory_space<vmem>>
    %dma_wait3A_1233 = arith.constant 2432 : i32
    %dma_wait3A_1234 = tpu.memref_slice %arg14[%dma_wait3A_1233] : memref<3072xi32, #tpu.memory_space<vmem>> -> memref<128xi32, #tpu.memory_space<vmem>>
    %dma_wait3A_1235 = arith.constant 0 : i32
    %dma_wait3A_1236 = tpu.memref_slice %arg3[%dma_wait3A_1235] : memref<786432xf32, #tpu.memory_space<hbm>> -> memref<786432xf32, #tpu.memory_space<hbm>>
    tpu.wait_indirect_dma semaphore(%arg24 : memref<!tpu.dma_semaphore, #tpu.memory_space<semaphore_mem>>) src(%dma_wait3A_1236 : memref<786432xf32, #tpu.memory_space<hbm>>) dst(%dma_wait3A_1232 : memref<128xf32, #tpu.memory_space<vmem>>)
    %dma_wait3A_1237 = arith.constant 2560 : i32
    %dma_wait3A_1238 = tpu.memref_slice %arg18[%dma_wait3A_1237] : memref<3072xf32, #tpu.memory_space<vmem>> -> memref<128xf32, #tpu.memory_space<vmem>>
    %dma_wait3A_1239 = arith.constant 2560 : i32
    %dma_wait3A_1240 = tpu.memref_slice %arg14[%dma_wait3A_1239] : memref<3072xi32, #tpu.memory_space<vmem>> -> memref<128xi32, #tpu.memory_space<vmem>>
    %dma_wait3A_1241 = arith.constant 0 : i32
    %dma_wait3A_1242 = tpu.memref_slice %arg3[%dma_wait3A_1241] : memref<786432xf32, #tpu.memory_space<hbm>> -> memref<786432xf32, #tpu.memory_space<hbm>>
    tpu.wait_indirect_dma semaphore(%arg24 : memref<!tpu.dma_semaphore, #tpu.memory_space<semaphore_mem>>) src(%dma_wait3A_1242 : memref<786432xf32, #tpu.memory_space<hbm>>) dst(%dma_wait3A_1238 : memref<128xf32, #tpu.memory_space<vmem>>)
    %dma_wait3A_1243 = arith.constant 2688 : i32
    %dma_wait3A_1244 = tpu.memref_slice %arg18[%dma_wait3A_1243] : memref<3072xf32, #tpu.memory_space<vmem>> -> memref<128xf32, #tpu.memory_space<vmem>>
    %dma_wait3A_1245 = arith.constant 2688 : i32
    %dma_wait3A_1246 = tpu.memref_slice %arg14[%dma_wait3A_1245] : memref<3072xi32, #tpu.memory_space<vmem>> -> memref<128xi32, #tpu.memory_space<vmem>>
    %dma_wait3A_1247 = arith.constant 0 : i32
    %dma_wait3A_1248 = tpu.memref_slice %arg3[%dma_wait3A_1247] : memref<786432xf32, #tpu.memory_space<hbm>> -> memref<786432xf32, #tpu.memory_space<hbm>>
    tpu.wait_indirect_dma semaphore(%arg24 : memref<!tpu.dma_semaphore, #tpu.memory_space<semaphore_mem>>) src(%dma_wait3A_1248 : memref<786432xf32, #tpu.memory_space<hbm>>) dst(%dma_wait3A_1244 : memref<128xf32, #tpu.memory_space<vmem>>)
    %dma_wait3A_1249 = arith.constant 2816 : i32
    %dma_wait3A_1250 = tpu.memref_slice %arg18[%dma_wait3A_1249] : memref<3072xf32, #tpu.memory_space<vmem>> -> memref<128xf32, #tpu.memory_space<vmem>>
    %dma_wait3A_1251 = arith.constant 2816 : i32
    %dma_wait3A_1252 = tpu.memref_slice %arg14[%dma_wait3A_1251] : memref<3072xi32, #tpu.memory_space<vmem>> -> memref<128xi32, #tpu.memory_space<vmem>>
    %dma_wait3A_1253 = arith.constant 0 : i32
    %dma_wait3A_1254 = tpu.memref_slice %arg3[%dma_wait3A_1253] : memref<786432xf32, #tpu.memory_space<hbm>> -> memref<786432xf32, #tpu.memory_space<hbm>>
    tpu.wait_indirect_dma semaphore(%arg24 : memref<!tpu.dma_semaphore, #tpu.memory_space<semaphore_mem>>) src(%dma_wait3A_1254 : memref<786432xf32, #tpu.memory_space<hbm>>) dst(%dma_wait3A_1250 : memref<128xf32, #tpu.memory_space<vmem>>)
    %dma_wait3A_1255 = arith.constant 2944 : i32
    %dma_wait3A_1256 = tpu.memref_slice %arg18[%dma_wait3A_1255] : memref<3072xf32, #tpu.memory_space<vmem>> -> memref<128xf32, #tpu.memory_space<vmem>>
    %dma_wait3A_1257 = arith.constant 2944 : i32
    %dma_wait3A_1258 = tpu.memref_slice %arg14[%dma_wait3A_1257] : memref<3072xi32, #tpu.memory_space<vmem>> -> memref<128xi32, #tpu.memory_space<vmem>>
    %dma_wait3A_1259 = arith.constant 0 : i32
    %dma_wait3A_1260 = tpu.memref_slice %arg3[%dma_wait3A_1259] : memref<786432xf32, #tpu.memory_space<hbm>> -> memref<786432xf32, #tpu.memory_space<hbm>>
    tpu.wait_indirect_dma semaphore(%arg24 : memref<!tpu.dma_semaphore, #tpu.memory_space<semaphore_mem>>) src(%dma_wait3A_1260 : memref<786432xf32, #tpu.memory_space<hbm>>) dst(%dma_wait3A_1256 : memref<128xf32, #tpu.memory_space<vmem>>)
    %dma_wait3A_1261 = arith.constant 0 : i32
    %dma_wait3A_1262 = tpu.memref_slice %arg19[%dma_wait3A_1261] : memref<1024xf32, #tpu.memory_space<vmem>> -> memref<128xf32, #tpu.memory_space<vmem>>
    %dma_wait3A_1263 = arith.constant 0 : i32
    %dma_wait3A_1264 = tpu.memref_slice %arg15[%dma_wait3A_1263] : memref<1024xi32, #tpu.memory_space<vmem>> -> memref<128xi32, #tpu.memory_space<vmem>>
    %dma_wait3A_1265 = arith.constant 0 : i32
    %dma_wait3A_1266 = tpu.memref_slice %arg4[%dma_wait3A_1265] : memref<262144xf32, #tpu.memory_space<hbm>> -> memref<262144xf32, #tpu.memory_space<hbm>>
    tpu.wait_indirect_dma semaphore(%arg24 : memref<!tpu.dma_semaphore, #tpu.memory_space<semaphore_mem>>) src(%dma_wait3A_1266 : memref<262144xf32, #tpu.memory_space<hbm>>) dst(%dma_wait3A_1262 : memref<128xf32, #tpu.memory_space<vmem>>)
    %dma_wait3A_1267 = arith.constant 128 : i32
    %dma_wait3A_1268 = tpu.memref_slice %arg19[%dma_wait3A_1267] : memref<1024xf32, #tpu.memory_space<vmem>> -> memref<128xf32, #tpu.memory_space<vmem>>
    %dma_wait3A_1269 = arith.constant 128 : i32
    %dma_wait3A_1270 = tpu.memref_slice %arg15[%dma_wait3A_1269] : memref<1024xi32, #tpu.memory_space<vmem>> -> memref<128xi32, #tpu.memory_space<vmem>>
    %dma_wait3A_1271 = arith.constant 0 : i32
    %dma_wait3A_1272 = tpu.memref_slice %arg4[%dma_wait3A_1271] : memref<262144xf32, #tpu.memory_space<hbm>> -> memref<262144xf32, #tpu.memory_space<hbm>>
    tpu.wait_indirect_dma semaphore(%arg24 : memref<!tpu.dma_semaphore, #tpu.memory_space<semaphore_mem>>) src(%dma_wait3A_1272 : memref<262144xf32, #tpu.memory_space<hbm>>) dst(%dma_wait3A_1268 : memref<128xf32, #tpu.memory_space<vmem>>)
    %dma_wait3A_1273 = arith.constant 256 : i32
    %dma_wait3A_1274 = tpu.memref_slice %arg19[%dma_wait3A_1273] : memref<1024xf32, #tpu.memory_space<vmem>> -> memref<128xf32, #tpu.memory_space<vmem>>
    %dma_wait3A_1275 = arith.constant 256 : i32
    %dma_wait3A_1276 = tpu.memref_slice %arg15[%dma_wait3A_1275] : memref<1024xi32, #tpu.memory_space<vmem>> -> memref<128xi32, #tpu.memory_space<vmem>>
    %dma_wait3A_1277 = arith.constant 0 : i32
    %dma_wait3A_1278 = tpu.memref_slice %arg4[%dma_wait3A_1277] : memref<262144xf32, #tpu.memory_space<hbm>> -> memref<262144xf32, #tpu.memory_space<hbm>>
    tpu.wait_indirect_dma semaphore(%arg24 : memref<!tpu.dma_semaphore, #tpu.memory_space<semaphore_mem>>) src(%dma_wait3A_1278 : memref<262144xf32, #tpu.memory_space<hbm>>) dst(%dma_wait3A_1274 : memref<128xf32, #tpu.memory_space<vmem>>)
    %dma_wait3A_1279 = arith.constant 384 : i32
    %dma_wait3A_1280 = tpu.memref_slice %arg19[%dma_wait3A_1279] : memref<1024xf32, #tpu.memory_space<vmem>> -> memref<128xf32, #tpu.memory_space<vmem>>
    %dma_wait3A_1281 = arith.constant 384 : i32
    %dma_wait3A_1282 = tpu.memref_slice %arg15[%dma_wait3A_1281] : memref<1024xi32, #tpu.memory_space<vmem>> -> memref<128xi32, #tpu.memory_space<vmem>>
    %dma_wait3A_1283 = arith.constant 0 : i32
    %dma_wait3A_1284 = tpu.memref_slice %arg4[%dma_wait3A_1283] : memref<262144xf32, #tpu.memory_space<hbm>> -> memref<262144xf32, #tpu.memory_space<hbm>>
    tpu.wait_indirect_dma semaphore(%arg24 : memref<!tpu.dma_semaphore, #tpu.memory_space<semaphore_mem>>) src(%dma_wait3A_1284 : memref<262144xf32, #tpu.memory_space<hbm>>) dst(%dma_wait3A_1280 : memref<128xf32, #tpu.memory_space<vmem>>)
    %dma_wait3A_1285 = arith.constant 512 : i32
    %dma_wait3A_1286 = tpu.memref_slice %arg19[%dma_wait3A_1285] : memref<1024xf32, #tpu.memory_space<vmem>> -> memref<128xf32, #tpu.memory_space<vmem>>
    %dma_wait3A_1287 = arith.constant 512 : i32
    %dma_wait3A_1288 = tpu.memref_slice %arg15[%dma_wait3A_1287] : memref<1024xi32, #tpu.memory_space<vmem>> -> memref<128xi32, #tpu.memory_space<vmem>>
    %dma_wait3A_1289 = arith.constant 0 : i32
    %dma_wait3A_1290 = tpu.memref_slice %arg4[%dma_wait3A_1289] : memref<262144xf32, #tpu.memory_space<hbm>> -> memref<262144xf32, #tpu.memory_space<hbm>>
    tpu.wait_indirect_dma semaphore(%arg24 : memref<!tpu.dma_semaphore, #tpu.memory_space<semaphore_mem>>) src(%dma_wait3A_1290 : memref<262144xf32, #tpu.memory_space<hbm>>) dst(%dma_wait3A_1286 : memref<128xf32, #tpu.memory_space<vmem>>)
    %dma_wait3A_1291 = arith.constant 640 : i32
    %dma_wait3A_1292 = tpu.memref_slice %arg19[%dma_wait3A_1291] : memref<1024xf32, #tpu.memory_space<vmem>> -> memref<128xf32, #tpu.memory_space<vmem>>
    %dma_wait3A_1293 = arith.constant 640 : i32
    %dma_wait3A_1294 = tpu.memref_slice %arg15[%dma_wait3A_1293] : memref<1024xi32, #tpu.memory_space<vmem>> -> memref<128xi32, #tpu.memory_space<vmem>>
    %dma_wait3A_1295 = arith.constant 0 : i32
    %dma_wait3A_1296 = tpu.memref_slice %arg4[%dma_wait3A_1295] : memref<262144xf32, #tpu.memory_space<hbm>> -> memref<262144xf32, #tpu.memory_space<hbm>>
    tpu.wait_indirect_dma semaphore(%arg24 : memref<!tpu.dma_semaphore, #tpu.memory_space<semaphore_mem>>) src(%dma_wait3A_1296 : memref<262144xf32, #tpu.memory_space<hbm>>) dst(%dma_wait3A_1292 : memref<128xf32, #tpu.memory_space<vmem>>)
    %dma_wait3A_1297 = arith.constant 768 : i32
    %dma_wait3A_1298 = tpu.memref_slice %arg19[%dma_wait3A_1297] : memref<1024xf32, #tpu.memory_space<vmem>> -> memref<128xf32, #tpu.memory_space<vmem>>
    %dma_wait3A_1299 = arith.constant 768 : i32
    %dma_wait3A_1300 = tpu.memref_slice %arg15[%dma_wait3A_1299] : memref<1024xi32, #tpu.memory_space<vmem>> -> memref<128xi32, #tpu.memory_space<vmem>>
    %dma_wait3A_1301 = arith.constant 0 : i32
    %dma_wait3A_1302 = tpu.memref_slice %arg4[%dma_wait3A_1301] : memref<262144xf32, #tpu.memory_space<hbm>> -> memref<262144xf32, #tpu.memory_space<hbm>>
    tpu.wait_indirect_dma semaphore(%arg24 : memref<!tpu.dma_semaphore, #tpu.memory_space<semaphore_mem>>) src(%dma_wait3A_1302 : memref<262144xf32, #tpu.memory_space<hbm>>) dst(%dma_wait3A_1298 : memref<128xf32, #tpu.memory_space<vmem>>)
    %dma_wait3A_1303 = arith.constant 896 : i32
    %dma_wait3A_1304 = tpu.memref_slice %arg19[%dma_wait3A_1303] : memref<1024xf32, #tpu.memory_space<vmem>> -> memref<128xf32, #tpu.memory_space<vmem>>
    %dma_wait3A_1305 = arith.constant 896 : i32
    %dma_wait3A_1306 = tpu.memref_slice %arg15[%dma_wait3A_1305] : memref<1024xi32, #tpu.memory_space<vmem>> -> memref<128xi32, #tpu.memory_space<vmem>>
    %dma_wait3A_1307 = arith.constant 0 : i32
    %dma_wait3A_1308 = tpu.memref_slice %arg4[%dma_wait3A_1307] : memref<262144xf32, #tpu.memory_space<hbm>> -> memref<262144xf32, #tpu.memory_space<hbm>>
    tpu.wait_indirect_dma semaphore(%arg24 : memref<!tpu.dma_semaphore, #tpu.memory_space<semaphore_mem>>) src(%dma_wait3A_1308 : memref<262144xf32, #tpu.memory_space<hbm>>) dst(%dma_wait3A_1304 : memref<128xf32, #tpu.memory_space<vmem>>)
    %broadcast_in_dim3A = arith.constant 15 : i32
    %broadcast_in_dim3A_1309 = vector.broadcast %broadcast_in_dim3A : i32 to vector<16xi32>
    %gather3A = tpu.vector_load_idx %arg22[%broadcast_in_dim3A_1309] : memref<16xf32, #tpu.memory_space<vmem>>[vector<16xi32>], vector<16xf32>,
    %broadcast_in_dim3A_1310 = arith.constant 0.000000e+00 : f32
    %broadcast_in_dim3A_1311 = vector.broadcast %broadcast_in_dim3A_1310 : f32 to vector<16xf32>
    %scan3A_1312 = arith.constant 0 : i32
    %scan3A_1313 = arith.constant 64 : i32
    %scan3A_1314 = arith.addi %scan3A_1312, %scan3A_1313 : i32
    %scan3A_1315 = arith.constant 1 : i32
    %scan3A_1316:3 = scf.for %scan3A_1323 = %scan3A_1312 to %scan3A_1314 step %scan3A_1315 iter_args(%scan3A_1324 = %broadcast_in_dim3A_1311, %scan3A_1325 = %broadcast_in_dim3A_1311, %scan3A_1326 = %broadcast_in_dim3A_1311) -> (vector<16xf32>, vector<16xf32>, vector<16xf32>)  : i32 {
      %mul3A_1327 = arith.constant 16 : i32
      %mul3A_1328 = arith.muli %scan3A_1323, %mul3A_1327 : i32
      %get3A = arith.index_cast %mul3A_1328 : i32 to index
      %get3A_1329 = tpu.vector_load %arg12[%get3A] {strides = array<i32>} : memref<1024xi32, #tpu.memory_space<vmem>>, vector<16xi32>,
      %mul3A_1330 = arith.constant 16 : i32
      %mul3A_1331 = arith.muli %scan3A_1323, %mul3A_1330 : i32
      %get3A_1332 = arith.index_cast %mul3A_1331 : i32 to index
      %get3A_1333 = tpu.vector_load %arg16[%get3A_1332] {strides = array<i32>} : memref<1024xf32, #tpu.memory_space<vmem>>, vector<16xf32>,
      %mul3A_1334 = arith.constant 16 : i32
      %mul3A_1335 = arith.muli %scan3A_1323, %mul3A_1334 : i32
      %get3A_1336 = arith.index_cast %mul3A_1335 : i32 to index
      %get3A_1337 = tpu.vector_load %arg17[%get3A_1336] {strides = array<i32>} : memref<1024xf32, #tpu.memory_space<vmem>>, vector<16xf32>,
      %gather3A_1338 = tpu.vector_load_idx %arg22[%get3A_1329] : memref<16xf32, #tpu.memory_space<vmem>>[vector<16xi32>], vector<16xf32>,
      %abs3A = math.absf %get3A_1333 : vector<16xf32>
      %neg3A = arith.constant 0.000000e+00 : f32
      %neg3A_1339 = vector.broadcast %neg3A : f32 to vector<16xf32>
      %neg3A_1340 = arith.subf %neg3A_1339, %abs3A : vector<16xf32>
      %exp3A = math.exp %neg3A_1340 : vector<16xf32>
      %add3A_1341 = arith.constant 2.000000e+00 : f32
      %add3A_1342 = vector.broadcast %add3A_1341 : f32 to vector<16xf32>
      %add3A_1343 = arith.addf %add3A_1342, %exp3A : vector<16xf32>
      %div3A_1344 = arith.divf %exp3A, %add3A_1343 : vector<16xf32>
      %mul3A_1345 = arith.mulf %div3A_1344, %div3A_1344 : vector<16xf32>
      %mul3A_1346 = arith.constant 2.000000e+00 : f32
      %mul3A_1347 = vector.broadcast %mul3A_1346 : f32 to vector<16xf32>
      %mul3A_1348 = arith.mulf %mul3A_1347, %div3A_1344 : vector<16xf32>
      %mul3A_1349 = arith.constant 0.142857149 : f32
      %mul3A_1350 = vector.broadcast %mul3A_1349 : f32 to vector<16xf32>
      %mul3A_1351 = arith.mulf %mul3A_1345, %mul3A_1350 : vector<16xf32>
      %add3A_1352 = arith.constant 2.000000e-01 : f32
      %add3A_1353 = vector.broadcast %add3A_1352 : f32 to vector<16xf32>
      %add3A_1354 = arith.addf %add3A_1353, %mul3A_1351 : vector<16xf32>
      %mul3A_1355 = arith.mulf %mul3A_1345, %add3A_1354 : vector<16xf32>
      %add3A_1356 = arith.constant 0.333333343 : f32
      %add3A_1357 = vector.broadcast %add3A_1356 : f32 to vector<16xf32>
      %add3A_1358 = arith.addf %add3A_1357, %mul3A_1355 : vector<16xf32>
      %mul3A_1359 = arith.mulf %mul3A_1345, %add3A_1358 : vector<16xf32>
      %add3A_1360 = arith.constant 1.000000e+00 : f32
      %add3A_1361 = vector.broadcast %add3A_1360 : f32 to vector<16xf32>
      %add3A_1362 = arith.addf %add3A_1361, %mul3A_1359 : vector<16xf32>
      %mul3A_1363 = arith.mulf %mul3A_1348, %add3A_1362 : vector<16xf32>
      %max3A = arith.constant 0.000000e+00 : f32
      %max3A_1364 = vector.broadcast %max3A : f32 to vector<16xf32>
      %max3A_1365 = arith.maximumf %get3A_1333, %max3A_1364 : vector<16xf32>
      %add3A_1366 = arith.addf %max3A_1365, %mul3A_1363 : vector<16xf32>
      %sub3A_1367 = arith.subf %add3A_1366, %get3A_1333 : vector<16xf32>
      %ge3A = arith.constant 0.000000e+00 : f32
      %ge3A_1368 = vector.broadcast %ge3A : f32 to vector<16xf32>
      %ge3A_1369 = arith.cmpf oge, %get3A_1333, %ge3A_1368 : vector<16xf32>
      %jit3A_1370 = arith.constant 1.000000e+00 : f32
      %broadcast_in_dim3A_1371 = vector.broadcast %jit3A_1370 : f32 to vector<16xf32>
      %select_n3A_1372 = arith.select %ge3A_1369, %broadcast_in_dim3A_1371, %exp3A : vector<16xi1>, vector<16xf32>
      %add3A_1373 = arith.constant 1.000000e+00 : f32
      %add3A_1374 = vector.broadcast %add3A_1373 : f32 to vector<16xf32>
      %add3A_1375 = arith.addf %add3A_1374, %exp3A : vector<16xf32>
      %div3A_1376 = arith.divf %select_n3A_1372, %add3A_1375 : vector<16xf32>
      %sub3A_1377 = arith.constant 1.000000e+00 : f32
      %sub3A_1378 = vector.broadcast %sub3A_1377 : f32 to vector<16xf32>
      %sub3A_1379 = arith.subf %sub3A_1378, %div3A_1376 : vector<16xf32>
      %mul3A_1380 = arith.mulf %div3A_1376, %div3A_1376 : vector<16xf32>
      %mul3A_1381 = arith.mulf %mul3A_1380, %add3A_1366 : vector<16xf32>
      %mul3A_1382 = arith.mulf %sub3A_1379, %sub3A_1379 : vector<16xf32>
      %mul3A_1383 = arith.mulf %mul3A_1382, %sub3A_1367 : vector<16xf32>
      %abs3A_1384 = math.absf %get3A_1337 : vector<16xf32>
      %neg3A_1385 = arith.constant 0.000000e+00 : f32
      %neg3A_1386 = vector.broadcast %neg3A_1385 : f32 to vector<16xf32>
      %neg3A_1387 = arith.subf %neg3A_1386, %abs3A_1384 : vector<16xf32>
      %exp3A_1388 = math.exp %neg3A_1387 : vector<16xf32>
      %add3A_1389 = arith.constant 2.000000e+00 : f32
      %add3A_1390 = vector.broadcast %add3A_1389 : f32 to vector<16xf32>
      %add3A_1391 = arith.addf %add3A_1390, %exp3A_1388 : vector<16xf32>
      %div3A_1392 = arith.divf %exp3A_1388, %add3A_1391 : vector<16xf32>
      %mul3A_1393 = arith.mulf %div3A_1392, %div3A_1392 : vector<16xf32>
      %mul3A_1394 = arith.constant 2.000000e+00 : f32
      %mul3A_1395 = vector.broadcast %mul3A_1394 : f32 to vector<16xf32>
      %mul3A_1396 = arith.mulf %mul3A_1395, %div3A_1392 : vector<16xf32>
      %mul3A_1397 = arith.constant 0.142857149 : f32
      %mul3A_1398 = vector.broadcast %mul3A_1397 : f32 to vector<16xf32>
      %mul3A_1399 = arith.mulf %mul3A_1393, %mul3A_1398 : vector<16xf32>
      %add3A_1400 = arith.constant 2.000000e-01 : f32
      %add3A_1401 = vector.broadcast %add3A_1400 : f32 to vector<16xf32>
      %add3A_1402 = arith.addf %add3A_1401, %mul3A_1399 : vector<16xf32>
      %mul3A_1403 = arith.mulf %mul3A_1393, %add3A_1402 : vector<16xf32>
      %add3A_1404 = arith.constant 0.333333343 : f32
      %add3A_1405 = vector.broadcast %add3A_1404 : f32 to vector<16xf32>
      %add3A_1406 = arith.addf %add3A_1405, %mul3A_1403 : vector<16xf32>
      %mul3A_1407 = arith.mulf %mul3A_1393, %add3A_1406 : vector<16xf32>
      %add3A_1408 = arith.constant 1.000000e+00 : f32
      %add3A_1409 = vector.broadcast %add3A_1408 : f32 to vector<16xf32>
      %add3A_1410 = arith.addf %add3A_1409, %mul3A_1407 : vector<16xf32>
      %mul3A_1411 = arith.mulf %mul3A_1396, %add3A_1410 : vector<16xf32>
      %max3A_1412 = arith.constant 0.000000e+00 : f32
      %max3A_1413 = vector.broadcast %max3A_1412 : f32 to vector<16xf32>
      %max3A_1414 = arith.maximumf %get3A_1337, %max3A_1413 : vector<16xf32>
      %add3A_1415 = arith.addf %max3A_1414, %mul3A_1411 : vector<16xf32>
      %sub3A_1416 = arith.subf %add3A_1415, %get3A_1337 : vector<16xf32>
      %ge3A_1417 = arith.constant 0.000000e+00 : f32
      %ge3A_1418 = vector.broadcast %ge3A_1417 : f32 to vector<16xf32>
      %ge3A_1419 = arith.cmpf oge, %get3A_1337, %ge3A_1418 : vector<16xf32>
      %jit3A_1420 = arith.constant 1.000000e+00 : f32
      %broadcast_in_dim3A_1421 = vector.broadcast %jit3A_1420 : f32 to vector<16xf32>
      %select_n3A_1422 = arith.select %ge3A_1419, %broadcast_in_dim3A_1421, %exp3A_1388 : vector<16xi1>, vector<16xf32>
      %add3A_1423 = arith.constant 1.000000e+00 : f32
      %add3A_1424 = vector.broadcast %add3A_1423 : f32 to vector<16xf32>
      %add3A_1425 = arith.addf %add3A_1424, %exp3A_1388 : vector<16xf32>
      %div3A_1426 = arith.divf %select_n3A_1422, %add3A_1425 : vector<16xf32>
      %sub3A_1427 = arith.constant 1.000000e+00 : f32
      %sub3A_1428 = vector.broadcast %sub3A_1427 : f32 to vector<16xf32>
      %sub3A_1429 = arith.subf %sub3A_1428, %div3A_1426 : vector<16xf32>
      %mul3A_1430 = arith.mulf %div3A_1426, %div3A_1426 : vector<16xf32>
      %mul3A_1431 = arith.mulf %mul3A_1430, %add3A_1415 : vector<16xf32>
      %mul3A_1432 = arith.mulf %sub3A_1429, %sub3A_1429 : vector<16xf32>
      %mul3A_1433 = arith.mulf %mul3A_1432, %sub3A_1416 : vector<16xf32>
      %mul3A_1434 = arith.constant 2.500000e-01 : f32
      %mul3A_1435 = vector.broadcast %mul3A_1434 : f32 to vector<16xf32>
      %mul3A_1436 = arith.mulf %mul3A_1435, %mul3A_1383 : vector<16xf32>
      %mul3A_1437 = arith.constant 7.500000e-01 : f32
      %mul3A_1438 = vector.broadcast %mul3A_1437 : f32 to vector<16xf32>
      %mul3A_1439 = arith.mulf %mul3A_1438, %mul3A_1381 : vector<16xf32>
      %sub3A_1440 = arith.subf %mul3A_1436, %mul3A_1439 : vector<16xf32>
      %mul3A_1441 = arith.mulf %gather3A_1338, %sub3A_1440 : vector<16xf32>
      %add3A_1442 = arith.addf %scan3A_1324, %mul3A_1441 : vector<16xf32>
      %mul3A_1443 = arith.constant 7.500000e-01 : f32
      %mul3A_1444 = vector.broadcast %mul3A_1443 : f32 to vector<16xf32>
      %mul3A_1445 = arith.mulf %mul3A_1444, %mul3A_1431 : vector<16xf32>
      %mul3A_1446 = arith.constant 2.500000e-01 : f32
      %mul3A_1447 = vector.broadcast %mul3A_1446 : f32 to vector<16xf32>
      %mul3A_1448 = arith.mulf %mul3A_1447, %mul3A_1433 : vector<16xf32>
      %sub3A_1449 = arith.subf %mul3A_1445, %mul3A_1448 : vector<16xf32>
      %mul3A_1450 = arith.mulf %gather3A, %sub3A_1449 : vector<16xf32>
      %add3A_1451 = arith.addf %add3A_1442, %mul3A_1450 : vector<16xf32>
      %mul3A_1452 = arith.constant 16 : i32
      %mul3A_1453 = arith.muli %scan3A_1323, %mul3A_1452 : i32
      %add3A_1454 = arith.constant 0 : i32
      %add3A_1455 = arith.addi %add3A_1454, %mul3A_1453 : i32
      %get3A_1456 = arith.index_cast %add3A_1455 : i32 to index
      %get3A_1457 = tpu.vector_load %arg18[%get3A_1456] {strides = array<i32>} : memref<3072xf32, #tpu.memory_space<vmem>>, vector<16xf32>,
      %mul3A_1458 = arith.constant 16 : i32
      %mul3A_1459 = arith.muli %scan3A_1323, %mul3A_1458 : i32
      %add3A_1460 = arith.constant 0 : i32
      %add3A_1461 = arith.addi %add3A_1460, %mul3A_1459 : i32
      %get3A_1462 = arith.index_cast %add3A_1461 : i32 to index
      %get3A_1463 = tpu.vector_load %arg20[%get3A_1462] {strides = array<i32>} : memref<3072xf32, #tpu.memory_space<vmem>>, vector<16xf32>,
      %sub3A_1464 = arith.subf %get3A_1457, %get3A_1463 : vector<16xf32>
      %abs3A_1465 = math.absf %sub3A_1464 : vector<16xf32>
      %add3A_1466 = arith.addf %scan3A_1325, %abs3A_1465 : vector<16xf32>
      %mul3A_1467 = arith.constant 16 : i32
      %mul3A_1468 = arith.muli %scan3A_1323, %mul3A_1467 : i32
      %add3A_1469 = arith.constant 1024 : i32
      %add3A_1470 = arith.addi %add3A_1469, %mul3A_1468 : i32
      %get3A_1471 = arith.index_cast %add3A_1470 : i32 to index
      %get3A_1472 = tpu.vector_load %arg18[%get3A_1471] {strides = array<i32>} : memref<3072xf32, #tpu.memory_space<vmem>>, vector<16xf32>,
      %mul3A_1473 = arith.constant 16 : i32
      %mul3A_1474 = arith.muli %scan3A_1323, %mul3A_1473 : i32
      %add3A_1475 = arith.constant 1024 : i32
      %add3A_1476 = arith.addi %add3A_1475, %mul3A_1474 : i32
      %get3A_1477 = arith.index_cast %add3A_1476 : i32 to index
      %get3A_1478 = tpu.vector_load %arg20[%get3A_1477] {strides = array<i32>} : memref<3072xf32, #tpu.memory_space<vmem>>, vector<16xf32>,
      %sub3A_1479 = arith.subf %get3A_1472, %get3A_1478 : vector<16xf32>
      %abs3A_1480 = math.absf %sub3A_1479 : vector<16xf32>
      %add3A_1481 = arith.addf %add3A_1466, %abs3A_1480 : vector<16xf32>
      %mul3A_1482 = arith.constant 16 : i32
      %mul3A_1483 = arith.muli %scan3A_1323, %mul3A_1482 : i32
      %add3A_1484 = arith.constant 2048 : i32
      %add3A_1485 = arith.addi %add3A_1484, %mul3A_1483 : i32
      %get3A_1486 = arith.index_cast %add3A_1485 : i32 to index
      %get3A_1487 = tpu.vector_load %arg18[%get3A_1486] {strides = array<i32>} : memref<3072xf32, #tpu.memory_space<vmem>>, vector<16xf32>,
      %mul3A_1488 = arith.constant 16 : i32
      %mul3A_1489 = arith.muli %scan3A_1323, %mul3A_1488 : i32
      %add3A_1490 = arith.constant 2048 : i32
      %add3A_1491 = arith.addi %add3A_1490, %mul3A_1489 : i32
      %get3A_1492 = arith.index_cast %add3A_1491 : i32 to index
      %get3A_1493 = tpu.vector_load %arg20[%get3A_1492] {strides = array<i32>} : memref<3072xf32, #tpu.memory_space<vmem>>, vector<16xf32>,
      %sub3A_1494 = arith.subf %get3A_1487, %get3A_1493 : vector<16xf32>
      %abs3A_1495 = math.absf %sub3A_1494 : vector<16xf32>
      %add3A_1496 = arith.addf %add3A_1481, %abs3A_1495 : vector<16xf32>
      %mul3A_1497 = arith.constant 16 : i32
      %mul3A_1498 = arith.muli %scan3A_1323, %mul3A_1497 : i32
      %get3A_1499 = arith.index_cast %mul3A_1498 : i32 to index
      %get3A_1500 = tpu.vector_load %arg19[%get3A_1499] {strides = array<i32>} : memref<1024xf32, #tpu.memory_space<vmem>>, vector<16xf32>,
      %mul3A_1501 = arith.constant 16 : i32
      %mul3A_1502 = arith.muli %scan3A_1323, %mul3A_1501 : i32
      %get3A_1503 = arith.index_cast %mul3A_1502 : i32 to index
      %get3A_1504 = tpu.vector_load %arg21[%get3A_1503] {strides = array<i32>} : memref<1024xf32, #tpu.memory_space<vmem>>, vector<16xf32>,
      %sub3A_1505 = arith.subf %get3A_1500, %get3A_1504 : vector<16xf32>
      %abs3A_1506 = math.absf %sub3A_1505 : vector<16xf32>
      %add3A_1507 = arith.addf %scan3A_1326, %abs3A_1506 : vector<16xf32>
      scf.yield %add3A_1451, %add3A_1496, %add3A_1507 : vector<16xf32>, vector<16xf32>, vector<16xf32>
    }
    %scan3A_1317 = arith.constant 64 : i32
    %swap3A = arith.constant 0 : index
    %swap3A_1318 = tpu.vector_load %arg23[%swap3A] {strides = array<i32>} : memref<48xf32, #tpu.memory_space<vmem>>, vector<16xf32>,
    tpu.vector_store %arg23[%swap3A], %scan3A_1316#0 {strides = array<i32>} : memref<48xf32, #tpu.memory_space<vmem>>, vector<16xf32>,
    %swap3A_1319 = arith.constant 16 : index
    %swap3A_1320 = tpu.vector_load %arg23[%swap3A_1319] {strides = array<i32>} : memref<48xf32, #tpu.memory_space<vmem>>, vector<16xf32>,
    tpu.vector_store %arg23[%swap3A_1319], %scan3A_1316#1 {strides = array<i32>} : memref<48xf32, #tpu.memory_space<vmem>>, vector<16xf32>,
    %swap3A_1321 = arith.constant 32 : index
    %swap3A_1322 = tpu.vector_load %arg23[%swap3A_1321] {strides = array<i32>} : memref<48xf32, #tpu.memory_space<vmem>>, vector<16xf32>,
    tpu.vector_store %arg23[%swap3A_1321], %scan3A_1316#2 {strides = array<i32>} : memref<48xf32, #tpu.memory_space<vmem>>, vector<16xf32>,
    "tpu.region"() ({
      %run_scoped3A = tpu.sem_alloc : memref<!tpu.dma_semaphore, #tpu.memory_space<semaphore_mem>>
      %dma_start3A_1323 = arith.constant 0 : i32
      %dma_start3A_1324 = tpu.memref_slice %arg10[%add3A, %dma_start3A_1323] : memref<32x48xf32, #tpu.memory_space<hbm>> -> memref<1x48xf32, #tpu.memory_space<hbm>>
      %dma_start3A_1325 = tpu.memref_squeeze %dma_start3A_1324 : memref<1x48xf32, #tpu.memory_space<hbm>> -> memref<48xf32, #tpu.memory_space<hbm>>
      %dma_start3A_1326 = arith.constant 0 : i32
      %dma_start3A_1327 = tpu.memref_slice %arg10[%add3A, %dma_start3A_1326] : memref<32x48xf32, #tpu.memory_space<hbm>> -> memref<1x48xf32, #tpu.memory_space<hbm>>
      %dma_start3A_1328 = tpu.memref_squeeze %dma_start3A_1327 : memref<1x48xf32, #tpu.memory_space<hbm>> -> memref<48xf32, #tpu.memory_space<hbm>>
      tpu.enqueue_dma source(%arg23 : memref<48xf32, #tpu.memory_space<vmem>>) target(%dma_start3A_1328 : memref<48xf32, #tpu.memory_space<hbm>>) target_semaphore(%run_scoped3A : memref<!tpu.dma_semaphore, #tpu.memory_space<semaphore_mem>>)
      %dma_wait3A_1329 = arith.constant 0 : i32
      %dma_wait3A_1330 = tpu.memref_slice %arg10[%add3A, %dma_wait3A_1329] : memref<32x48xf32, #tpu.memory_space<hbm>> -> memref<1x48xf32, #tpu.memory_space<hbm>>
      %dma_wait3A_1331 = tpu.memref_squeeze %dma_wait3A_1330 : memref<1x48xf32, #tpu.memory_space<hbm>> -> memref<48xf32, #tpu.memory_space<hbm>>
      %dma_wait3A_1332 = arith.constant 0 : i32
      %dma_wait3A_1333 = tpu.memref_slice %arg10[%add3A, %dma_wait3A_1332] : memref<32x48xf32, #tpu.memory_space<hbm>> -> memref<1x48xf32, #tpu.memory_space<hbm>>
      %dma_wait3A_1334 = tpu.memref_squeeze %dma_wait3A_1333 : memref<1x48xf32, #tpu.memory_space<hbm>> -> memref<48xf32, #tpu.memory_space<hbm>>
      tpu.wait_dma2 semaphore(%run_scoped3A : memref<!tpu.dma_semaphore, #tpu.memory_space<semaphore_mem>>) src(%arg23 : memref<48xf32, #tpu.memory_space<vmem>>) dst(%dma_wait3A_1334 : memref<48xf32, #tpu.memory_space<hbm>>)
      tpu.yield
    }) : () -> ()
    return
  }
}

module attributes {stable_mosaic.version = 14 : i64} {
  func.func @_bg_focal_body(%arg0: i32, %arg1: memref<4096x128xf32, #tpu.memory_space<vmem>>, %arg2: memref<1024x128xf32, #tpu.memory_space<vmem>>) attributes {dimension_semantics = [#tpu.dimension_semantics<arbitrary>], iteration_bounds = array<i64: 8>, scalar_prefetch = 0 : i64, scratch_operands = 0 : i64, tpu.core_type = #tpu.core_type<tc>, window_params = [{transform_indices = @transform_0, window_bounds = array<i64: 4096, 128>}, {pipeline_mode = #tpu.pipeline_mode<synchronous>, transform_indices = @transform_1, window_bounds = array<i64: 1024, 128>}]} {
    %eq3A = arith.constant 0 : i32
    %eq3A_0 = arith.cmpi eq, %arg0, %eq3A : i32
    %convert_element_type3A = arith.extui %eq3A_0 : i1 to i32
    %cond3A = arith.constant 0 : i32
    %cond3A_1 = arith.cmpi ne, %convert_element_type3A, %cond3A : i32
    scf.if %cond3A_1 {
      %broadcast_in_dim3A = arith.constant 0.000000e+00 : f32
      %broadcast_in_dim3A_39 = vector.broadcast %broadcast_in_dim3A : f32 to vector<1024x128xf32>
      %swap3A_40 = arith.constant 0 : index
      %swap3A_41 = arith.constant 0 : index
      %swap3A_42 = vector.load %arg2[%swap3A_40, %swap3A_41] : memref<1024x128xf32, #tpu.memory_space<vmem>>, vector<1024x128xf32>
      tpu.vector_store %arg2[%swap3A_40, %swap3A_41], %broadcast_in_dim3A_39 {strides = array<i32>} : memref<1024x128xf32, #tpu.memory_space<vmem>>, vector<1024x128xf32>,
    } else {
    }
    %get3A = arith.constant 0 : index
    %get3A_2 = arith.constant 0 : index
    %get3A_3 = vector.load %arg1[%get3A, %get3A_2] : memref<4096x128xf32, #tpu.memory_space<vmem>>, vector<4096x128xf32>
    %abs3A = math.absf %get3A_3 : vector<4096x128xf32>
    %neg3A = arith.constant 0.000000e+00 : f32
    %neg3A_4 = vector.broadcast %neg3A : f32 to vector<4096x128xf32>
    %neg3A_5 = arith.subf %neg3A_4, %abs3A : vector<4096x128xf32>
    %exp3A = math.exp %neg3A_5 : vector<4096x128xf32>
    %add3A = arith.constant 1.000000e+00 : f32
    %add3A_6 = vector.broadcast %add3A : f32 to vector<4096x128xf32>
    %add3A_7 = arith.addf %add3A_6, %exp3A : vector<4096x128xf32>
    %div3A = arith.constant 1.000000e+00 : f32
    %div3A_8 = vector.broadcast %div3A : f32 to vector<4096x128xf32>
    %div3A_9 = arith.divf %div3A_8, %add3A_7 : vector<4096x128xf32>
    %ge3A = arith.constant 0.000000e+00 : f32
    %ge3A_10 = vector.broadcast %ge3A : f32 to vector<4096x128xf32>
    %ge3A_11 = arith.cmpf oge, %get3A_3, %ge3A_10 : vector<4096x128xf32>
    %mul3A = arith.mulf %exp3A, %div3A_9 : vector<4096x128xf32>
    %select_n3A = arith.select %ge3A_11, %div3A_9, %mul3A : vector<4096x128xi1>, vector<4096x128xf32>
    %max3A = arith.constant 0.000000e+00 : f32
    %max3A_12 = vector.broadcast %max3A : f32 to vector<4096x128xf32>
    %max3A_13 = arith.maximumf %get3A_3, %max3A_12 : vector<4096x128xf32>
    %log3A = math.log %add3A_7 : vector<4096x128xf32>
    %add3A_14 = arith.addf %max3A_13, %log3A : vector<4096x128xf32>
    %mul3A_15 = arith.mulf %select_n3A, %select_n3A : vector<4096x128xf32>
    %mul3A_16 = arith.mulf %mul3A_15, %add3A_14 : vector<4096x128xf32>
    %sub3A = arith.constant 1.000000e+00 : f32
    %sub3A_17 = vector.broadcast %sub3A : f32 to vector<4096x128xf32>
    %sub3A_18 = arith.subf %sub3A_17, %select_n3A : vector<4096x128xf32>
    %mul3A_19 = arith.mulf %sub3A_18, %sub3A_18 : vector<4096x128xf32>
    %sub3A_20 = arith.subf %add3A_14, %get3A_3 : vector<4096x128xf32>
    %mul3A_21 = arith.mulf %mul3A_19, %sub3A_20 : vector<4096x128xf32>
    %get3A_22 = arith.constant 0 : index
    %get3A_23 = arith.constant 0 : index
    %get3A_24 = vector.load %arg2[%get3A_22, %get3A_23] : memref<1024x128xf32, #tpu.memory_space<vmem>>, vector<512x128xf32>
    %reshape3A = vector.shape_cast %mul3A_16 : vector<4096x128xf32> to vector<8x512x128xf32>
    %reduce_sum3A = arith.constant dense<0.000000e+00> : vector<512x128xf32>
    %reduce_sum3A_25 = vector.multi_reduction <add>, %reshape3A, %reduce_sum3A [0] : vector<8x512x128xf32> to vector<512x128xf32>
    %add3A_26 = arith.addf %get3A_24, %reduce_sum3A_25 : vector<512x128xf32>
    %swap3A = arith.constant 0 : index
    %swap3A_27 = arith.constant 0 : index
    %swap3A_28 = vector.load %arg2[%swap3A, %swap3A_27] : memref<1024x128xf32, #tpu.memory_space<vmem>>, vector<512x128xf32>
    tpu.vector_store %arg2[%swap3A, %swap3A_27], %add3A_26 {strides = array<i32>} : memref<1024x128xf32, #tpu.memory_space<vmem>>, vector<512x128xf32>,
    %get3A_29 = arith.constant 512 : index
    %get3A_30 = arith.constant 0 : index
    %get3A_31 = vector.load %arg2[%get3A_29, %get3A_30] : memref<1024x128xf32, #tpu.memory_space<vmem>>, vector<512x128xf32>
    %reshape3A_32 = vector.shape_cast %mul3A_21 : vector<4096x128xf32> to vector<8x512x128xf32>
    %reduce_sum3A_33 = arith.constant dense<0.000000e+00> : vector<512x128xf32>
    %reduce_sum3A_34 = vector.multi_reduction <add>, %reshape3A_32, %reduce_sum3A_33 [0] : vector<8x512x128xf32> to vector<512x128xf32>
    %add3A_35 = arith.addf %get3A_31, %reduce_sum3A_34 : vector<512x128xf32>
    %swap3A_36 = arith.constant 512 : index
    %swap3A_37 = arith.constant 0 : index
    %swap3A_38 = vector.load %arg2[%swap3A_36, %swap3A_37] : memref<1024x128xf32, #tpu.memory_space<vmem>>, vector<512x128xf32>
    tpu.vector_store %arg2[%swap3A_36, %swap3A_37], %add3A_35 {strides = array<i32>} : memref<1024x128xf32, #tpu.memory_space<vmem>>, vector<512x128xf32>,
    return
  }
  func.func @transform_0(%arg0: i32) -> (i32, i32) {
    %c0_i32 = arith.constant 0 : i32
    %c0_i32_0 = arith.constant 0 : i32
    return %arg0, %c0_i32 : i32, i32
  }
  func.func @transform_1(%arg0: i32) -> (i32, i32) {
    %c0_i32 = arith.constant 0 : i32
    %c0_i32_0 = arith.constant 0 : i32
    %c0_i32_1 = arith.constant 0 : i32
    return %c0_i32, %c0_i32_0 : i32, i32
  }
}

</mosaic_0001>

<sc_bundles>
// kernel: kernel.4.cloned.1.call-start
scs
__scs_entry_jumppad:
0x0: {  	(pc) =	sbr.rel $0x88, $3  }
0x1: {  	(tag) =	ssettag $0x0;
	lr =	simm.s32 $0x1  }
0x2: {  	[smem:$0x3F99] =	sst lr;
	_ =	strace $0xD0000000  }
0x3: {  	_ = 	snop  }
0x4: {  	_ = 	snop  }
0x5: {  	_ = 	snop  }
0x6: {  	_ = 	snop  }
0x7: {  	_ = 	snop  }
__scs_overlays_trampoline_lowered:
0x8: {  	[smem:$0x3FA8] =	sst s0  }
0x9: {  	[smem:$0x3FA9] =	sst s1  }
0xa: {  	[smem:$0x3FAA] =	sst s2  }
0xb: {  	[smem:$0x3FAB] =	sst s3  }
0xc: {  	[smem:$0x3FAC] =	sst s4  }
0xd: {  	[smem:$0x3FAD] =	sst s5  }
0xe: {  	[smem:$0x3FAE] =	sst s6  }
0xf: {  	[smem:$0x3FAF] =	sst s7  }
0x10: {  	[smem:$0x3FB0] =	sst s8  }
0x11: {  	[smem:$0x3FB1] =	sst s9;
	s0 =	simm.s32 @!p0 $0x0  }
0x12: {  	s1 =	sld [smem:$0x3F97];
	s0 =	simm.s32 @p0 $0x1  }
0x13: {  	[smem:$0x3FB2] =	sst s0;
	s0 =	simm.s32 @!p1 $0x0  }
0x14: {  	s2 =	sld [smem:$0x3F96];
	s0 =	simm.s32 @p1 $0x1  }
0x15: {  	[smem:$0x3FB3] =	sst s0;
	s0 =	simm.s32 @!p2 $0x0  }
0x16: {  	s3 =	sld [smem:$0x3FDB];
	s0 =	simm.s32 @p2 $0x1  }
0x17: {  	s4 =	simm.s32 $0x1BF5;
	[smem:$0x3FB5] =	sst s0  }
0x18: {  	s0 =	sld [smem:$0x3F98];
	_ =	swait.ge [sflag:s4], $0x0  }
0x19: {  	s7 =	sld [smem:$0x3F99]  }
0x1a: {  	s8 =	sadd.s32 $0xFFFFE003, lr  }
0x1b: {  	s9 =	sadd.s32 $0xFFFFFEF7, lr;
	s5 =	simm.s32 $0xFFFFFFFF;
	p2 =	slt.u32 s8, $0xFFFFF086  }
0x1c: {  	p1 =	slt.u32 s9, $0xF7A;
	s5 =	simm.s32 @!p2 $0x0  }
0x1d: {  	s5 =	simm.s32 @p1 $0x1;
	p0 =	seq.s32 s7, s2  }
0x1e: {  	s7 =	smul.u32 @!p0 $0xF7A, s2;
	p2 =	seq.s32 @!p0 s5, $0x0  }
0x1f: {  	s9 =	smul.u32 $0xF7A, s1;
	s8 =	simm.s32 @!p0 $0x1BF5;
	p2 =	por !p2, p0  }
0x20: {  	[sflag:s8] =	ssyncset.s32 @!p0 $0xFFFFF086;
	s6 =	sadd.s32 @!p0 s3, s7;
	s7 =	simm.s32 @!p0 $0x108  }
0x21: {  	s3 =	sadd.s32 s3, s9;
	s6 =	sadd.s32 @!p0 $0x88, s6;
	s7 =	simm.s32 @p2 $0x1082  }
0x22: {  	[simem:s7], [sflag:s8] =	dma.local @!p0 [hbm:s6], $0xF7A  }
0x23: {  	s9 =	sor.u32 $0xD0000000, s2;
	s6 =	simm.s32 $0x108;
	_ =	swait.ge @!p0 [sflag:s8], $0x0  }
0x24: {  	s3 =	sadd.s32 $0x88, s3;
	s6 =	simm.s32 @!p1 $0x1082;
	[sflag:s4] =	ssyncset.s32 $0xFFFFF086  }
0x25: {  	[simem:s6], [sflag:s4] =	dma.local [hbm:s3], $0xF7A  }
0x26: {  	[smem:$0x3F99] =	sst s1;
	(tag) =	ssettag s2;
	_ =	strace s9  }
0x27: {  	s1 =	sld [smem:$0x3FA9]  }
0x28: {  	s2 =	sld [smem:$0x3FAA]  }
0x29: {  	s4 =	sld [smem:$0x3FAC]  }
0x2a: {  	p0 =	seq.s32 s5, $0x0;
	s5 =	sld [smem:$0x3FAD]  }
0x2b: {  	s6 =	sld [smem:$0x3FAE]  }
0x2c: {  	s7 =	sld [smem:$0x3FAF]  }
0x2d: {  	s3 =	simm.s32 $0x108;
	s8 =	sld [smem:$0x3FB0]  }
0x2e: {  	s3 =	simm.s32 @!p0 $0x1082;
	s9 =	sld [smem:$0x3FB1]  }
0x2f: {  	lr =	sadd.s32 s0, s3;
	s0 =	sld [smem:$0x3FA8]  }
0x30: {  	s3 =	sld [smem:$0x3FAB]  }
0x31: {  	[smem:$0x3FB4] =	sst s10  }
0x32: {  	s10 =	sld [smem:$0x3FB2];
	_ =	sdelay $0x3  }
0x33: {  	p0 =	seq.s32 s10, $0x1;
	s10 =	sld [smem:$0x3FB4];
	_ =	sdelay $0x3  }
0x34: {  	[smem:$0x3FB4] =	sst s10  }
0x35: {  	s10 =	sld [smem:$0x3FB3];
	_ =	sdelay $0x3  }
0x36: {  	p1 =	seq.s32 s10, $0x1;
	s10 =	sld [smem:$0x3FB4];
	_ =	sdelay $0x3  }
0x37: {  	[smem:$0x3FB4] =	sst s10  }
0x38: {  	s10 =	sld [smem:$0x3FB5]  }
0x39: {  	_ = 	snop;
	(pc) =	sbr.ind lr, $3  }
0x3a: {  	_ = 	snop  }
0x3b: {  	_ = 	snop  }
0x3c: {  	p2 =	seq.s32 s10, $0x1;
	s10 =	sld [smem:$0x3FB4]  }
0x3d: {  	_ =	shalt  }
0x3e: {  	_ =	shalt  }
0x3f: {  	_ =	shalt  }
0x40: {  	_ =	shalt  }
0x41: {  	_ =	shalt  }
0x42: {  	_ =	shalt  }
0x43: {  	_ =	shalt  }
0x44: {  	_ =	shalt  }
0x45: {  	_ =	shalt  }
0x46: {  	_ =	shalt  }
0x47: {  	_ =	shalt  }
0x48: {  	_ =	shalt  }
0x49: {  	_ =	shalt  }
0x4a: {  	_ =	shalt  }
0x4b: {  	_ =	shalt  }
0x4c: {  	_ =	shalt  }
0x4d: {  	_ =	shalt  }
0x4e: {  	_ =	shalt  }
0x4f: {  	_ =	shalt  }
0x50: {  	_ =	shalt  }
0x51: {  	_ =	shalt  }
0x52: {  	_ =	shalt  }
0x53: {  	_ =	shalt  }
0x54: {  	_ =	shalt  }
0x55: {  	_ =	shalt  }
0x56: {  	_ =	shalt  }
0x57: {  	_ =	shalt  }
0x58: {  	_ =	shalt  }
0x59: {  	_ =	shalt  }
0x5a: {  	_ =	shalt  }
0x5b: {  	_ =	shalt  }
0x5c: {  	_ =	shalt  }
0x5d: {  	_ =	shalt  }
0x5e: {  	_ =	shalt  }
0x5f: {  	_ =	shalt  }
0x60: {  	_ =	shalt  }
0x61: {  	_ =	shalt  }
0x62: {  	_ =	shalt  }
0x63: {  	_ =	shalt  }
0x64: {  	_ =	shalt  }
0x65: {  	_ =	shalt  }
0x66: {  	_ =	shalt  }
0x67: {  	_ =	shalt  }
0x68: {  	_ =	shalt  }
0x69: {  	_ =	shalt  }
0x6a: {  	_ =	shalt  }
0x6b: {  	_ =	shalt  }
0x6c: {  	_ =	shalt  }
0x6d: {  	_ =	shalt  }
0x6e: {  	_ =	shalt  }
0x6f: {  	_ =	shalt  }
0x70: {  	_ =	shalt  }
0x71: {  	_ =	shalt  }
0x72: {  	_ =	shalt  }
0x73: {  	_ =	shalt  }
0x74: {  	_ =	shalt  }
0x75: {  	_ =	shalt  }
0x76: {  	_ =	shalt  }
0x77: {  	_ =	shalt  }
0x78: {  	_ =	shalt  }
0x79: {  	_ =	shalt  }
0x7a: {  	_ =	shalt  }
0x7b: {  	_ =	shalt  }
0x7c: {  	_ =	shalt  }
0x7d: {  	_ =	shalt  }
0x7e: {  	_ =	shalt  }
0x7f: {  	_ =	shalt  }
0x80: {  	_ =	shalt  }
0x81: {  	_ =	shalt  }
0x82: {  	_ =	shalt  }
0x83: {  	_ =	shalt  }
0x84: {  	_ =	shalt  }
0x85: {  	_ =	shalt  }
0x86: {  	_ =	shalt  }
0x87: {  	_ =	shalt  }
.Lfunc_end0:
.L_simem_size_0:
called_computation_lowered:
.L_overlay_start_0:
0x88: {  	s2 =	sld [smem:$0x3FD9]  }
0x89: {  	s3 =	sld [smem:$0x3FFE];
	_ =	sdelay $0x1  }
0x8a: {  	s1 =	srdreg.scid  }
0x8b: {  	s0 =	sand.u32 $0x1, s1  }
0x8c: {  	s17 =	sshll.u32 s0, $0xA;
	s2 =	sadd.s32 s3, s2  }
0x8d: {  	s2 =	sadd.s32 s2, s17  }
0x8e: {  	[smem:$0x3FC0] =	sst s2  }
0x8f: {  	_ = 	snop  }
0x90: {  	s2 =	sld [smem:$0x3FC9]  }
0x91: {  	s18 =	sld [smem:$0x3FC8]  }
0x92: {  	s4 =	sld [smem:$0x3FC7]  }
0x93: {  	s5 =	sld [smem:$0x3FC6]  }
0x94: {  	s6 =	sld [smem:$0x3FC5]  }
0x95: {  	s7 =	sld [smem:$0x3FC4]  }
0x96: {  	s8 =	sld [smem:$0x3FC3]  }
0x97: {  	s9 =	sld [smem:$0x3FC2];
	(tm) =	ssettm $0x1  }
0x98: {  	s10 =	sld [smem:$0x3FFB];
	_ =	sdelay $0x3  }
0x99: {  	_ =	strace s10  }
0x9a: {  	s10 =	sld [smem:$0x3FFC];
	_ =	sdelay $0x3  }
0x9b: {  	_ =	strace s10  }
0x9c: {  	s10 =	sld [smem:$0x3FFD];
	_ =	sdelay $0x3  }
0x9d: {  	_ =	strace s10  }
0x9e: {  	_ =	strace $0x8FFFFFFF  }
0x9f: {  	s19 =	sld [smem:$0x3FDB];
	_ =	sdelay $0x1  }
0xa0: {  	s11 =	simm.s32 $_scs_section_size  }
0xa1: {  	s12 =	simm.s32 $_size__tile_overlayer_lowered;
	s13 =	simm.s32 $_tile_overlayer_lowered  }
0xa2: {  	s22 =	simm.s32 $0x1BFF;
	s21 =	sshll.u32 s13, $0x1;
	s10 =	sadd.s32 s11, s19  }
0xa3: {  	s14 =	simm.s32 $0x0;
	s20 =	sshll.u32 s12, $0x1;
	s12 =	sadd.s32 s21, s10  }
0xa4: {  	[timem:s14], [sflag:s22] =	dma.local [hbm:s12], s20  }
0xa5: {  	_ =	swait.ge [sflag:s22], s20  }
0xa6: {  	s11 =	ssub.s32 $0x0, s20;
	[sflag:s22] =	ssyncset.done $0x0  }
0xa7: {  	[sflag:s22] =	ssyncadd.s32 s11;
	_ =	sdelay $0x1  }
0xa8: {  	s23 =	simm.s32 $0x1B8B  }
0xa9: {  	_ =	swait.ge [sflag:s23], $0x1  }
0xaa: {  	[sflag:s23] =	ssyncset.done $0x0  }
0xab: {  	s25 =	simm.s32 $0x1B8E;
	s24 =	sld [smem:$0x3FFE];
	[sflag:s23] =	ssyncadd.s32 $0xFFFFFFFF  }
0xac: {  	s26 =	simm.s32 $execute0_lowered;
	[smem:$0x3FD2] =	sst s25  }
0xad: {  	s12 =	sshll.u32 s26, $0x1;
	_ =	strace $0x80000046;
	[dreg:$0x1] =	wrdreg $0xFFFFFFFF  }
0xae: {  	s28 =	simm.s32 $_size_execute0_lowered;
	s10 =	sadd.s32 s10, s12;
	[dreg:$0x0] =	wrdreg $0x0  }
0xaf: {  	s12 =	sshll.u32 s28, $0x1;
	[dreg:$0x2] =	wrdreg s10  }
0xb0: {  	[dreg:$0x3] =	wrdreg s12  }
0xb1: {  	[dreg:$0x4] =	wrdreg $0xC0  }
0xb2: {  	_ =	task [dreg:s14], $0x5FFFF  }
0xb3: {  	[dreg:$0x1] =	wrdreg $0xFFFFFFFF  }
0xb4: {  	[dreg:$0x0] =	wrdreg $0x60  }
0xb5: {  	[dreg:$0x2] =	wrdreg s2  }
0xb6: {  	[dreg:$0x3] =	wrdreg s18  }
0xb7: {  	[dreg:$0x4] =	wrdreg s4  }
0xb8: {  	[dreg:$0x5] =	wrdreg s5  }
0xb9: {  	[dreg:$0x6] =	wrdreg s8  }
0xba: {  	[dreg:$0x7] =	wrdreg s9  }
0xbb: {  	[dreg:$0x8] =	wrdreg s6  }
0xbc: {  	[dreg:$0x9] =	wrdreg s7  }
0xbd: {  	[dreg:$0xa] =	wrdreg s24  }
0xbe: {  	[dreg:$0xb] =	wrdreg $0x9  }
0xbf: {  	_ =	task.clear_ibuf [dreg:s14], $0xCFFFF;
	_ =	strace $0x90000046  }
0xc0: {  	s29 =	simm.s32 $0x9;
	_ =	strace $0x80000048  }
0xc1: {  	_ =	swait.ge [sflag:s29], $0x1  }
0xc2: {  	[sflag:s29] =	ssyncadd.s32 $0xFFFFFFFF  }
0xc3: {  	_ =	strace $0x90000048  }
0xc4: {  	_ =	sfence  }
0xc5: {  	s30 =	sld [smem:$0x0];
	_ =	sdelay $0x2  }
0xc6: {  	s31 =	sshll.u32 s1, $0xD;
	s1 =	sshrl.u32 s1, $0x2  }
0xc7: {  	s3 =	sand.u32 $0x4000, s31;
	s1 =	sadd.s32 s1, s30  }
0xc8: {  	s0 =	sor.u32 s3, s0;
	s1 =	sshll.u32 s1, $0x11  }
0xc9: {  	s0 =	sor.u32 s1, s0  }
0xca: {  	s0 =	sadd.s32 $0x8F2B, s0  }
0xcb: {  	[sflag:s0] =	ssyncadd.remote.s32 $0x1  }
0xcc: {  	_ =	sfence.sel $0xFFFF  }
0xcd: {  	[dreg:$0x0] =	wrdreg $0xFFFFFFFF;
	(pc) =	sbr.abs _section_cstart, $3  }
0xce: {  	[dreg:$0x1] =	wrdreg $0xFFFFFFFF  }
0xcf: {  	_ =	task.clear_ibuf [dreg:s14], $0x2FFFF;
	_ =	strace $0x9FFFFFFF  }
0xd0: {  	(tm) =	ssettm $0x7FFFFFFF  }
0xd1: {  	_ =	shalt  }
tec
execute0_lowered:
.L_overlay_start_1:
0x0: {  	(tag) =	ssettag $0x1  }
0x1: {  	s0 =	srdreg.scid;
	s24 =	stileid.u32  }
0x2: {  	s1 =	sand.u32 $0x1, s0;
	s12 =	sshll.u32 s24, $0x1  }
0x3: {  	s2 =	rddreg [dreg:$0x4];
	s0 =	sor.u32 s1, s12  }
0x4: {  	s3 =	rddreg [dreg:$0x5];
	s8 =	sshll.u32 s24, $0xB;
	s5 =	sshll.u32 s0, $0x8  }
0x5: {  	s4 =	rddreg [dreg:$0x6];
	s9 =	sand.u32 $0x7000, s8;
	s11 =	sand.u32 $0x300, s5  }
0x6: {  	s6 =	rddreg [dreg:$0x7];
	s7 =	ssub.s32 $0x2, s1;
	s10 =	sor.u32 s9, s11  }
0x7: {  	s1 =	simm.s32 $0x0;
	s13 =	sshrl.u32 s7, $0x1;
	s12 =	sshrl.u32 s10, $0x3  }
0x8: {  	[smem:$0x7FF] =	sst s1;
	s5 =	ssub.s32 s7, s13;
	s14 =	sadd.s32 s2, s12  }
0x9: {  	s13 =	sor.u32 $0x400, s9;
	s15 =	sadd.s32 s3, s12;
	[dreg:$0xa] =	wrdreg s14  }
0xa: {  	s7 =	sadd.s32 $0x1000, s4;
	s16 =	sadd.s32 s6, s12;
	[dreg:$0xb] =	wrdreg s15  }
0xb: {  	s10 =	sadd.s32 $0x2000, s4;
	s17 =	sadd.s32 s4, s12;
	[dreg:$0xc] =	wrdreg s16  }
0xc: {  	[dreg:$0xd] =	wrdreg s17;
	s14 =	sor.u32 s13, s11;
	s15 =	sadd.s32 s12, s7  }
0xd: {  	s12 =	sadd.s32 s12, s10;
	s14 =	sshrl.u32 s14, $0x3;
	[dreg:$0xe] =	wrdreg s15  }
0xe: {  	[dreg:$0xf] =	wrdreg s12;
	s18 =	sadd.s32 s2, s14  }
0xf: {  	s20 =	sor.u32 $0x800, s8;
	s19 =	sadd.s32 s3, s14;
	[dreg:$0x10] =	wrdreg s18  }
0x10: {  	s8 =	sor.u32 $0xC00, s8;
	s22 =	sadd.s32 s6, s14;
	[dreg:$0x11] =	wrdreg s19  }
0x11: {  	s21 =	sor.u32 s20, s11;
	s23 =	sadd.s32 s4, s14;
	[dreg:$0x12] =	wrdreg s22  }
0x12: {  	s16 =	sor.u32 s8, s11;
	s25 =	sadd.s32 s14, s7;
	[dreg:$0x13] =	wrdreg s23  }
0x13: {  	s16 =	sshrl.u32 s16, $0x3;
	s26 =	sadd.s32 s14, s10;
	[dreg:$0x14] =	wrdreg s25  }
0x14: {  	s14 =	sshrl.u32 s21, $0x3;
	s21 =	sadd.s32 s2, s16;
	[dreg:$0x15] =	wrdreg s26  }
0x15: {  	s15 =	sadd.s32 s2, s14;
	[dreg:$0x1c] =	wrdreg s21  }
0x16: {  	s11 =	sor.u32 $0x80, s11;
	s17 =	sadd.s32 s3, s14;
	[dreg:$0x16] =	wrdreg s15  }
0x17: {  	s9 =	sor.u32 s9, s11;
	s18 =	sadd.s32 s6, s14;
	[dreg:$0x17] =	wrdreg s17  }
0x18: {  	s13 =	sor.u32 s13, s11;
	s19 =	sadd.s32 s4, s14;
	[dreg:$0x18] =	wrdreg s18  }
0x19: {  	s12 =	sor.u32 s20, s11;
	s20 =	sadd.s32 s14, s7;
	[dreg:$0x19] =	wrdreg s19  }
0x1a: {  	s8 =	sor.u32 s8, s11;
	s11 =	sadd.s32 s14, s10;
	[dreg:$0x1a] =	wrdreg s20  }
0x1b: {  	s22 =	sadd.s32 s3, s16;
	[dreg:$0x1b] =	wrdreg s11  }
0x1c: {  	s23 =	sadd.s32 s6, s16;
	[dreg:$0x1d] =	wrdreg s22  }
0x1d: {  	s25 =	sadd.s32 s4, s16;
	[dreg:$0x1e] =	wrdreg s23  }
0x1e: {  	s26 =	sadd.s32 s16, s7;
	[dreg:$0x1f] =	wrdreg s25  }
0x1f: {  	s9 =	sshrl.u32 s9, $0x3;
	s14 =	sadd.s32 s16, s10;
	[smem:$0x7EB] =	sst s26  }
0x20: {  	s16 =	sadd.s32 s3, s9;
	[smem:$0x7EC] =	sst s14  }
0x21: {  	[smem:$0x7EE] =	sst s16  }
0x22: {  	s15 =	sadd.s32 s2, s9;
	s14 =	sshrl.u32 s8, $0x3;
	s8 =	rddreg [dreg:$0x0]  }
0x23: {  	s17 =	sadd.s32 s6, s9;
	[smem:$0x7ED] =	sst s15  }
0x24: {  	s18 =	sadd.s32 s4, s9;
	[smem:$0x7EF] =	sst s17  }
0x25: {  	s19 =	sadd.s32 s9, s7;
	[smem:$0x7F0] =	sst s18  }
0x26: {  	s9 =	sadd.s32 s9, s10;
	[smem:$0x7F1] =	sst s19  }
0x27: {  	s20 =	sshrl.u32 s13, $0x3;
	[smem:$0x7F2] =	sst s9  }
0x28: {  	s21 =	sadd.s32 s2, s20;
	s17 =	rddreg [dreg:$0x2]  }
0x29: {  	s22 =	sadd.s32 s3, s20;
	[smem:$0x7F3] =	sst s21  }
0x2a: {  	s23 =	sadd.s32 s6, s20;
	[smem:$0x7F4] =	sst s22  }
0x2b: {  	s28 =	simm.s32 $0x80;
	s25 =	sadd.s32 s4, s20;
	[smem:$0x7F5] =	sst s23  }
0x2c: {  	s29 =	simm.s32 $0x4800;
	s26 =	sadd.s32 s20, s7;
	[smem:$0x7F6] =	sst s25  }
0x2d: {  	s30 =	simm.s32 $0x2;
	s9 =	sadd.s32 s20, s10;
	[smem:$0x7F7] =	sst s26  }
0x2e: {  	s31 =	simm.s32 $0x1;
	s12 =	sshrl.u32 s12, $0x3;
	[smem:$0x7F8] =	sst s9  }
0x2f: {  	s18 =	sadd.s32 s2, s12;
	s19 =	sadd.s32 s3, s12;
	s9 =	rddreg [dreg:$0x1]  }
0x30: {  	s20 =	sadd.s32 s6, s12;
	s15 =	sadd.s32 s12, s10;
	[smem:$0x7F9] =	sst s18  }
0x31: {  	s16 =	sadd.s32 s2, s14;
	s2 =	simm.s32 $0x1800;
	[smem:$0x7FA] =	sst s19  }
0x32: {  	[smem:$0x7FB] =	sst s20;
	s21 =	sadd.s32 s4, s12;
	s22 =	sadd.s32 s12, s7  }
0x33: {  	s18 =	sadd.s32 s3, s14;
	s19 =	sadd.s32 s6, s14;
	s20 =	sadd.s32 s4, s14  }
0x34: {  	s23 =	rddreg [dreg:$0x8];
	s25 =	smul.u32 $0x6, s0;
	s26 =	sshll.u32 s24, $0xE  }
0x35: {  	s24 =	sshll.u32 s0, $0x1;
	s0 =	simm.s32 $0xC00;
	[smem:$0x7FC] =	sst s21  }
0x36: {  	s3 =	simm.s32 $0x1C00;
	s4 =	simm.s32 $0x0;
	[smem:$0x7FD] =	sst s22  }
0x37: {  	s21 =	sadd.s32 s14, s7;
	s22 =	sadd.s32 s14, s10;
	s23 =	sadd.s32 s23, s25  }
0x38: {  	v0 =	vimm.s32 $0xF;
	_ =	strace $0x80000047;
	s25 =	sand.u32 $0x38000, s26;
	s26 =	smax.u32 s5, $0x1  }
.LBB2_1:
0x39: {  	s5 =	rddreg [dreg:$0xa]  }
0x3a: {  	s6 =	rddreg [dreg:$0xb]  }
0x3b: {  	[tilespmem:s1], [sflag:$0x1] =	stream.linear.gather [hbm4b:s5+s1], $0x80, $0x38;
	[tilespmem:$0x4840] =	vst v63  }
0x3c: {  	s12 =	rddreg [dreg:$0xc];
	s5 =	simm.s32 $0x400  }
0x3d: {  	[tilespmem:s5], [sflag:$0x1] =	stream.linear.gather [hbm4b:s6+s1], $0x80, $0x38;
	[tilespmem:$0x4840] =	vst v63  }
0x3e: {  	s7 =	simm.s32 $0x4400;
	s13 =	rddreg [dreg:$0xd]  }
0x3f: {  	[tilespmem:s7], [sflag:$0x1] =	stream.linear.gather [hbm4b:s12+s1], $0x80, $0x38;
	[tilespmem:$0x4840] =	vst v63  }
0x40: {  	s14 =	simm.s32 $0x3800;
	s10 =	rddreg [dreg:$0xe]  }
0x41: {  	[tilespmem:s14], [sflag:$0x1] =	stream.linear.gather [hbm4b:s13+s1], $0x80, $0x38;
	[tilespmem:$0x4840] =	vst v63  }
0x42: {  	s11 =	simm.s32 $0x3C00;
	s12 =	rddreg [dreg:$0xf]  }
0x43: {  	[tilespmem:s11], [sflag:$0x1] =	stream.linear.gather [hbm4b:s10+s1], $0x80, $0x38;
	[tilespmem:$0x4840] =	vst v63  }
0x44: {  	s7 =	rddreg [dreg:$0x11];
	s13 =	simm.s32 $0x4000  }
0x45: {  	[tilespmem:s13], [sflag:$0x1] =	stream.linear.gather [hbm4b:s12+s1], $0x80, $0x38;
	[tilespmem:$0x4840] =	vst v63  }
0x46: {  	s14 =	rddreg [dreg:$0x10]  }
0x47: {  	[tilespmem:s28], [sflag:$0x1] =	stream.linear.gather [hbm4b:s14+s1], $0x80, $0x38;
	[tilespmem:$0x4840] =	vst v63  }
0x48: {  	s10 =	simm.s32 $0x480;
	s11 =	rddreg [dreg:$0x12]  }
0x49: {  	[tilespmem:s10], [sflag:$0x1] =	stream.linear.gather [hbm4b:s7+s1], $0x80, $0x38;
	[tilespmem:$0x4840] =	vst v63  }
0x4a: {  	s12 =	simm.s32 $0x4480;
	s13 =	rddreg [dreg:$0x13]  }
0x4b: {  	[tilespmem:s12], [sflag:$0x1] =	stream.linear.gather [hbm4b:s11+s1], $0x80, $0x38;
	[tilespmem:$0x4840] =	vst v63  }
0x4c: {  	s14 =	simm.s32 $0x3880;
	s7 =	rddreg [dreg:$0x14]  }
0x4d: {  	[tilespmem:s14], [sflag:$0x1] =	stream.linear.gather [hbm4b:s13+s1], $0x80, $0x38;
	[tilespmem:$0x4840] =	vst v63  }
0x4e: {  	s10 =	simm.s32 $0x3C80;
	s11 =	rddreg [dreg:$0x15]  }
0x4f: {  	[tilespmem:s10], [sflag:$0x1] =	stream.linear.gather [hbm4b:s7+s1], $0x80, $0x38;
	[tilespmem:$0x4840] =	vst v63  }
0x50: {  	s12 =	simm.s32 $0x4080;
	s13 =	rddreg [dreg:$0x16]  }
0x51: {  	[tilespmem:s12], [sflag:$0x1] =	stream.linear.gather [hbm4b:s11+s1], $0x80, $0x38;
	[tilespmem:$0x4840] =	vst v63  }
0x52: {  	s14 =	simm.s32 $0x100;
	s7 =	rddreg [dreg:$0x17]  }
0x53: {  	[tilespmem:s14], [sflag:$0x1] =	stream.linear.gather [hbm4b:s13+s1], $0x80, $0x38;
	[tilespmem:$0x4840] =	vst v63  }
0x54: {  	s10 =	simm.s32 $0x500;
	s11 =	rddreg [dreg:$0x18]  }
0x55: {  	[tilespmem:s10], [sflag:$0x1] =	stream.linear.gather [hbm4b:s7+s1], $0x80, $0x38;
	[tilespmem:$0x4840] =	vst v63  }
0x56: {  	s12 =	simm.s32 $0x4500;
	s13 =	rddreg [dreg:$0x19]  }
0x57: {  	[tilespmem:s12], [sflag:$0x1] =	stream.linear.gather [hbm4b:s11+s1], $0x80, $0x38;
	[tilespmem:$0x4840] =	vst v63  }
0x58: {  	s14 =	simm.s32 $0x3900;
	s7 =	rddreg [dreg:$0x1a]  }
0x59: {  	[tilespmem:s14], [sflag:$0x1] =	stream.linear.gather [hbm4b:s13+s1], $0x80, $0x38;
	[tilespmem:$0x4840] =	vst v63  }
0x5a: {  	s10 =	simm.s32 $0x3D00;
	s11 =	rddreg [dreg:$0x1b]  }
0x5b: {  	[tilespmem:s10], [sflag:$0x1] =	stream.linear.gather [hbm4b:s7+s1], $0x80, $0x38;
	[tilespmem:$0x4840] =	vst v63  }
0x5c: {  	s12 =	simm.s32 $0x4100;
	s13 =	rddreg [dreg:$0x1c]  }
0x5d: {  	[tilespmem:s12], [sflag:$0x1] =	stream.linear.gather [hbm4b:s11+s1], $0x80, $0x38;
	[tilespmem:$0x4840] =	vst v63  }
0x5e: {  	s14 =	simm.s32 $0x180;
	s7 =	rddreg [dreg:$0x1d]  }
0x5f: {  	[tilespmem:s14], [sflag:$0x1] =	stream.linear.gather [hbm4b:s13+s1], $0x80, $0x38;
	[tilespmem:$0x4840] =	vst v63  }
0x60: {  	s10 =	simm.s32 $0x580;
	s11 =	rddreg [dreg:$0x1e]  }
0x61: {  	[tilespmem:s10], [sflag:$0x1] =	stream.linear.gather [hbm4b:s7+s1], $0x80, $0x38;
	[tilespmem:$0x4840] =	vst v63  }
0x62: {  	s12 =	simm.s32 $0x4580;
	s13 =	rddreg [dreg:$0x1f]  }
0x63: {  	[tilespmem:s12], [sflag:$0x1] =	stream.linear.gather [hbm4b:s11+s1], $0x80, $0x38;
	[tilespmem:$0x4840] =	vst v63  }
0x64: {  	s14 =	simm.s32 $0x3980;
	s7 =	sld [smem:$0x7EB]  }
0x65: {  	[tilespmem:s14], [sflag:$0x1] =	stream.linear.gather [hbm4b:s13+s1], $0x80, $0x38;
	[tilespmem:$0x4840] =	vst v63  }
0x66: {  	s10 =	simm.s32 $0x3D80;
	s11 =	sld [smem:$0x7EC]  }
0x67: {  	[tilespmem:s10], [sflag:$0x1] =	stream.linear.gather [hbm4b:s7+s1], $0x80, $0x38;
	[tilespmem:$0x4840] =	vst v63  }
0x68: {  	s12 =	simm.s32 $0x4180;
	s13 =	sld [smem:$0x7ED]  }
0x69: {  	[tilespmem:s12], [sflag:$0x1] =	stream.linear.gather [hbm4b:s11+s1], $0x80, $0x38;
	[tilespmem:$0x4840] =	vst v63  }
0x6a: {  	s14 =	simm.s32 $0x200;
	s7 =	sld [smem:$0x7EE]  }
0x6b: {  	[tilespmem:s14], [sflag:$0x1] =	stream.linear.gather [hbm4b:s13+s1], $0x80, $0x38;
	[tilespmem:$0x4840] =	vst v63  }
0x6c: {  	s10 =	simm.s32 $0x600;
	s11 =	sld [smem:$0x7EF]  }
0x6d: {  	[tilespmem:s10], [sflag:$0x1] =	stream.linear.gather [hbm4b:s7+s1], $0x80, $0x38;
	[tilespmem:$0x4840] =	vst v63  }
0x6e: {  	s12 =	simm.s32 $0x4600;
	s13 =	sld [smem:$0x7F0]  }
0x6f: {  	[tilespmem:s12], [sflag:$0x1] =	stream.linear.gather [hbm4b:s11+s1], $0x80, $0x38;
	[tilespmem:$0x4840] =	vst v63  }
0x70: {  	s14 =	simm.s32 $0x3A00;
	s7 =	sld [smem:$0x7F1]  }
0x71: {  	[tilespmem:s14], [sflag:$0x1] =	stream.linear.gather [hbm4b:s13+s1], $0x80, $0x38;
	[tilespmem:$0x4840] =	vst v63  }
0x72: {  	s10 =	simm.s32 $0x3E00;
	s11 =	sld [smem:$0x7F2]  }
0x73: {  	[tilespmem:s10], [sflag:$0x1] =	stream.linear.gather [hbm4b:s7+s1], $0x80, $0x38;
	[tilespmem:$0x4840] =	vst v63  }
0x74: {  	s12 =	simm.s32 $0x4200;
	s13 =	sld [smem:$0x7F3]  }
0x75: {  	[tilespmem:s12], [sflag:$0x1] =	stream.linear.gather [hbm4b:s11+s1], $0x80, $0x38;
	[tilespmem:$0x4840] =	vst v63  }
0x76: {  	s14 =	simm.s32 $0x280;
	s7 =	sld [smem:$0x7F4]  }
0x77: {  	[tilespmem:s14], [sflag:$0x1] =	stream.linear.gather [hbm4b:s13+s1], $0x80, $0x38;
	[tilespmem:$0x4840] =	vst v63  }
0x78: {  	s10 =	simm.s32 $0x680;
	s11 =	sld [smem:$0x7F5]  }
0x79: {  	[tilespmem:s10], [sflag:$0x1] =	stream.linear.gather [hbm4b:s7+s1], $0x80, $0x38;
	[tilespmem:$0x4840] =	vst v63  }
0x7a: {  	s12 =	simm.s32 $0x4680;
	s13 =	sld [smem:$0x7F6]  }
0x7b: {  	[tilespmem:s12], [sflag:$0x1] =	stream.linear.gather [hbm4b:s11+s1], $0x80, $0x38;
	[tilespmem:$0x4840] =	vst v63  }
0x7c: {  	s14 =	simm.s32 $0x3A80;
	s7 =	sld [smem:$0x7F7]  }
0x7d: {  	[tilespmem:s14], [sflag:$0x1] =	stream.linear.gather [hbm4b:s13+s1], $0x80, $0x38;
	[tilespmem:$0x4840] =	vst v63  }
0x7e: {  	s10 =	simm.s32 $0x3E80;
	s11 =	sld [smem:$0x7F8]  }
0x7f: {  	[tilespmem:s10], [sflag:$0x1] =	stream.linear.gather [hbm4b:s7+s1], $0x80, $0x38;
	[tilespmem:$0x4840] =	vst v63  }
0x80: {  	s12 =	simm.s32 $0x4280;
	s13 =	sld [smem:$0x7F9]  }
0x81: {  	[tilespmem:s12], [sflag:$0x1] =	stream.linear.gather [hbm4b:s11+s1], $0x80, $0x38;
	[tilespmem:$0x4840] =	vst v63  }
0x82: {  	s14 =	simm.s32 $0x300;
	s7 =	sld [smem:$0x7FA]  }
0x83: {  	[tilespmem:s14], [sflag:$0x1] =	stream.linear.gather [hbm4b:s13+s1], $0x80, $0x38;
	[tilespmem:$0x4840] =	vst v63  }
0x84: {  	s10 =	simm.s32 $0x700;
	s11 =	sld [smem:$0x7FB]  }
0x85: {  	[tilespmem:s10], [sflag:$0x1] =	stream.linear.gather [hbm4b:s7+s1], $0x80, $0x38;
	[tilespmem:$0x4840] =	vst v63  }
0x86: {  	s12 =	simm.s32 $0x4700;
	s13 =	sld [smem:$0x7FC]  }
0x87: {  	[tilespmem:s12], [sflag:$0x1] =	stream.linear.gather [hbm4b:s11+s1], $0x80, $0x38;
	[tilespmem:$0x4840] =	vst v63  }
0x88: {  	s14 =	simm.s32 $0x3B00;
	s7 =	sld [smem:$0x7FD]  }
0x89: {  	[tilespmem:s14], [sflag:$0x1] =	stream.linear.gather [hbm4b:s13+s1], $0x80, $0x38;
	[tilespmem:$0x4840] =	vst v63  }
0x8a: {  	s10 =	simm.s32 $0x3F00  }
0x8b: {  	[tilespmem:s10], [sflag:$0x1] =	stream.linear.gather [hbm4b:s7+s1], $0x80, $0x38;
	[tilespmem:$0x4840] =	vst v63  }
0x8c: {  	s11 =	simm.s32 $0x4300  }
0x8d: {  	[tilespmem:s11], [sflag:$0x1] =	stream.linear.gather [hbm4b:s15+s1], $0x80, $0x38;
	[tilespmem:$0x4840] =	vst v63  }
0x8e: {  	s12 =	simm.s32 $0x380  }
0x8f: {  	[tilespmem:s12], [sflag:$0x1] =	stream.linear.gather [hbm4b:s16+s1], $0x80, $0x38;
	[tilespmem:$0x4840] =	vst v63  }
0x90: {  	s13 =	simm.s32 $0x780  }
0x91: {  	[tilespmem:s13], [sflag:$0x1] =	stream.linear.gather [hbm4b:s18+s1], $0x80, $0x38;
	[tilespmem:$0x4840] =	vst v63  }
0x92: {  	s14 =	simm.s32 $0x4780  }
0x93: {  	[tilespmem:s14], [sflag:$0x1] =	stream.linear.gather [hbm4b:s19+s1], $0x80, $0x38;
	[tilespmem:$0x4840] =	vst v63  }
0x94: {  	s7 =	simm.s32 $0x3B80  }
0x95: {  	[tilespmem:s7], [sflag:$0x1] =	stream.linear.gather [hbm4b:s20+s1], $0x80, $0x38;
	[tilespmem:$0x4840] =	vst v63  }
0x96: {  	s10 =	simm.s32 $0x3F80  }
0x97: {  	[tilespmem:s10], [sflag:$0x1] =	stream.linear.gather [hbm4b:s21+s1], $0x80, $0x38;
	[tilespmem:$0x4840] =	vst v63  }
0x98: {  	s11 =	simm.s32 $0x4380  }
0x99: {  	[tilespmem:s11], [sflag:$0x1] =	stream.linear.gather [hbm4b:s22+s1], $0x80, $0x38;
	[tilespmem:$0x4840] =	vst v63  }
0x9a: {  	s12 =	rddreg [dreg:$0x3]  }
0x9b: {  	[tilespmem:s29], [sflag:$0x2] =	stream.linear.gather [hbm4b:s12+s1], $0x10, $0x38;
	[tilespmem:$0x4840] =	vst v63  }
0x9c: {  	_ =	swait.ge [sflag:s30], $0x10  }
0x9d: {  	[sflag:s30] =	ssyncset.done $0x0  }
0x9e: {  	[sflag:s30] =	ssyncadd.s32 $0xFFFFFFF0  }
0x9f: {  	_ =	swait.ge [sflag:s31], $0x80  }
0xa0: {  	[sflag:s31] =	ssyncset.done $0x0  }
0xa1: {  	[sflag:s31] =	ssyncadd.s32 $0xFFFFFF80  }
0xa2: {  	_ =	swait.ge [sflag:s31], $0x80  }
0xa3: {  	[sflag:s31] =	ssyncset.done $0x0  }
0xa4: {  	[sflag:s31] =	ssyncadd.s32 $0xFFFFFF80  }
0xa5: {  	_ =	swait.ge [sflag:s31], $0x80  }
0xa6: {  	[sflag:s31] =	ssyncset.done $0x0  }
0xa7: {  	[sflag:s31] =	ssyncadd.s32 $0xFFFFFF80  }
0xa8: {  	_ =	swait.ge [sflag:s31], $0x80  }
0xa9: {  	[sflag:s31] =	ssyncset.done $0x0  }
0xaa: {  	[sflag:s31] =	ssyncadd.s32 $0xFFFFFF80  }
0xab: {  	_ =	swait.ge [sflag:s31], $0x80  }
0xac: {  	[sflag:s31] =	ssyncset.done $0x0  }
0xad: {  	[sflag:s31] =	ssyncadd.s32 $0xFFFFFF80  }
0xae: {  	_ =	swait.ge [sflag:s31], $0x80  }
0xaf: {  	[sflag:s31] =	ssyncset.done $0x0  }
0xb0: {  	[sflag:s31] =	ssyncadd.s32 $0xFFFFFF80  }
0xb1: {  	_ =	swait.ge [sflag:s31], $0x80  }
0xb2: {  	[sflag:s31] =	ssyncset.done $0x0  }
0xb3: {  	[sflag:s31] =	ssyncadd.s32 $0xFFFFFF80  }
0xb4: {  	_ =	swait.ge [sflag:s31], $0x80  }
0xb5: {  	[sflag:s31] =	ssyncset.done $0x0  }
0xb6: {  	[sflag:s31] =	ssyncadd.s32 $0xFFFFFF80  }
0xb7: {  	_ =	swait.ge [sflag:s31], $0x80  }
0xb8: {  	[sflag:s31] =	ssyncset.done $0x0  }
0xb9: {  	[sflag:s31] =	ssyncadd.s32 $0xFFFFFF80  }
0xba: {  	_ =	swait.ge [sflag:s31], $0x80  }
0xbb: {  	[sflag:s31] =	ssyncset.done $0x0  }
0xbc: {  	[sflag:s31] =	ssyncadd.s32 $0xFFFFFF80  }
0xbd: {  	_ =	swait.ge [sflag:s31], $0x80  }
0xbe: {  	[sflag:s31] =	ssyncset.done $0x0  }
0xbf: {  	[sflag:s31] =	ssyncadd.s32 $0xFFFFFF80  }
0xc0: {  	_ =	swait.ge [sflag:s31], $0x80  }
0xc1: {  	[sflag:s31] =	ssyncset.done $0x0  }
0xc2: {  	[sflag:s31] =	ssyncadd.s32 $0xFFFFFF80  }
0xc3: {  	_ =	swait.ge [sflag:s31], $0x80  }
0xc4: {  	[sflag:s31] =	ssyncset.done $0x0  }
0xc5: {  	[sflag:s31] =	ssyncadd.s32 $0xFFFFFF80  }
0xc6: {  	_ =	swait.ge [sflag:s31], $0x80  }
0xc7: {  	[sflag:s31] =	ssyncset.done $0x0  }
0xc8: {  	[sflag:s31] =	ssyncadd.s32 $0xFFFFFF80  }
0xc9: {  	_ =	swait.ge [sflag:s31], $0x80  }
0xca: {  	[sflag:s31] =	ssyncset.done $0x0  }
0xcb: {  	[sflag:s31] =	ssyncadd.s32 $0xFFFFFF80  }
0xcc: {  	_ =	swait.ge [sflag:s31], $0x80  }
0xcd: {  	[sflag:s31] =	ssyncset.done $0x0  }
0xce: {  	[sflag:s31] =	ssyncadd.s32 $0xFFFFFF80  }
0xcf: {  	_ =	swait.ge [sflag:s31], $0x80  }
0xd0: {  	[sflag:s31] =	ssyncset.done $0x0  }
0xd1: {  	[sflag:s31] =	ssyncadd.s32 $0xFFFFFF80  }
0xd2: {  	_ =	swait.ge [sflag:s31], $0x80  }
0xd3: {  	[sflag:s31] =	ssyncset.done $0x0  }
0xd4: {  	[sflag:s31] =	ssyncadd.s32 $0xFFFFFF80  }
0xd5: {  	_ =	swait.ge [sflag:s31], $0x80  }
0xd6: {  	[sflag:s31] =	ssyncset.done $0x0  }
0xd7: {  	[sflag:s31] =	ssyncadd.s32 $0xFFFFFF80  }
0xd8: {  	_ =	swait.ge [sflag:s31], $0x80  }
0xd9: {  	[sflag:s31] =	ssyncset.done $0x0  }
0xda: {  	[sflag:s31] =	ssyncadd.s32 $0xFFFFFF80  }
0xdb: {  	_ =	swait.ge [sflag:s31], $0x80  }
0xdc: {  	[sflag:s31] =	ssyncset.done $0x0  }
0xdd: {  	[sflag:s31] =	ssyncadd.s32 $0xFFFFFF80  }
0xde: {  	_ =	swait.ge [sflag:s31], $0x80  }
0xdf: {  	[sflag:s31] =	ssyncset.done $0x0  }
0xe0: {  	[sflag:s31] =	ssyncadd.s32 $0xFFFFFF80  }
0xe1: {  	_ =	swait.ge [sflag:s31], $0x80  }
0xe2: {  	[sflag:s31] =	ssyncset.done $0x0  }
0xe3: {  	[sflag:s31] =	ssyncadd.s32 $0xFFFFFF80  }
0xe4: {  	_ =	swait.ge [sflag:s31], $0x80  }
0xe5: {  	[sflag:s31] =	ssyncset.done $0x0  }
0xe6: {  	[sflag:s31] =	ssyncadd.s32 $0xFFFFFF80  }
0xe7: {  	_ =	swait.ge [sflag:s31], $0x80  }
0xe8: {  	[sflag:s31] =	ssyncset.done $0x0  }
0xe9: {  	[sflag:s31] =	ssyncadd.s32 $0xFFFFFF80  }
0xea: {  	_ =	swait.ge [sflag:s31], $0x80  }
0xeb: {  	[sflag:s31] =	ssyncset.done $0x0  }
0xec: {  	[sflag:s31] =	ssyncadd.s32 $0xFFFFFF80  }
0xed: {  	_ =	swait.ge [sflag:s31], $0x80  }
0xee: {  	[sflag:s31] =	ssyncset.done $0x0  }
0xef: {  	[sflag:s31] =	ssyncadd.s32 $0xFFFFFF80  }
0xf0: {  	_ =	swait.ge [sflag:s31], $0x80  }
0xf1: {  	[sflag:s31] =	ssyncset.done $0x0  }
0xf2: {  	[sflag:s31] =	ssyncadd.s32 $0xFFFFFF80  }
0xf3: {  	_ =	swait.ge [sflag:s31], $0x80  }
0xf4: {  	[sflag:s31] =	ssyncset.done $0x0  }
0xf5: {  	[sflag:s31] =	ssyncadd.s32 $0xFFFFFF80  }
0xf6: {  	_ =	swait.ge [sflag:s31], $0x80  }
0xf7: {  	[sflag:s31] =	ssyncset.done $0x0  }
0xf8: {  	[sflag:s31] =	ssyncadd.s32 $0xFFFFFF80  }
0xf9: {  	_ =	swait.ge [sflag:s31], $0x80  }
0xfa: {  	[sflag:s31] =	ssyncset.done $0x0  }
0xfb: {  	[sflag:s31] =	ssyncadd.s32 $0xFFFFFF80  }
0xfc: {  	_ =	swait.ge [sflag:s31], $0x80  }
0xfd: {  	[sflag:s31] =	ssyncset.done $0x0  }
0xfe: {  	[sflag:s31] =	ssyncadd.s32 $0xFFFFFF80  }
0xff: {  	_ =	swait.ge [sflag:s31], $0x80  }
0x100: {  	[sflag:s31] =	ssyncset.done $0x0  }
0x101: {  	[sflag:s31] =	ssyncadd.s32 $0xFFFFFF80  }
0x102: {  	_ =	swait.ge [sflag:s31], $0x80  }
0x103: {  	[sflag:s31] =	ssyncset.done $0x0  }
0x104: {  	[sflag:s31] =	ssyncadd.s32 $0xFFFFFF80  }
0x105: {  	_ =	swait.ge [sflag:s31], $0x80  }
0x106: {  	[sflag:s31] =	ssyncset.done $0x0  }
0x107: {  	[sflag:s31] =	ssyncadd.s32 $0xFFFFFF80  }
0x108: {  	_ =	swait.ge [sflag:s31], $0x80  }
0x109: {  	[sflag:s31] =	ssyncset.done $0x0  }
0x10a: {  	[sflag:s31] =	ssyncadd.s32 $0xFFFFFF80  }
0x10b: {  	_ =	swait.ge [sflag:s31], $0x80  }
0x10c: {  	[sflag:s31] =	ssyncset.done $0x0  }
0x10d: {  	[sflag:s31] =	ssyncadd.s32 $0xFFFFFF80  }
0x10e: {  	_ =	swait.ge [sflag:s31], $0x80  }
0x10f: {  	[sflag:s31] =	ssyncset.done $0x0  }
0x110: {  	[sflag:s31] =	ssyncadd.s32 $0xFFFFFF80  }
0x111: {  	_ =	swait.ge [sflag:s31], $0x80  }
0x112: {  	[sflag:s31] =	ssyncset.done $0x0  }
0x113: {  	[sflag:s31] =	ssyncadd.s32 $0xFFFFFF80  }
0x114: {  	_ =	swait.ge [sflag:s31], $0x80  }
0x115: {  	[sflag:s31] =	ssyncset.done $0x0  }
0x116: {  	[sflag:s31] =	ssyncadd.s32 $0xFFFFFF80  }
0x117: {  	_ =	swait.ge [sflag:s31], $0x80  }
0x118: {  	[sflag:s31] =	ssyncset.done $0x0  }
0x119: {  	[sflag:s31] =	ssyncadd.s32 $0xFFFFFF80  }
0x11a: {  	_ =	swait.ge [sflag:s31], $0x80  }
0x11b: {  	[sflag:s31] =	ssyncset.done $0x0  }
0x11c: {  	[sflag:s31] =	ssyncadd.s32 $0xFFFFFF80  }
0x11d: {  	_ =	swait.ge [sflag:s31], $0x80  }
0x11e: {  	[sflag:s31] =	ssyncset.done $0x0  }
0x11f: {  	[sflag:s31] =	ssyncadd.s32 $0xFFFFFF80  }
0x120: {  	_ =	swait.ge [sflag:s31], $0x80  }
0x121: {  	[sflag:s31] =	ssyncset.done $0x0  }
0x122: {  	[sflag:s31] =	ssyncadd.s32 $0xFFFFFF80  }
0x123: {  	_ =	swait.ge [sflag:s31], $0x80  }
0x124: {  	[sflag:s31] =	ssyncset.done $0x0  }
0x125: {  	[sflag:s31] =	ssyncadd.s32 $0xFFFFFF80  }
0x126: {  	_ =	swait.ge [sflag:s31], $0x80  }
0x127: {  	[sflag:s31] =	ssyncset.done $0x0  }
0x128: {  	[sflag:s31] =	ssyncadd.s32 $0xFFFFFF80  }
0x129: {  	_ =	swait.ge [sflag:s31], $0x80  }
0x12a: {  	[sflag:s31] =	ssyncset.done $0x0  }
0x12b: {  	[sflag:s31] =	ssyncadd.s32 $0xFFFFFF80  }
0x12c: {  	_ =	swait.ge [sflag:s31], $0x80  }
0x12d: {  	[sflag:s31] =	ssyncset.done $0x0  }
0x12e: {  	[sflag:s31] =	ssyncadd.s32 $0xFFFFFF80  }
0x12f: {  	v1 =	vld [tilespmem:s1+$0x0];
	_ =	sdelay $0x1  }
0x130: {  	v2 =	vld [tilespmem:s5+$0x0]  }
0x131: {  	p0 =	por $0x0, $0x0;
	s5 =	simm.s32 $0x1  }
0x132: {  	s5 =	simm.s32 @!p0 $0x0  }
0x133: {  	s5 =	sor.u32 s5, s24;
	v3 =	vshll.u32 v1, $0x3  }
0x134: {  	s13 =	sshll.u32 s5, $0x10;
	v3 =	vand.u32 $0xFFFFFC00, v3  }
0x135: {  	s14 =	sshll.u32 s5, $0x7;
	v4 =	vand.u32 $0x7F, v1;
	v6 =	vshll.u32 v2, $0xC;
	v5 =	vadd.s32 s13, v3  }
0x136: {  	s6 =	sand.u32 $0x380, s14;
	v2 =	vshll.u32 v2, $0x7;
	v6 =	vand.u32 $0xFFFF8000, v6;
	v5 =	vor.u32 v4, v5  }
0x137: {  	s6 =	sor.u32 s25, s6;
	v2 =	vand.u32 $0x380, v2;
	v6 =	vadd.s32 v6, v5;
	v5 =	vadd.s32 $0x8380, v5  }
0x138: {  	v3 =	vadd.s32 s6, v3;
	v2 =	vor.u32 v2, v6;
	[tilespmem:s0+$0x0] =	vst v5  }
0x139: {  	[tilespmem:s0+$0xFFFFFC00] =	vst v2;
	v2 =	vor.u32 v4, v3  }
0x13a: {  	[tilespmem:s2+$0xFFFFF800] =	vst v2;
	v3 =	vadd.s32 $0x40000, v2  }
0x13b: {  	s5 =	sshll.u32 s5, $0xC;
	v2 =	vadd.s32 $0x80000, v2;
	[tilespmem:s2+$0xFFFFFC00] =	vst v3  }
0x13c: {  	v1 =	vadd.s32 s5, v1;
	[tilespmem:s2+$0x0] =	vst v2  }
0x13d: {  	s10 =	simm.s32 $0x10;
	[tilespmem:s3+$0x0] =	vst v1  }
0x13e: {  	v1 =	vld [tilespmem:s10+$0x0]  }
0x13f: {  	s11 =	simm.s32 $0x410  }
0x140: {  	s7 =	simm.s32 $0xC00;
	v2 =	vld [tilespmem:s11+$0x0]  }
0x141: {  	s12 =	simm.s32 $0x2;
	p0 =	por $0x0, $0x0;
	s13 =	simm.s32 $0x1  }
0x142: {  	s5 =	simm.s32 $0x1C00;
	s6 =	simm.s32 $0x1800;
	s13 =	simm.s32 @!p0 $0x0  }
.LBB2_2:
0x143: {  	p0 =	sne.s32 s12, $0x3F;
	s13 =	sor.u32 s13, s24;
	v3 =	vshll.u32 v1, $0x3  }
0x144: {  	v3 =	vand.u32 $0xFFFFFC00, v3;
	s14 =	sshll.u32 s13, $0x10  }
0x145: {  	v4 =	vand.u32 $0x7F, v1;
	v6 =	vshll.u32 v2, $0xC;
	v5 =	vadd.s32 s14, v3;
	s14 =	sshll.u32 s13, $0x7  }
0x146: {  	v2 =	vshll.u32 v2, $0x7;
	v6 =	vand.u32 $0xFFFF8000, v6;
	v5 =	vor.u32 v4, v5;
	s14 =	sand.u32 $0x380, s14  }
0x147: {  	s7 =	sadd.s32 $0x10, s7;
	v2 =	vand.u32 $0x380, v2;
	v6 =	vadd.s32 v6, v5;
	v5 =	vadd.s32 $0x8380, v5;
	s14 =	sor.u32 s25, s14  }
0x148: {  	v2 =	vor.u32 v2, v6;
	[tilespmem:s7+$0x0] =	vst v5;
	v3 =	vadd.s32 s14, v3  }
0x149: {  	s6 =	sadd.s32 $0x10, s6;
	[tilespmem:s7+$0xFFFFFC00] =	vst v2;
	v2 =	vor.u32 v4, v3  }
0x14a: {  	[tilespmem:s6+$0xFFFFF800] =	vst v2;
	v3 =	vadd.s32 $0x40000, v2  }
0x14b: {  	s13 =	sshll.u32 s13, $0xC;
	v2 =	vadd.s32 $0x80000, v2;
	[tilespmem:s6+$0xFFFFFC00] =	vst v3  }
0x14c: {  	s5 =	sadd.s32 $0x10, s5;
	v1 =	vadd.s32 s13, v1;
	[tilespmem:s6+$0x0] =	vst v2  }
0x14d: {  	s10 =	sadd.s32 $0x10, s10;
	[tilespmem:s5+$0x0] =	vst v1  }
.Ltmp0:
0x14e: {  	s11 =	sadd.s32 $0x10, s11;
	v1 =	vld [tilespmem:s10+$0x0];
	(pc) =	sbr.rel @p0 .LBB2_2-.Ltmp0, $3  }
0x14f: {  	v2 =	vld [tilespmem:s11+$0x0];
	_ =	sdelay $0x1  }
0x150: {  	p1 =	sgt.u32 s12, $0x1F;
	s13 =	simm.s32 $0x1  }
0x151: {  	s12 =	sadd.s32 $0x1, s12;
	s13 =	simm.s32 @!p1 $0x0  }
0x152: {  	s10 =	sor.u32 s13, s24;
	v3 =	vshll.u32 v1, $0x3  }
0x153: {  	v3 =	vand.u32 $0xFFFFFC00, v3;
	s11 =	sshll.u32 s10, $0x10  }
0x154: {  	v4 =	vand.u32 $0x7F, v1;
	v6 =	vshll.u32 v2, $0xC;
	s13 =	sshll.u32 s10, $0x7;
	v5 =	vadd.s32 s11, v3  }
0x155: {  	v2 =	vshll.u32 v2, $0x7;
	v6 =	vand.u32 $0xFFFF8000, v6;
	s11 =	sand.u32 $0x380, s13;
	v5 =	vor.u32 v4, v5  }
0x156: {  	s7 =	sadd.s32 $0x10, s7;
	v2 =	vand.u32 $0x380, v2;
	s11 =	sor.u32 s25, s11;
	v6 =	vadd.s32 v6, v5;
	v5 =	vadd.s32 $0x8380, v5  }
0x157: {  	v3 =	vadd.s32 s11, v3;
	v2 =	vor.u32 v2, v6;
	[tilespmem:s7+$0x0] =	vst v5  }
0x158: {  	s6 =	sadd.s32 $0x10, s6;
	[tilespmem:s7+$0xFFFFFC00] =	vst v2;
	v2 =	vor.u32 v4, v3  }
0x159: {  	[tilespmem:s6+$0xFFFFF800] =	vst v2;
	v3 =	vadd.s32 $0x40000, v2  }
0x15a: {  	s14 =	sshll.u32 s10, $0xC;
	v2 =	vadd.s32 $0x80000, v2;
	[tilespmem:s6+$0xFFFFFC00] =	vst v3  }
0x15b: {  	s5 =	sadd.s32 $0x10, s5;
	v1 =	vadd.s32 s14, v1;
	[tilespmem:s6+$0x0] =	vst v2  }
0x15c: {  	s10 =	simm.s32 $0x2000;
	s7 =	simm.s32 $0x800;
	[tilespmem:s5+$0x0] =	vst v1  }
0x15d: {  	[tilespmem:s10], [sflag:$0x1] =	stream.indirect.gather [hbm4b:s8+s28], $0x1, s7, s28, $0xb8;
	[tilespmem:$0x4840] =	vst v63  }
0x15e: {  	s12 =	simm.s32 $0x2080;
	s11 =	simm.s32 $0x880  }
0x15f: {  	[tilespmem:s12], [sflag:$0x1] =	stream.indirect.gather [hbm4b:s8+s28], $0x1, s11, s28, $0xb8;
	[tilespmem:$0x4840] =	vst v63  }
0x160: {  	s13 =	simm.s32 $0x900;
	s14 =	simm.s32 $0x2100  }
0x161: {  	[tilespmem:s14], [sflag:$0x1] =	stream.indirect.gather [hbm4b:s8+s28], $0x1, s13, s28, $0xb8;
	[tilespmem:$0x4840] =	vst v63  }
0x162: {  	s7 =	simm.s32 $0x980;
	s10 =	simm.s32 $0x2180  }
0x163: {  	[tilespmem:s10], [sflag:$0x1] =	stream.indirect.gather [hbm4b:s8+s28], $0x1, s7, s28, $0xb8;
	[tilespmem:$0x4840] =	vst v63  }
0x164: {  	s11 =	simm.s32 $0xA00;
	s12 =	simm.s32 $0x2200  }
0x165: {  	[tilespmem:s12], [sflag:$0x1] =	stream.indirect.gather [hbm4b:s8+s28], $0x1, s11, s28, $0xb8;
	[tilespmem:$0x4840] =	vst v63  }
0x166: {  	s13 =	simm.s32 $0xA80;
	s14 =	simm.s32 $0x2280  }
0x167: {  	[tilespmem:s14], [sflag:$0x1] =	stream.indirect.gather [hbm4b:s8+s28], $0x1, s13, s28, $0xb8;
	[tilespmem:$0x4840] =	vst v63  }
0x168: {  	s6 =	simm.s32 $0xB00;
	s7 =	simm.s32 $0x2300  }
0x169: {  	[tilespmem:s7], [sflag:$0x1] =	stream.indirect.gather [hbm4b:s8+s28], $0x1, s6, s28, $0xb8;
	[tilespmem:$0x4840] =	vst v63  }
0x16a: {  	s10 =	simm.s32 $0xB80;
	s11 =	simm.s32 $0x2380  }
0x16b: {  	[tilespmem:s11], [sflag:$0x1] =	stream.indirect.gather [hbm4b:s8+s28], $0x1, s10, s28, $0xb8;
	[tilespmem:$0x4840] =	vst v63  }
0x16c: {  	s12 =	simm.s32 $0x2400  }
0x16d: {  	[tilespmem:s12], [sflag:$0x1] =	stream.indirect.gather [hbm4b:s8+s28], $0x1, s0, s28, $0xb8;
	[tilespmem:$0x4840] =	vst v63  }
0x16e: {  	s13 =	simm.s32 $0xC80;
	s14 =	simm.s32 $0x2480  }
0x16f: {  	[tilespmem:s14], [sflag:$0x1] =	stream.indirect.gather [hbm4b:s8+s28], $0x1, s13, s28, $0xb8;
	[tilespmem:$0x4840] =	vst v63  }
0x170: {  	s7 =	simm.s32 $0xD00;
	s10 =	simm.s32 $0x2500  }
0x171: {  	[tilespmem:s10], [sflag:$0x1] =	stream.indirect.gather [hbm4b:s8+s28], $0x1, s7, s28, $0xb8;
	[tilespmem:$0x4840] =	vst v63  }
0x172: {  	s11 =	simm.s32 $0xD80;
	s12 =	simm.s32 $0x2580  }
0x173: {  	[tilespmem:s12], [sflag:$0x1] =	stream.indirect.gather [hbm4b:s8+s28], $0x1, s11, s28, $0xb8;
	[tilespmem:$0x4840] =	vst v63  }
0x174: {  	s13 =	simm.s32 $0xE00;
	s14 =	simm.s32 $0x2600  }
0x175: {  	[tilespmem:s14], [sflag:$0x1] =	stream.indirect.gather [hbm4b:s8+s28], $0x1, s13, s28, $0xb8;
	[tilespmem:$0x4840] =	vst v63  }
0x176: {  	s7 =	simm.s32 $0xE80;
	s10 =	simm.s32 $0x2680  }
0x177: {  	[tilespmem:s10], [sflag:$0x1] =	stream.indirect.gather [hbm4b:s8+s28], $0x1, s7, s28, $0xb8;
	[tilespmem:$0x4840] =	vst v63  }
0x178: {  	s11 =	simm.s32 $0xF00;
	s12 =	simm.s32 $0x2700  }
0x179: {  	[tilespmem:s12], [sflag:$0x1] =	stream.indirect.gather [hbm4b:s8+s28], $0x1, s11, s28, $0xb8;
	[tilespmem:$0x4840] =	vst v63  }
0x17a: {  	s13 =	simm.s32 $0xF80;
	s14 =	simm.s32 $0x2780  }
0x17b: {  	[tilespmem:s14], [sflag:$0x1] =	stream.indirect.gather [hbm4b:s8+s28], $0x1, s13, s28, $0xb8;
	[tilespmem:$0x4840] =	vst v63  }
0x17c: {  	s7 =	simm.s32 $0x1000;
	s10 =	simm.s32 $0x2800  }
0x17d: {  	[tilespmem:s10], [sflag:$0x1] =	stream.indirect.gather [hbm4b:s9+s28], $0x1, s7, s28, $0xb8;
	[tilespmem:$0x4840] =	vst v63  }
0x17e: {  	s11 =	simm.s32 $0x1080;
	s12 =	simm.s32 $0x2880  }
0x17f: {  	[tilespmem:s12], [sflag:$0x1] =	stream.indirect.gather [hbm4b:s9+s28], $0x1, s11, s28, $0xb8;
	[tilespmem:$0x4840] =	vst v63  }
0x180: {  	s13 =	simm.s32 $0x1100;
	s14 =	simm.s32 $0x2900  }
0x181: {  	[tilespmem:s14], [sflag:$0x1] =	stream.indirect.gather [hbm4b:s9+s28], $0x1, s13, s28, $0xb8;
	[tilespmem:$0x4840] =	vst v63  }
0x182: {  	s7 =	simm.s32 $0x1180;
	s10 =	simm.s32 $0x2980  }
0x183: {  	[tilespmem:s10], [sflag:$0x1] =	stream.indirect.gather [hbm4b:s9+s28], $0x1, s7, s28, $0xb8;
	[tilespmem:$0x4840] =	vst v63  }
0x184: {  	s11 =	simm.s32 $0x1200;
	s12 =	simm.s32 $0x2A00  }
0x185: {  	[tilespmem:s12], [sflag:$0x1] =	stream.indirect.gather [hbm4b:s9+s28], $0x1, s11, s28, $0xb8;
	[tilespmem:$0x4840] =	vst v63  }
0x186: {  	s13 =	simm.s32 $0x1280;
	s14 =	simm.s32 $0x2A80  }
0x187: {  	[tilespmem:s14], [sflag:$0x1] =	stream.indirect.gather [hbm4b:s9+s28], $0x1, s13, s28, $0xb8;
	[tilespmem:$0x4840] =	vst v63  }
0x188: {  	s7 =	simm.s32 $0x1300;
	s10 =	simm.s32 $0x2B00  }
0x189: {  	[tilespmem:s10], [sflag:$0x1] =	stream.indirect.gather [hbm4b:s9+s28], $0x1, s7, s28, $0xb8;
	[tilespmem:$0x4840] =	vst v63  }
0x18a: {  	s11 =	simm.s32 $0x1380;
	s12 =	simm.s32 $0x2B80  }
0x18b: {  	[tilespmem:s12], [sflag:$0x1] =	stream.indirect.gather [hbm4b:s9+s28], $0x1, s11, s28, $0xb8;
	[tilespmem:$0x4840] =	vst v63  }
0x18c: {  	s13 =	simm.s32 $0x1400;
	s14 =	simm.s32 $0x2C00  }
0x18d: {  	[tilespmem:s14], [sflag:$0x1] =	stream.indirect.gather [hbm4b:s9+s28], $0x1, s13, s28, $0xb8;
	[tilespmem:$0x4840] =	vst v63  }
0x18e: {  	s7 =	simm.s32 $0x1480;
	s10 =	simm.s32 $0x2C80  }
0x18f: {  	[tilespmem:s10], [sflag:$0x1] =	stream.indirect.gather [hbm4b:s9+s28], $0x1, s7, s28, $0xb8;
	[tilespmem:$0x4840] =	vst v63  }
0x190: {  	s11 =	simm.s32 $0x1500;
	s12 =	simm.s32 $0x2D00  }
0x191: {  	[tilespmem:s12], [sflag:$0x1] =	stream.indirect.gather [hbm4b:s9+s28], $0x1, s11, s28, $0xb8;
	[tilespmem:$0x4840] =	vst v63  }
0x192: {  	s13 =	simm.s32 $0x1580;
	s14 =	simm.s32 $0x2D80  }
0x193: {  	[tilespmem:s14], [sflag:$0x1] =	stream.indirect.gather [hbm4b:s9+s28], $0x1, s13, s28, $0xb8;
	[tilespmem:$0x4840] =	vst v63  }
0x194: {  	s7 =	simm.s32 $0x1600;
	s10 =	simm.s32 $0x2E00  }
0x195: {  	[tilespmem:s10], [sflag:$0x1] =	stream.indirect.gather [hbm4b:s9+s28], $0x1, s7, s28, $0xb8;
	[tilespmem:$0x4840] =	vst v63  }
0x196: {  	s11 =	simm.s32 $0x1680;
	s12 =	simm.s32 $0x2E80  }
0x197: {  	[tilespmem:s12], [sflag:$0x1] =	stream.indirect.gather [hbm4b:s9+s28], $0x1, s11, s28, $0xb8;
	[tilespmem:$0x4840] =	vst v63  }
0x198: {  	s13 =	simm.s32 $0x1700;
	s14 =	simm.s32 $0x2F00  }
0x199: {  	[tilespmem:s14], [sflag:$0x1] =	stream.indirect.gather [hbm4b:s9+s28], $0x1, s13, s28, $0xb8;
	[tilespmem:$0x4840] =	vst v63  }
0x19a: {  	s6 =	simm.s32 $0x1780;
	s7 =	simm.s32 $0x2F80  }
0x19b: {  	[tilespmem:s7], [sflag:$0x1] =	stream.indirect.gather [hbm4b:s9+s28], $0x1, s6, s28, $0xb8;
	[tilespmem:$0x4840] =	vst v63  }
0x19c: {  	s10 =	simm.s32 $0x3000  }
0x19d: {  	[tilespmem:s10], [sflag:$0x1] =	stream.indirect.gather [hbm4b:s9+s28], $0x1, s2, s28, $0xb8;
	[tilespmem:$0x4840] =	vst v63  }
0x19e: {  	s11 =	simm.s32 $0x1880;
	s12 =	simm.s32 $0x3080  }
0x19f: {  	[tilespmem:s12], [sflag:$0x1] =	stream.indirect.gather [hbm4b:s9+s28], $0x1, s11, s28, $0xb8;
	[tilespmem:$0x4840] =	vst v63  }
0x1a0: {  	s13 =	simm.s32 $0x1900;
	s14 =	simm.s32 $0x3100  }
0x1a1: {  	[tilespmem:s14], [sflag:$0x1] =	stream.indirect.gather [hbm4b:s9+s28], $0x1, s13, s28, $0xb8;
	[tilespmem:$0x4840] =	vst v63  }
0x1a2: {  	s7 =	simm.s32 $0x1980;
	s10 =	simm.s32 $0x3180  }
0x1a3: {  	[tilespmem:s10], [sflag:$0x1] =	stream.indirect.gather [hbm4b:s9+s28], $0x1, s7, s28, $0xb8;
	[tilespmem:$0x4840] =	vst v63  }
0x1a4: {  	s11 =	simm.s32 $0x1A00;
	s12 =	simm.s32 $0x3200  }
0x1a5: {  	[tilespmem:s12], [sflag:$0x1] =	stream.indirect.gather [hbm4b:s9+s28], $0x1, s11, s28, $0xb8;
	[tilespmem:$0x4840] =	vst v63  }
0x1a6: {  	s13 =	simm.s32 $0x1A80;
	s14 =	simm.s32 $0x3280  }
0x1a7: {  	[tilespmem:s14], [sflag:$0x1] =	stream.indirect.gather [hbm4b:s9+s28], $0x1, s13, s28, $0xb8;
	[tilespmem:$0x4840] =	vst v63  }
0x1a8: {  	s6 =	simm.s32 $0x1B00;
	s7 =	simm.s32 $0x3300  }
0x1a9: {  	[tilespmem:s7], [sflag:$0x1] =	stream.indirect.gather [hbm4b:s9+s28], $0x1, s6, s28, $0xb8;
	[tilespmem:$0x4840] =	vst v63  }
0x1aa: {  	s10 =	simm.s32 $0x1B80;
	s11 =	simm.s32 $0x3380  }
0x1ab: {  	[tilespmem:s11], [sflag:$0x1] =	stream.indirect.gather [hbm4b:s9+s28], $0x1, s10, s28, $0xb8;
	[tilespmem:$0x4840] =	vst v63  }
0x1ac: {  	s12 =	simm.s32 $0x3400  }
0x1ad: {  	[tilespmem:s12], [sflag:$0x1] =	stream.indirect.gather [hbm4b:s17+s28], $0x1, s3, s28, $0xb8;
	[tilespmem:$0x4840] =	vst v63  }
0x1ae: {  	s13 =	simm.s32 $0x1C80;
	s14 =	simm.s32 $0x3480  }
0x1af: {  	[tilespmem:s14], [sflag:$0x1] =	stream.indirect.gather [hbm4b:s17+s28], $0x1, s13, s28, $0xb8;
	[tilespmem:$0x4840] =	vst v63  }
0x1b0: {  	s7 =	simm.s32 $0x1D00;
	s10 =	simm.s32 $0x3500  }
0x1b1: {  	[tilespmem:s10], [sflag:$0x1] =	stream.indirect.gather [hbm4b:s17+s28], $0x1, s7, s28, $0xb8;
	[tilespmem:$0x4840] =	vst v63  }
0x1b2: {  	s11 =	simm.s32 $0x1D80;
	s12 =	simm.s32 $0x3580  }
0x1b3: {  	[tilespmem:s12], [sflag:$0x1] =	stream.indirect.gather [hbm4b:s17+s28], $0x1, s11, s28, $0xb8;
	[tilespmem:$0x4840] =	vst v63  }
0x1b4: {  	s13 =	simm.s32 $0x1E00;
	s14 =	simm.s32 $0x3600  }
0x1b5: {  	[tilespmem:s14], [sflag:$0x1] =	stream.indirect.gather [hbm4b:s17+s28], $0x1, s13, s28, $0xb8;
	[tilespmem:$0x4840] =	vst v63  }
0x1b6: {  	s6 =	simm.s32 $0x1E80;
	s7 =	simm.s32 $0x3680  }
0x1b7: {  	[tilespmem:s7], [sflag:$0x1] =	stream.indirect.gather [hbm4b:s17+s28], $0x1, s6, s28, $0xb8;
	[tilespmem:$0x4840] =	vst v63  }
0x1b8: {  	s10 =	simm.s32 $0x1F00;
	s11 =	simm.s32 $0x3700  }
0x1b9: {  	[tilespmem:s11], [sflag:$0x1] =	stream.indirect.gather [hbm4b:s17+s28], $0x1, s10, s28, $0xb8;
	[tilespmem:$0x4840] =	vst v63  }
0x1ba: {  	s12 =	simm.s32 $0x1F80;
	s13 =	simm.s32 $0x3780  }
0x1bb: {  	[tilespmem:s13], [sflag:$0x1] =	stream.indirect.gather [hbm4b:s17+s28], $0x1, s12, s28, $0xb8;
	[tilespmem:$0x4840] =	vst v63  }
0x1bc: {  	_ =	swait.ge [sflag:s31], $0x80  }
0x1bd: {  	[sflag:s31] =	ssyncset.done $0x0  }
0x1be: {  	[sflag:s31] =	ssyncadd.s32 $0xFFFFFF80  }
0x1bf: {  	_ =	swait.ge [sflag:s31], $0x80  }
0x1c0: {  	[sflag:s31] =	ssyncset.done $0x0  }
0x1c1: {  	[sflag:s31] =	ssyncadd.s32 $0xFFFFFF80  }
0x1c2: {  	_ =	swait.ge [sflag:s31], $0x80  }
0x1c3: {  	[sflag:s31] =	ssyncset.done $0x0  }
0x1c4: {  	[sflag:s31] =	ssyncadd.s32 $0xFFFFFF80  }
0x1c5: {  	_ =	swait.ge [sflag:s31], $0x80  }
0x1c6: {  	[sflag:s31] =	ssyncset.done $0x0  }
0x1c7: {  	[sflag:s31] =	ssyncadd.s32 $0xFFFFFF80  }
0x1c8: {  	_ =	swait.ge [sflag:s31], $0x80  }
0x1c9: {  	[sflag:s31] =	ssyncset.done $0x0  }
0x1ca: {  	[sflag:s31] =	ssyncadd.s32 $0xFFFFFF80  }
0x1cb: {  	_ =	swait.ge [sflag:s31], $0x80  }
0x1cc: {  	[sflag:s31] =	ssyncset.done $0x0  }
0x1cd: {  	[sflag:s31] =	ssyncadd.s32 $0xFFFFFF80  }
0x1ce: {  	_ =	swait.ge [sflag:s31], $0x80  }
0x1cf: {  	[sflag:s31] =	ssyncset.done $0x0  }
0x1d0: {  	[sflag:s31] =	ssyncadd.s32 $0xFFFFFF80  }
0x1d1: {  	_ =	swait.ge [sflag:s31], $0x80  }
0x1d2: {  	[sflag:s31] =	ssyncset.done $0x0  }
0x1d3: {  	[sflag:s31] =	ssyncadd.s32 $0xFFFFFF80  }
0x1d4: {  	_ =	swait.ge [sflag:s31], $0x80  }
0x1d5: {  	[sflag:s31] =	ssyncset.done $0x0  }
0x1d6: {  	[sflag:s31] =	ssyncadd.s32 $0xFFFFFF80  }
0x1d7: {  	_ =	swait.ge [sflag:s31], $0x80  }
0x1d8: {  	[sflag:s31] =	ssyncset.done $0x0  }
0x1d9: {  	[sflag:s31] =	ssyncadd.s32 $0xFFFFFF80  }
0x1da: {  	_ =	swait.ge [sflag:s31], $0x80  }
0x1db: {  	[sflag:s31] =	ssyncset.done $0x0  }
0x1dc: {  	[sflag:s31] =	ssyncadd.s32 $0xFFFFFF80  }
0x1dd: {  	_ =	swait.ge [sflag:s31], $0x80  }
0x1de: {  	[sflag:s31] =	ssyncset.done $0x0  }
0x1df: {  	[sflag:s31] =	ssyncadd.s32 $0xFFFFFF80  }
0x1e0: {  	_ =	swait.ge [sflag:s31], $0x80  }
0x1e1: {  	[sflag:s31] =	ssyncset.done $0x0  }
0x1e2: {  	[sflag:s31] =	ssyncadd.s32 $0xFFFFFF80  }
0x1e3: {  	_ =	swait.ge [sflag:s31], $0x80  }
0x1e4: {  	[sflag:s31] =	ssyncset.done $0x0  }
0x1e5: {  	[sflag:s31] =	ssyncadd.s32 $0xFFFFFF80  }
0x1e6: {  	_ =	swait.ge [sflag:s31], $0x80  }
0x1e7: {  	[sflag:s31] =	ssyncset.done $0x0  }
0x1e8: {  	[sflag:s31] =	ssyncadd.s32 $0xFFFFFF80  }
0x1e9: {  	_ =	swait.ge [sflag:s31], $0x80  }
0x1ea: {  	[sflag:s31] =	ssyncset.done $0x0  }
0x1eb: {  	[sflag:s31] =	ssyncadd.s32 $0xFFFFFF80  }
0x1ec: {  	_ =	swait.ge [sflag:s31], $0x80  }
0x1ed: {  	[sflag:s31] =	ssyncset.done $0x0  }
0x1ee: {  	[sflag:s31] =	ssyncadd.s32 $0xFFFFFF80  }
0x1ef: {  	_ =	swait.ge [sflag:s31], $0x80  }
0x1f0: {  	[sflag:s31] =	ssyncset.done $0x0  }
0x1f1: {  	[sflag:s31] =	ssyncadd.s32 $0xFFFFFF80  }
0x1f2: {  	_ =	swait.ge [sflag:s31], $0x80  }
0x1f3: {  	[sflag:s31] =	ssyncset.done $0x0  }
0x1f4: {  	[sflag:s31] =	ssyncadd.s32 $0xFFFFFF80  }
0x1f5: {  	_ =	swait.ge [sflag:s31], $0x80  }
0x1f6: {  	[sflag:s31] =	ssyncset.done $0x0  }
0x1f7: {  	[sflag:s31] =	ssyncadd.s32 $0xFFFFFF80  }
0x1f8: {  	_ =	swait.ge [sflag:s31], $0x80  }
0x1f9: {  	[sflag:s31] =	ssyncset.done $0x0  }
0x1fa: {  	[sflag:s31] =	ssyncadd.s32 $0xFFFFFF80  }
0x1fb: {  	_ =	swait.ge [sflag:s31], $0x80  }
0x1fc: {  	[sflag:s31] =	ssyncset.done $0x0  }
0x1fd: {  	[sflag:s31] =	ssyncadd.s32 $0xFFFFFF80  }
0x1fe: {  	_ =	swait.ge [sflag:s31], $0x80  }
0x1ff: {  	[sflag:s31] =	ssyncset.done $0x0  }
0x200: {  	[sflag:s31] =	ssyncadd.s32 $0xFFFFFF80  }
0x201: {  	_ =	swait.ge [sflag:s31], $0x80  }
0x202: {  	[sflag:s31] =	ssyncset.done $0x0  }
0x203: {  	[sflag:s31] =	ssyncadd.s32 $0xFFFFFF80  }
0x204: {  	_ =	swait.ge [sflag:s31], $0x80  }
0x205: {  	[sflag:s31] =	ssyncset.done $0x0  }
0x206: {  	[sflag:s31] =	ssyncadd.s32 $0xFFFFFF80  }
0x207: {  	_ =	swait.ge [sflag:s31], $0x80  }
0x208: {  	[sflag:s31] =	ssyncset.done $0x0  }
0x209: {  	[sflag:s31] =	ssyncadd.s32 $0xFFFFFF80  }
0x20a: {  	_ =	swait.ge [sflag:s31], $0x80  }
0x20b: {  	[sflag:s31] =	ssyncset.done $0x0  }
0x20c: {  	[sflag:s31] =	ssyncadd.s32 $0xFFFFFF80  }
0x20d: {  	_ =	swait.ge [sflag:s31], $0x80  }
0x20e: {  	[sflag:s31] =	ssyncset.done $0x0  }
0x20f: {  	[sflag:s31] =	ssyncadd.s32 $0xFFFFFF80  }
0x210: {  	_ =	swait.ge [sflag:s31], $0x80  }
0x211: {  	[sflag:s31] =	ssyncset.done $0x0  }
0x212: {  	[sflag:s31] =	ssyncadd.s32 $0xFFFFFF80  }
0x213: {  	_ =	swait.ge [sflag:s31], $0x80  }
0x214: {  	[sflag:s31] =	ssyncset.done $0x0  }
0x215: {  	[sflag:s31] =	ssyncadd.s32 $0xFFFFFF80  }
0x216: {  	_ =	swait.ge [sflag:s31], $0x80  }
0x217: {  	[sflag:s31] =	ssyncset.done $0x0  }
0x218: {  	[sflag:s31] =	ssyncadd.s32 $0xFFFFFF80  }
0x219: {  	_ =	swait.ge [sflag:s31], $0x80  }
0x21a: {  	[sflag:s31] =	ssyncset.done $0x0  }
0x21b: {  	[sflag:s31] =	ssyncadd.s32 $0xFFFFFF80  }
0x21c: {  	_ =	swait.ge [sflag:s31], $0x80  }
0x21d: {  	[sflag:s31] =	ssyncset.done $0x0  }
0x21e: {  	[sflag:s31] =	ssyncadd.s32 $0xFFFFFF80  }
0x21f: {  	_ =	swait.ge [sflag:s31], $0x80  }
0x220: {  	[sflag:s31] =	ssyncset.done $0x0  }
0x221: {  	[sflag:s31] =	ssyncadd.s32 $0xFFFFFF80  }
0x222: {  	_ =	swait.ge [sflag:s31], $0x80  }
0x223: {  	[sflag:s31] =	ssyncset.done $0x0  }
0x224: {  	[sflag:s31] =	ssyncadd.s32 $0xFFFFFF80  }
0x225: {  	_ =	swait.ge [sflag:s31], $0x80  }
0x226: {  	[sflag:s31] =	ssyncset.done $0x0  }
0x227: {  	[sflag:s31] =	ssyncadd.s32 $0xFFFFFF80  }
0x228: {  	_ =	swait.ge [sflag:s31], $0x80  }
0x229: {  	[sflag:s31] =	ssyncset.done $0x0  }
0x22a: {  	[sflag:s31] =	ssyncadd.s32 $0xFFFFFF80  }
0x22b: {  	_ =	swait.ge [sflag:s31], $0x80  }
0x22c: {  	[sflag:s31] =	ssyncset.done $0x0  }
0x22d: {  	[sflag:s31] =	ssyncadd.s32 $0xFFFFFF80  }
0x22e: {  	_ =	swait.ge [sflag:s31], $0x80  }
0x22f: {  	[sflag:s31] =	ssyncset.done $0x0  }
0x230: {  	[sflag:s31] =	ssyncadd.s32 $0xFFFFFF80  }
0x231: {  	_ =	swait.ge [sflag:s31], $0x80  }
0x232: {  	[sflag:s31] =	ssyncset.done $0x0  }
0x233: {  	[sflag:s31] =	ssyncadd.s32 $0xFFFFFF80  }
0x234: {  	_ =	swait.ge [sflag:s31], $0x80  }
0x235: {  	[sflag:s31] =	ssyncset.done $0x0  }
0x236: {  	[sflag:s31] =	ssyncadd.s32 $0xFFFFFF80  }
0x237: {  	_ =	swait.ge [sflag:s31], $0x80  }
0x238: {  	[sflag:s31] =	ssyncset.done $0x0  }
0x239: {  	[sflag:s31] =	ssyncadd.s32 $0xFFFFFF80  }
0x23a: {  	_ =	swait.ge [sflag:s31], $0x80  }
0x23b: {  	[sflag:s31] =	ssyncset.done $0x0  }
0x23c: {  	[sflag:s31] =	ssyncadd.s32 $0xFFFFFF80  }
0x23d: {  	_ =	swait.ge [sflag:s31], $0x80  }
0x23e: {  	[sflag:s31] =	ssyncset.done $0x0  }
0x23f: {  	[sflag:s31] =	ssyncadd.s32 $0xFFFFFF80  }
0x240: {  	_ =	swait.ge [sflag:s31], $0x80  }
0x241: {  	[sflag:s31] =	ssyncset.done $0x0  }
0x242: {  	[sflag:s31] =	ssyncadd.s32 $0xFFFFFF80  }
0x243: {  	_ =	swait.ge [sflag:s31], $0x80  }
0x244: {  	[sflag:s31] =	ssyncset.done $0x0  }
0x245: {  	[sflag:s31] =	ssyncadd.s32 $0xFFFFFF80  }
0x246: {  	_ =	swait.ge [sflag:s31], $0x80  }
0x247: {  	[sflag:s31] =	ssyncset.done $0x0  }
0x248: {  	[sflag:s31] =	ssyncadd.s32 $0xFFFFFF80  }
0x249: {  	_ =	swait.ge [sflag:s31], $0x80  }
0x24a: {  	[sflag:s31] =	ssyncset.done $0x0  }
0x24b: {  	s14 =	simm.s32 $0x0;
	[sflag:s31] =	ssyncadd.s32 $0xFFFFFF80  }
0x24c: {  	v12 =	vld [tilespmem:s14+$0x2400]  }
0x24d: {  	v19 =	vld [tilespmem:s14+$0x2000];
	_ =	sdelay $0x3  }
0x24e: {  	v1 =	vand.u32 $0x7FFFFFFF, v12  }
0x24f: {  	v2 =	vand.u32 $0x7FFFFFFF, v19;
	v1 =	vsub.f32 $0.0e+00, v1  }
0x250: {  	v2 =	vsub.f32 $0.0e+00, v2  }
0x251: {  	v1 =	vmul.f32 $1.442695020e+00, v1  }
0x252: {  	v2 =	vmul.f32 $1.442695020e+00, v2  }
0x253: {  	(erf) = vpow2.f32 v1  }
0x254: {  	(erf) = vpow2.f32 v2;
	_ =	sdelay $0x7  }
0x255: {  	v15 =	vpop (erf)  }
0x256: {  	v8 =	vpop (erf);
	v1 =	vadd.f32 $2.000000000e+00, v15  }
0x257: {  	v2 =	vadd.f32 $2.000000000e+00, v8  }
0x258: {  	(erf) = vrcp.f32 v1  }
0x259: {  	s6 =	simm.s32 $0x10;
	(erf) = vrcp.f32 v2  }
0x25a: {  	v4 =	vld [tilespmem:s6+$0x2400];
	_ =	sdelay $0x1  }
0x25b: {  	v7 =	vld [tilespmem:s6+$0x2000];
	_ =	sdelay $0x1  }
0x25c: {  	v1 =	vld [tilespmem:s14+$0x3400]  }
0x25d: {  	v3 =	vand.u32 $0x7FFFFFFF, v4;
	v2 =	vld [tilespmem:s14+$0x4400]  }
0x25e: {  	v3 =	vsub.f32 $0.0e+00, v3  }
0x25f: {  	v9 =	vand.u32 $0x7FFFFFFF, v7;
	v5 =	vpop (erf)  }
0x260: {  	v9 =	vsub.f32 $0.0e+00, v9;
	v3 =	vmul.f32 $1.442695020e+00, v3;
	v10 =	vpop (erf)  }
0x261: {  	v16 =	vmul.f32 v5, v15;
	v14 =	vmul.f32 v10, v8  }
0x262: {  	v6 =	vld [tilespmem:s6+$0x3400];
	(erf) = vpow2.f32 v3;
	v1 =	vsub.f32 v1, v2;
	v2 =	vmul.f32 $1.442695020e+00, v9  }
0x263: {  	v13 =	vld [tilespmem:s6+$0x4400];
	v17 =	vmul.f32 v16, v16;
	v10 =	vmul.f32 v14, v14  }
0x264: {  	(erf) = vpow2.f32 v2  }
0x265: {  	v2 =	vmul.f32 $1.428571490e-01, v17;
	v9 =	vmul.f32 $1.428571490e-01, v10  }
0x266: {  	s5 =	simm.s32 $0x20;
	v18 =	vadd.f32 $1.000000000e+00, v8  }
0x267: {  	v11 =	vimm.f32 $0.0e+00;
	v3 =	vld [tilespmem:s5+$0x2400];
	v2 =	vadd.f32 $2.000000030e-01, v2;
	v9 =	vadd.f32 $2.000000030e-01, v9  }
0x268: {  	v6 =	vsub.f32 v6, v13;
	v13 =	vadd.f32 $1.000000000e+00, v15;
	(erf) = vrcp.f32 v18  }
0x269: {  	v1 =	vand.u32 $0x7FFFFFFF, v1;
	v2 =	vmul.f32 v2, v17;
	v9 =	vmul.f32 v9, v10  }
0x26a: {  	v1 =	vadd.f32 v1, v11;
	(erf) = vrcp.f32 v13  }
0x26b: {  	vm0 =	vge.f32 v12, $0.0e+00;
	v6 =	vand.u32 $0x7FFFFFFF, v6;
	v20 =	vadd.f32 $3.333333430e-01, v2  }
0x26c: {  	v1 =	vadd.f32 v6, v1;
	v6 =	vand.u32 $0x7FFFFFFF, v3;
	v13 =	vadd.f32 $3.333333430e-01, v9  }
0x26d: {  	vm1 =	vge.f32 v19, $0.0e+00;
	v5 =	vld [tilespmem:s5+$0x2000];
	v6 =	vsub.f32 $0.0e+00, v6;
	v17 =	vmul.f32 v20, v17;
	v9 =	vpop (erf)  }
0x26e: {  	v16 =	vadd.f32 v16, v16;
	v13 =	vmul.f32 v13, v10;
	v22 =	vadd.f32 $2.000000000e+00, v9  }
0x26f: {  	v14 =	vadd.f32 v14, v14;
	v23 =	vmul.f32 $1.442695020e+00, v6;
	v6 =	vld [tilespmem:s5+$0x3400];
	v10 =	vpop (erf);
	v17 =	vadd.f32 $1.000000000e+00, v17  }
0x270: {  	v20 =	vsel vm1, $0x3F800000, v8;
	v8 =	vld [tilespmem:s5+$0x4400];
	v24 =	vadd.f32 $1.000000000e+00, v13;
	v25 =	vadd.f32 $2.000000000e+00, v10  }
0x271: {  	v27 =	vmax.f32 v19, $0.0e+00;
	v13 =	vld [tilespmem:s14+$0x400];
	(erf) = vrcp.f32 v22;
	v17 =	vmul.f32 v17, v16  }
0x272: {  	v18 =	vand.u32 $0x7FFFFFFF, v5;
	v16 =	vld [tilespmem:s14+$0x2C00];
	v24 =	vmul.f32 v24, v14;
	v22 =	vpop (erf);
	(erf) = vrcp.f32 v25  }
0x273: {  	v18 =	vsub.f32 $0.0e+00, v18;
	v14 =	vld [tilespmem:s14+$0x3000];
	v26 =	vmul.f32 v22, v20;
	v20 =	vsel vm0, $0x3F800000, v15;
	v22 =	vpop (erf)  }
0x274: {  	v21 =	vmax.f32 v12, $0.0e+00;
	v15 =	vld [tilespmem:s14+$0x4000];
	v28 =	vmul.f32 v22, v20;
	v20 =	vadd.f32 v24, v27  }
0x275: {  	v18 =	vmul.f32 $1.442695020e+00, v18;
	v22 =	vadd.f32 v17, v21;
	v17 =	vld [tilespmem:s14+$0x3C00];
	v25 =	vsub.f32 $1.000000000e+00, v26  }
0x276: {  	(erf) = vpow2.f32 v23;
	v21 =	vld [tilespmem:s14+$0x3800];
	v24 =	vmul.f32 v26, v26;
	v29 =	vsub.f32 $1.000000000e+00, v28  }
0x277: {  	v23 =	vsub.f32 v20, v19;
	v19 =	vld [tilespmem:s14+$0x2800];
	v27 =	vmul.f32 v28, v28;
	v26 =	vmul.f32 v25, v25  }
0x278: {  	s7 =	simm.s32 $0xC0;
	v2 =	vld.idx.msk [tilespmem:v0+s29+$0x0], $0xffff;
	v25 =	vsub.f32 v22, v12;
	v12 =	vimm.f32 $0.0e+00;
	v28 =	vmul.f32 v29, v29  }
.LBB2_4:
0x279: {  	p0 =	sne.s32 s7, $0xFC0;
	v8 =	vsub.f32 v6, v8;
	v6 =	vld.idx.msk [tilespmem:v13+s29+$0x0], $0xffff;
	v13 =	vmul.f32 v20, v24;
	v20 =	vmul.f32 v23, v26  }
0x27a: {  	v14 =	vsub.f32 v14, v15;
	v23 =	vpop (erf);
	v22 =	vmul.f32 v22, v27;
	v24 =	vmul.f32 v25, v28  }
0x27b: {  	v16 =	vsub.f32 v16, v17;
	v15 =	vpop (erf);
	v20 =	vmul.f32 $2.500000000e-01, v20;
	v13 =	vmul.f32 $7.500000000e-01, v13  }
0x27c: {  	v29 =	vmovc v3;
	v25 =	vmovc v5;
	v14 =	vand.u32 $0x7FFFFFFF, v14;
	(erf) = vpow2.f32 v18;
	v17 =	vsub.f32 v19, v21  }
0x27d: {  	v5 =	vmul.f32 $7.500000000e-01, v22;
	v3 =	vsub.f32 v20, v13;
	v13 =	vmul.f32 $2.500000000e-01, v24  }
0x27e: {  	v15 =	vmul.f32 v15, v10;
	v18 =	vmul.f32 v23, v9;
	v17 =	vand.u32 $0x7FFFFFFF, v17  }
0x27f: {  	v19 =	vpop (erf);
	v3 =	vmul.f32 v3, v6;
	v5 =	vsub.f32 v5, v13;
	v6 =	vadd.f32 v17, v11  }
0x280: {  	v13 =	vmul.f32 v15, v15;
	v17 =	vmul.f32 v18, v18;
	v11 =	vand.u32 $0x7FFFFFFF, v16  }
0x281: {  	s10 =	sshra.s32 s7, $0x2;
	v12 =	vadd.f32 v3, v12;
	v16 =	vmul.f32 v5, v2;
	v6 =	vadd.f32 v11, v6  }
0x282: {  	v21 =	vadd.f32 $1.000000000e+00, v10;
	v22 =	vadd.f32 $1.000000000e+00, v9;
	v20 =	vmul.f32 $1.428571490e-01, v13;
	v3 =	vld [tilespmem:s10+$0x2400]  }
0x283: {  	v23 =	vmul.f32 $1.428571490e-01, v17;
	v5 =	vld [tilespmem:s10+$0x2000];
	v12 =	vadd.f32 v16, v12;
	v11 =	vadd.f32 v14, v6  }
0x284: {  	v24 =	vand.u32 $0x7FFFFFFF, v8;
	v16 =	vadd.f32 $2.000000030e-01, v20;
	v6 =	vld [tilespmem:s10+$0x3400];
	(erf) = vrcp.f32 v21  }
0x285: {  	v1 =	vadd.f32 v24, v1;
	v20 =	vadd.f32 $2.000000030e-01, v23;
	v8 =	vld [tilespmem:s10+$0x4400];
	v14 =	vpop (erf);
	(erf) = vrcp.f32 v22  }
0x286: {  	v21 =	vmax.f32 v4, $0.0e+00;
	v16 =	vmul.f32 v16, v13  }
0x287: {  	vm0 =	vge.f32 v4, $0.0e+00;
	v20 =	vmul.f32 v20, v17;
	v22 =	vand.u32 $0x7FFFFFFF, v3  }
0x288: {  	v16 =	vadd.f32 $3.333333430e-01, v16;
	v23 =	vand.u32 $0x7FFFFFFF, v5;
	v22 =	vsub.f32 $0.0e+00, v22  }
0x289: {  	vm1 =	vge.f32 v7, $0.0e+00;
	v20 =	vadd.f32 $3.333333430e-01, v20;
	v23 =	vsub.f32 $0.0e+00, v23  }
0x28a: {  	v24 =	vadd.f32 $2.000000000e+00, v19;
	v16 =	vmul.f32 v16, v13;
	v22 =	vmul.f32 $1.442695020e+00, v22  }
0x28b: {  	v27 =	vsel vm1, $0x3F800000, v10;
	v26 =	vadd.f32 $2.000000000e+00, v14;
	v10 =	vmovc v14;
	v17 =	vmul.f32 v20, v17  }
0x28c: {  	v15 =	vadd.f32 v15, v15;
	v28 =	vadd.f32 $1.000000000e+00, v16;
	(erf) = vrcp.f32 v24;
	v13 =	vld [tilespmem:s6+$0x400]  }
0x28d: {  	v18 =	vadd.f32 v18, v18;
	v17 =	vadd.f32 $1.000000000e+00, v17;
	(erf) = vrcp.f32 v26;
	v14 =	vld [tilespmem:s6+$0x3000];
	v20 =	vpop (erf)  }
0x28e: {  	v30 =	vsel vm0, $0x3F800000, v9;
	v24 =	vmul.f32 v28, v15;
	v26 =	vmul.f32 v20, v27;
	v15 =	vld [tilespmem:s6+$0x4000];
	v16 =	vpop (erf)  }
.Ltmp1:
0x28f: {  	v9 =	vmovc v19;
	v20 =	vmax.f32 v7, $0.0e+00;
	v27 =	vmul.f32 v17, v18;
	v28 =	vmul.f32 v16, v30;
	v16 =	vld [tilespmem:s6+$0x2C00];
	(pc) =	sbr.rel @p0 .LBB2_4-.Ltmp1, $4  }
0x290: {  	v18 =	vmul.f32 $1.442695020e+00, v23;
	v20 =	vadd.f32 v24, v20;
	v30 =	vsub.f32 $1.000000000e+00, v26;
	v17 =	vld [tilespmem:s6+$0x3C00]  }
0x291: {  	(erf) = vpow2.f32 v22;
	v22 =	vadd.f32 v27, v21;
	v31 =	vsub.f32 $1.000000000e+00, v28;
	v19 =	vld [tilespmem:s6+$0x2800]  }
0x292: {  	v24 =	vmul.f32 v26, v26;
	v23 =	vsub.f32 v20, v7;
	v7 =	vmovc v25;
	v26 =	vmul.f32 v30, v30;
	v21 =	vld [tilespmem:s6+$0x3800];
	s6 =	smov.u32 s5;
	s5 =	smov.u32 s10  }
0x293: {  	s7 =	sadd.s32 $0x40, s7;
	v27 =	vmul.f32 v28, v28;
	v25 =	vsub.f32 v22, v4;
	v28 =	vmul.f32 v31, v31;
	v4 =	vmovc v29  }
0x294: {  	v23 =	vmul.f32 v23, v26;
	(erf) = vpow2.f32 v18  }
0x295: {  	v57 =	vmul.f32 v20, v24;
	v14 =	vsub.f32 v14, v15;
	v30 =	vadd.f32 $1.000000000e+00, v10  }
0x296: {  	v32 =	vadd.f32 $1.000000000e+00, v9;
	vm0 =	vge.f32 v4, $0.0e+00;
	vm1 =	vge.f32 v7, $0.0e+00  }
0x297: {  	v42 =	vmax.f32 v4, $0.0e+00;
	v45 =	vmax.f32 v7, $0.0e+00;
	vm14 =	vge.f32 v3, $0.0e+00  }
0x298: {  	vm15 =	vge.f32 v5, $0.0e+00;
	v22 =	vmul.f32 v22, v27;
	v59 =	vmul.f32 v25, v28  }
0x299: {  	v58 =	vpop (erf);
	v16 =	vsub.f32 v16, v17;
	v23 =	vmul.f32 $2.500000000e-01, v23;
	v18 =	vmul.f32 $7.500000000e-01, v57  }
0x29a: {  	v13 =	vld.idx.msk [tilespmem:v13+s29+$0x0], $0xffff;
	v39 =	vsel vm1, $0x3F800000, v10;
	v60 =	vpop (erf);
	v20 =	vmul.f32 v58, v9;
	(erf) = vrcp.f32 v30  }
0x29b: {  	v15 =	vmul.f32 v60, v10;
	v61 =	vsub.f32 v19, v21;
	v18 =	vsub.f32 v23, v18  }
0x29c: {  	v62 =	vmul.f32 $7.500000000e-01, v22;
	v63 =	vmul.f32 $2.500000000e-01, v59;
	v16 =	vand.u32 $0x7FFFFFFF, v16  }
0x29d: {  	v29 =	vmul.f32 v20, v20;
	v41 =	vadd.f32 v20, v20;
	v28 =	vmul.f32 v15, v15  }
0x29e: {  	v51 =	vld [tilespmem:s6+$0x3000];
	v17 =	vand.u32 $0x7FFFFFFF, v61;
	v19 =	vsub.f32 v62, v63;
	v15 =	vadd.f32 v15, v15;
	v21 =	vpop (erf)  }
0x29f: {  	v54 =	vld [tilespmem:s6+$0x4000];
	v13 =	vmul.f32 v18, v13;
	v31 =	vmul.f32 $1.428571490e-01, v28;
	v34 =	vadd.f32 $2.000000000e+00, v21;
	v18 =	vpop (erf)  }
0x2a0: {  	v33 =	vmul.f32 $1.428571490e-01, v29;
	(erf) = vrcp.f32 v32;
	v35 =	vadd.f32 $2.000000000e+00, v18  }
0x2a1: {  	v11 =	vadd.f32 v17, v11;
	v17 =	vadd.f32 $2.000000030e-01, v31;
	(erf) = vrcp.f32 v34  }
0x2a2: {  	v56 =	vld [tilespmem:s6+$0x2800];
	v19 =	vmul.f32 v19, v2;
	v26 =	vadd.f32 $2.000000030e-01, v33;
	(erf) = vrcp.f32 v35  }
0x2a3: {  	v59 =	vld [tilespmem:s6+$0x3800];
	v61 =	vadd.f32 $1.000000000e+00, v21;
	v12 =	vadd.f32 v13, v12;
	v17 =	vmul.f32 v17, v28  }
0x2a4: {  	v11 =	vadd.f32 v16, v11;
	v34 =	vsub.f32 v51, v54;
	v36 =	vmul.f32 v26, v29  }
0x2a5: {  	v43 =	vsel vm0, $0x3F800000, v9;
	v12 =	vadd.f32 v19, v12;
	v37 =	vadd.f32 $3.333333430e-01, v17  }
0x2a6: {  	v14 =	vand.u32 $0x7FFFFFFF, v14;
	v58 =	vadd.f32 $1.000000000e+00, v18;
	v40 =	vpop (erf);
	v13 =	vadd.f32 $3.333333430e-01, v36  }
0x2a7: {  	v11 =	vadd.f32 v14, v11;
	v10 =	vmul.f32 v40, v39;
	v38 =	vmul.f32 v37, v28  }
0x2a8: {  	v36 =	vsub.f32 v56, v59;
	(erf) = vrcp.f32 v58;
	v13 =	vmul.f32 v13, v29  }
0x2a9: {  	v46 =	vsub.f32 $1.000000000e+00, v10;
	v10 =	vmul.f32 v10, v10;
	v44 =	vpop (erf);
	v14 =	vadd.f32 $1.000000000e+00, v38  }
0x2aa: {  	v23 =	vand.u32 $0x7FFFFFFF, v36;
	(erf) = vrcp.f32 v61;
	v9 =	vmul.f32 v44, v43;
	v47 =	vpop (erf)  }
0x2ab: {  	v11 =	vadd.f32 v23, v11;
	v14 =	vmul.f32 v14, v15;
	v20 =	vmul.f32 v47, v21;
	v49 =	vpop (erf)  }
0x2ac: {  	v13 =	vadd.f32 $1.000000000e+00, v13;
	v50 =	vmul.f32 v46, v46;
	v15 =	vmul.f32 v49, v18  }
0x2ad: {  	v43 =	vsel vm14, $0x3F800000, v21;
	v14 =	vadd.f32 v14, v45;
	v57 =	vmul.f32 v20, v20  }
0x2ae: {  	v46 =	vmax.f32 v3, $0.0e+00;
	v13 =	vmul.f32 v13, v41;
	v55 =	vmul.f32 v15, v15  }
0x2af: {  	v53 =	vmul.f32 v9, v9;
	v52 =	vsub.f32 v14, v7;
	v32 =	vmul.f32 $1.428571490e-01, v57  }
0x2b0: {  	v48 =	vld [tilespmem:s6+$0x400];
	v9 =	vsub.f32 $1.000000000e+00, v9;
	v10 =	vmul.f32 v14, v10;
	v60 =	vmul.f32 $1.428571490e-01, v55  }
0x2b1: {  	v63 =	vld [tilespmem:s6+$0x2C00];
	v13 =	vadd.f32 v13, v42;
	v7 =	vmul.f32 v52, v50;
	v25 =	vadd.f32 $2.000000030e-01, v32  }
0x2b2: {  	v33 =	vld [tilespmem:s6+$0x3C00];
	v9 =	vmul.f32 v9, v9;
	v10 =	vmul.f32 $7.500000000e-01, v10;
	v27 =	vadd.f32 $2.000000030e-01, v60  }
0x2b3: {  	v38 =	vsel vm15, $0x3F800000, v18;
	v7 =	vmul.f32 $2.500000000e-01, v7;
	v37 =	vmul.f32 v25, v57  }
0x2b4: {  	v40 =	vadd.f32 v20, v20;
	v62 =	vsub.f32 v13, v4;
	v35 =	vmul.f32 v27, v55  }
0x2b5: {  	v45 =	vmax.f32 v5, $0.0e+00;
	v41 =	vpop (erf);
	v7 =	vsub.f32 v7, v10;
	v10 =	vadd.f32 $3.333333430e-01, v37  }
0x2b6: {  	v19 =	vmul.f32 v13, v53;
	v42 =	vmul.f32 v41, v38;
	v17 =	vadd.f32 $3.333333430e-01, v35  }
0x2b7: {  	v54 =	vld [tilespmem:s5+$0x3C00];
	v13 =	vsub.f32 v63, v33;
	v4 =	vmul.f32 v62, v9;
	v10 =	vmul.f32 v10, v57  }
0x2b8: {  	v53 =	vld [tilespmem:s5+$0x2C00];
	v19 =	vmul.f32 $7.500000000e-01, v19;
	v15 =	vadd.f32 v15, v15;
	v14 =	vmul.f32 v17, v55  }
0x2b9: {  	v44 =	vpop (erf);
	v13 =	vand.u32 $0x7FFFFFFF, v13;
	v9 =	vand.u32 $0x7FFFFFFF, v34;
	v10 =	vadd.f32 $1.000000000e+00, v10  }
0x2ba: {  	v22 =	vld.idx.msk [tilespmem:v48+s29+$0x0], $0xffff;
	v16 =	vmul.f32 v44, v43;
	v11 =	vadd.f32 v13, v11;
	v14 =	vadd.f32 $1.000000000e+00, v14  }
0x2bb: {  	v39 =	vld [tilespmem:s5+$0x400];
	v48 =	vsub.f32 $1.000000000e+00, v42;
	v4 =	vmul.f32 $2.500000000e-01, v4;
	v10 =	vmul.f32 v10, v40  }
0x2bc: {  	v50 =	vld [tilespmem:s5+$0x2800];
	v49 =	vsub.f32 $1.000000000e+00, v16;
	v9 =	vadd.f32 v9, v11;
	v14 =	vmul.f32 v14, v15  }
0x2bd: {  	v52 =	vld [tilespmem:s5+$0x3800];
	v20 =	vmul.f32 v48, v48;
	v58 =	vsub.f32 v53, v54;
	v10 =	vadd.f32 v10, v46  }
0x2be: {  	v16 =	vmul.f32 v16, v16;
	v4 =	vsub.f32 v19, v4;
	v14 =	vadd.f32 v14, v45  }
0x2bf: {  	v18 =	vmul.f32 v49, v49;
	v7 =	vmul.f32 v7, v22;
	v3 =	vsub.f32 v10, v3  }
0x2c0: {  	v4 =	vmul.f32 v4, v2;
	v15 =	vmul.f32 v42, v42;
	v51 =	vsub.f32 v14, v5  }
0x2c1: {  	v56 =	vld [tilespmem:s5+$0x4000];
	v7 =	vadd.f32 v7, v12;
	v10 =	vmul.f32 v10, v16;
	v3 =	vmul.f32 v3, v18  }
0x2c2: {  	v47 =	vld [tilespmem:s5+$0x3000];
	v57 =	vsub.f32 v50, v52;
	v14 =	vmul.f32 v14, v15;
	v5 =	vmul.f32 v51, v20  }
0x2c3: {  	v55 =	vld.idx.msk [tilespmem:v39+s29+$0x0], $0xffff;
	v4 =	vadd.f32 v4, v7;
	v10 =	vmul.f32 $7.500000000e-01, v10;
	v3 =	vmul.f32 $2.500000000e-01, v3  }
0x2c4: {  	v7 =	vand.u32 $0x7FFFFFFF, v57;
	v14 =	vmul.f32 $7.500000000e-01, v14;
	v5 =	vmul.f32 $2.500000000e-01, v5  }
0x2c5: {  	v7 =	vadd.f32 v7, v9  }
0x2c6: {  	v60 =	vand.u32 $0x7FFFFFFF, v58;
	v3 =	vsub.f32 v10, v3;
	v5 =	vsub.f32 v5, v14  }
0x2c7: {  	v59 =	vsub.f32 v47, v56;
	v61 =	vadd.f32 v60, v7  }
0x2c8: {  	v2 =	vmul.f32 v3, v2;
	v3 =	vsub.f32 v6, v8;
	v5 =	vmul.f32 v5, v55  }
0x2c9: {  	v62 =	vand.u32 $0x7FFFFFFF, v59  }
0x2ca: {  	v63 =	vadd.f32 v62, v61;
	v3 =	vand.u32 $0x7FFFFFFF, v3;
	v4 =	vadd.f32 v5, v4  }
0x2cb: {  	v1 =	vadd.f32 v3, v1  }
0x2cc: {  	s4 =	sadd.s32 $0x1, s4;
	[tilespmem:$0x4820] =	vst v63;
	v2 =	vadd.f32 v2, v4  }
0x2cd: {  	p0 =	sne.s32 s4, s26;
	[tilespmem:$0x4830] =	vst v1  }
.Ltmp2:
0x2ce: {  	s14 =	simm.s32 $0x4810;
	[tilespmem:$0x4810] =	vst v2;
	(pc) =	sbr.rel @p0 .LBB2_1-.Ltmp2, $4  }
0x2cf: {  	[hbm4b:s23+s1] =	stream.linear.scatter [tilespmem:s14], [sflag:$0x2], $0x30, $0x38;
	[tilespmem:$0x4840] =	vst v63  }
0x2d0: {  	_ =	swait.ge [sflag:s30], $0x30  }
0x2d1: {  	[sflag:s30] =	ssyncset.done $0x0  }
0x2d2: {  	[sflag:s30] =	ssyncadd.s32 $0xFFFFFFD0  }
0x2d3: {  	_ =	sfence.sel $0x180000  }
0x2d4: {  	[bflag:$0x0] =	sbarrier.arrive $0xFFFF  }
0x2d5: {  	_ =	strace $0x90000047  }
0x2d6: {  	s0 =	stileid.u32;
	[bflag:$0x2] =	sbarrier.arrive $0xFFFF  }
0x2d7: {  	p0 =	sne.s32 s0, $0x0;
	s0 =	rddreg [dreg:$0x9]  }
0x2d8: {  	s0 =	sadd.s32 @!p0 $0x100000, s0  }
0x2d9: {  	[sflag:s0] =	ssyncadd.tile.s32 @!p0 $0x1;
	_ =	shalt  }
.Lfunc_end2:
_tile_overlayer_lowered:
.L_overlay_start_2:
0x2da: {  	(tag) =	ssettag $0x2  }
0x2db: {  	s0 =	rddreg [dreg:$0x0];
	s2 =	stileid.u32  }
0x2dc: {  	s1 =	rddreg [dreg:$0x1];
	p0 =	sne.s32 s2, $0x0  }
0x2dd: {  	s3 =	rddreg [dreg:$0x2];
	[bflag:$0x3] =	sbarrier.arrive $0xFFFF;
	s2 =	simm.s32 @!p0 $0x1C02  }
0x2de: {  	[timem:s3], [sflag:s2] =	dma.local @!p0 [hbm:s0], s1  }
0x2df: {  	s0 =	simm.s32 @!p0 $0x2  }
0x2e0: {  	_ =	swait.ge @!p0 [sflag:s0], s1  }
0x2e1: {  	s1 =	ssub.s32 @!p0 $0x0, s1;
	[sflag:s0] =	ssyncset.done @!p0 $0x0  }
0x2e2: {  	[sflag:s0] =	ssyncadd.s32 @!p0 s1  }
0x2e3: {  	[bflag:$0x3] =	sbarrier.arrive $0xFFFF  }
0x2e4: {  	_ =	shalt  }

</sc_bundles>
